<compile_context>
chip_gen: v7x
topology: tpu7x:2x2x1
jax: 0.10.2.dev20260603
libtpu: 0.0.44.dev20260713+nightly
codegen_flags: <defaults>
</compile_context>

<pallas_src>
import functools

import jax
import jax.numpy as jnp
from jax import lax
from jax.experimental import pallas as pl
from jax.experimental.pallas import tpu as pltpu
from jax.experimental.pallas import tpu_sc as plsc

N_TOK = 8192
D_MODEL = 2048
N_EXP = 64
LANES = 16
N_WORKERS = 32
TPW = N_TOK // N_WORKERS
TOK_BLK = 1024


def _logits_body(w_ref, hs_ref, out_ref):
    out_ref[...] = lax.dot_general(
        w_ref[...], hs_ref[...],
        dimension_numbers=(((1,), (1,)), ((), ())),
        preferred_element_type=jnp.float32,
    )


def _compute_logits_t(hidden_states, weight):
    return pl.pallas_call(
        _logits_body,
        grid=(N_TOK // TOK_BLK,),
        in_specs=[
            pl.BlockSpec((N_EXP, D_MODEL), lambda i: (0, 0)),
            pl.BlockSpec((TOK_BLK, D_MODEL), lambda i: (i, 0)),
        ],
        out_specs=pl.BlockSpec((N_EXP, TOK_BLK), lambda i: (0, i)),
        out_shape=jax.ShapeDtypeStruct((N_EXP, N_TOK), jnp.float32),
    )(weight, hidden_states)


_SC_MESH = plsc.VectorSubcoreMesh(core_axis_name="c", subcore_axis_name="s")


def _top2_stream(ltile, off):
    m1 = ltile[0, pl.ds(off, LANES)]
    i1 = jnp.zeros((LANES,), jnp.int32)
    m2 = jnp.full((LANES,), -jnp.inf, jnp.float32)
    i2 = i1
    for e in range(1, N_EXP):
        v = ltile[e, pl.ds(off, LANES)]
        ev = jnp.full((LANES,), e, jnp.int32)
        gt1 = v > m1
        gt2 = v > m2
        nm2 = jnp.where(gt1, m1, jnp.where(gt2, v, m2))
        ni2 = jnp.where(gt1, i1, jnp.where(gt2, ev, i2))
        m1 = jnp.where(gt1, v, m1)
        i1 = jnp.where(gt1, ev, i1)
        m2 = nm2
        i2 = ni2
    return m1, i1, m2, i2


@functools.partial(
    pl.kernel,
    out_type=(
        jax.ShapeDtypeStruct((N_TOK, 2), jnp.int32),
        jax.ShapeDtypeStruct((N_TOK, 2), jnp.float32),
    ),
    mesh=_SC_MESH,
    compiler_params=pltpu.CompilerParams(needs_layout_passes=False),
    scratch_types=[
        pltpu.VMEM((N_EXP, TPW), jnp.float32),
        pltpu.VMEM((TPW, 2), jnp.int32),
        pltpu.VMEM((TPW, 2), jnp.float32),
    ],
)
def _route_sc(logits_hbm, idx_hbm, w_hbm, ltile, idxv, wv):
    wid = lax.axis_index("s") * 2 + lax.axis_index("c")
    base = wid * TPW
    pltpu.sync_copy(logits_hbm.at[:, pl.ds(base, TPW)], ltile)

    lanes = lax.iota(jnp.int32, LANES)
    col0 = jnp.zeros((LANES,), jnp.int32)
    col1 = col0 + 1

    def emit(tok, m1, i1, m2, i2):
        ed = jnp.exp(m2 - m1)
        s = ed + 1.0
        plsc.store_scatter(idxv, [tok, col0], i1)
        plsc.store_scatter(idxv, [tok, col1], i2)
        plsc.store_scatter(wv, [tok, col0], 1.0 / s)
        plsc.store_scatter(wv, [tok, col1], ed / s)

    def per_pair(p, carry):
        off_a = p * (2 * LANES)
        off_b = off_a + LANES
        ra = _top2_stream(ltile, off_a)
        rb = _top2_stream(ltile, off_b)
        emit(off_a + lanes, *ra)
        emit(off_b + lanes, *rb)
        return carry

    lax.fori_loop(0, TPW // (2 * LANES), per_pair, 0)

    pltpu.sync_copy(idxv, idx_hbm.at[pl.ds(base, TPW), :])
    pltpu.sync_copy(wv, w_hbm.at[pl.ds(base, TPW), :])


def kernel(hidden_states, weight):
    logits_t = _compute_logits_t(hidden_states, weight)
    topk_idx, topk_weight = _route_sc(logits_t)
    return topk_idx, topk_weight

# --- scband reference (transcript-rebuilt; emitter-appended) ---
"""Pipeline reference for scband-mo-egate-35476429865906 (READ-ONLY COPY).

The authoritative reference and input builder live on the scoring server;
editing this copy changes nothing except your own understanding.
"""

import jax, jax.numpy as jnp
import numpy as np

N_TOKENS = 8192
D_MODEL = 2048
N_EXPERTS = 64
TOP_K = 2

def setup_inputs(seed: int = 0) -> dict:
    key = jax.random.key(seed)
    k1, k2 = jax.random.split(key)
    hidden_states = jax.random.normal(k1, (N_TOKENS, D_MODEL), dtype=jnp.float32)
    # kaiming_uniform_(a=sqrt(5)) on [E, fan_in] -> bound = 1/sqrt(fan_in)
    bound = 1.0 / np.sqrt(D_MODEL)
    weight = jax.random.uniform(k2, (N_EXPERTS, D_MODEL), dtype=jnp.float32, minval=-bound, maxval=bound)
    return {"hidden_states": hidden_states, "weight": weight}

def reference(hidden_states, weight):
    # logits = hidden_states @ weight.T  (F.linear with no bias)
    logits = jnp.dot(hidden_states, weight.T)
    scores = jax.nn.softmax(logits, axis=-1)
    topk_weight, topk_idx = jax.lax.top_k(scores, TOP_K)
    # norm_topk_prob=True and top_k > 1
    denominator = jnp.sum(topk_weight, axis=-1, keepdims=True) + 1e-20
    topk_weight = topk_weight / denominator
    # eval mode: aux_loss is None; return indices and normalized weights
    return (topk_idx, topk_weight)

if __name__ == "__main__":
    import jax
    _d = setup_inputs()
    print(jax.jit(kernel)(*tuple(_d.values())))

</pallas_src>

<mosaic_0001>
#map = affine_map<(d0, d1) -> (0, 0)>
module attributes {stable_mosaic.version = 14 : i64} {
  func.func @_route_sc(%arg0: i32, %arg1: i32, %arg2: memref<64x8192xf32, #tpu.memory_space<hbm>>, %arg3: memref<8192x2xi32, #tpu.memory_space<hbm>>, %arg4: memref<8192x2xf32, #tpu.memory_space<hbm>>, %arg5: memref<64x256xf32, #tpu.memory_space<vmem>>, %arg6: memref<256x2xi32, #tpu.memory_space<vmem>>, %arg7: memref<256x2xf32, #tpu.memory_space<vmem>>) attributes {dimension_semantics = [#tpu.dimension_semantics<core_parallel>, #tpu.dimension_semantics<subcore_parallel>], iteration_bounds = array<i64: 2, 16>, scalar_prefetch = 0 : i64, scratch_operands = 3 : i64, tpu.core_type = #tpu.core_type<sc_vector_subcore>, window_params = [{transform_indices = #map}, {transform_indices = #map}, {transform_indices = #map}]} {
    %mul3A = arith.constant 2 : i32
    %mul3A_0 = arith.muli %arg1, %mul3A : i32
    %add3A = arith.addi %mul3A_0, %arg0 : i32
    %mul3A_1 = arith.constant 256 : i32
    %mul3A_2 = arith.muli %add3A, %mul3A_1 : i32
    "tpu.region"() ({
      %run_scoped3A = tpu.sem_alloc : memref<!tpu.dma_semaphore, #tpu.memory_space<semaphore_mem>>
      %dma_start3A = arith.constant 0 : i32
      %dma_start3A_12 = tpu.memref_slice %arg2[%dma_start3A, %mul3A_2] : memref<64x8192xf32, #tpu.memory_space<hbm>> -> memref<64x256xf32, #tpu.memory_space<hbm>>
      %dma_start3A_13 = arith.constant 0 : i32
      %dma_start3A_14 = tpu.memref_slice %arg2[%dma_start3A_13, %mul3A_2] : memref<64x8192xf32, #tpu.memory_space<hbm>> -> memref<64x256xf32, #tpu.memory_space<hbm>>
      tpu.enqueue_dma source(%dma_start3A_14 : memref<64x256xf32, #tpu.memory_space<hbm>>) target(%arg5 : memref<64x256xf32, #tpu.memory_space<vmem>>) target_semaphore(%run_scoped3A : memref<!tpu.dma_semaphore, #tpu.memory_space<semaphore_mem>>)
      %dma_wait3A = arith.constant 0 : i32
      %dma_wait3A_15 = tpu.memref_slice %arg2[%dma_wait3A, %mul3A_2] : memref<64x8192xf32, #tpu.memory_space<hbm>> -> memref<64x256xf32, #tpu.memory_space<hbm>>
      %dma_wait3A_16 = arith.constant 0 : i32
      %dma_wait3A_17 = tpu.memref_slice %arg2[%dma_wait3A_16, %mul3A_2] : memref<64x8192xf32, #tpu.memory_space<hbm>> -> memref<64x256xf32, #tpu.memory_space<hbm>>
      tpu.wait_dma2 semaphore(%run_scoped3A : memref<!tpu.dma_semaphore, #tpu.memory_space<semaphore_mem>>) src(%dma_wait3A_17 : memref<64x256xf32, #tpu.memory_space<hbm>>) dst(%arg5 : memref<64x256xf32, #tpu.memory_space<vmem>>)
      tpu.yield
    }) : () -> ()
    %iota3A = tpu.iota {dimensions = array<i32: 0>} : vector<16xi32>
    %broadcast_in_dim3A = arith.constant 0 : i32
    %broadcast_in_dim3A_3 = vector.broadcast %broadcast_in_dim3A : i32 to vector<16xi32>
    %add3A_4 = arith.constant 1 : i32
    %add3A_5 = vector.broadcast %add3A_4 : i32 to vector<16xi32>
    %add3A_6 = arith.addi %broadcast_in_dim3A_3, %add3A_5 : vector<16xi32>
    %scan3A = arith.constant 0 : i32
    %scan3A_7 = arith.constant 0 : i32
    %scan3A_8 = arith.constant 8 : i32
    %scan3A_9 = arith.addi %scan3A_7, %scan3A_8 : i32
    %scan3A_10 = arith.constant 1 : i32
    scf.for %scan3A_12 = %scan3A_7 to %scan3A_9 step %scan3A_10  : i32 {
      %mul3A_13 = arith.constant 32 : i32
      %mul3A_14 = arith.muli %scan3A_12, %mul3A_13 : i32
      %add3A_15 = arith.constant 16 : i32
      %add3A_16 = arith.addi %mul3A_14, %add3A_15 : i32
      %get3A = arith.constant 0 : i32
      %get3A_17 = arith.index_cast %get3A : i32 to index
      %get3A_18 = arith.index_cast %mul3A_14 : i32 to index
      %get3A_19 = tpu.vector_load %arg5[%get3A_17, %get3A_18] {strides = array<i32>} : memref<64x256xf32, #tpu.memory_space<vmem>>, vector<16xf32>,
      %broadcast_in_dim3A_20 = arith.constant 0 : i32
      %broadcast_in_dim3A_21 = vector.broadcast %broadcast_in_dim3A_20 : i32 to vector<16xi32>
      %broadcast_in_dim3A_22 = arith.constant 0xFF800000 : f32
      %broadcast_in_dim3A_23 = vector.broadcast %broadcast_in_dim3A_22 : f32 to vector<16xf32>
      %get3A_24 = arith.constant 1 : i32
      %get3A_25 = arith.index_cast %get3A_24 : i32 to index
      %get3A_26 = arith.index_cast %mul3A_14 : i32 to index
      %get3A_27 = tpu.vector_load %arg5[%get3A_25, %get3A_26] {strides = array<i32>} : memref<64x256xf32, #tpu.memory_space<vmem>>, vector<16xf32>,
      %broadcast_in_dim3A_28 = arith.constant 1 : i32
      %broadcast_in_dim3A_29 = vector.broadcast %broadcast_in_dim3A_28 : i32 to vector<16xi32>
      %gt3A = arith.cmpf ogt, %get3A_27, %get3A_19 : vector<16xf32>
      %gt3A_30 = arith.cmpf ogt, %get3A_27, %broadcast_in_dim3A_23 : vector<16xf32>
      %select_n3A = arith.select %gt3A_30, %get3A_27, %broadcast_in_dim3A_23 : vector<16xi1>, vector<16xf32>
      %select_n3A_31 = arith.select %gt3A, %get3A_19, %select_n3A : vector<16xi1>, vector<16xf32>
      %select_n3A_32 = arith.select %gt3A_30, %broadcast_in_dim3A_29, %broadcast_in_dim3A_21 : vector<16xi1>, vector<16xi32>
      %select_n3A_33 = arith.select %gt3A, %broadcast_in_dim3A_21, %select_n3A_32 : vector<16xi1>, vector<16xi32>
      %select_n3A_34 = arith.select %gt3A, %get3A_27, %get3A_19 : vector<16xi1>, vector<16xf32>
      %select_n3A_35 = arith.select %gt3A, %broadcast_in_dim3A_29, %broadcast_in_dim3A_21 : vector<16xi1>, vector<16xi32>
      %get3A_36 = arith.constant 2 : i32
      %get3A_37 = arith.index_cast %get3A_36 : i32 to index
      %get3A_38 = arith.index_cast %mul3A_14 : i32 to index
      %get3A_39 = tpu.vector_load %arg5[%get3A_37, %get3A_38] {strides = array<i32>} : memref<64x256xf32, #tpu.memory_space<vmem>>, vector<16xf32>,
      %broadcast_in_dim3A_40 = arith.constant 2 : i32
      %broadcast_in_dim3A_41 = vector.broadcast %broadcast_in_dim3A_40 : i32 to vector<16xi32>
      %gt3A_42 = arith.cmpf ogt, %get3A_39, %select_n3A_34 : vector<16xf32>
      %gt3A_43 = arith.cmpf ogt, %get3A_39, %select_n3A_31 : vector<16xf32>
      %select_n3A_44 = arith.select %gt3A_43, %get3A_39, %select_n3A_31 : vector<16xi1>, vector<16xf32>
      %select_n3A_45 = arith.select %gt3A_42, %select_n3A_34, %select_n3A_44 : vector<16xi1>, vector<16xf32>
      %select_n3A_46 = arith.select %gt3A_43, %broadcast_in_dim3A_41, %select_n3A_33 : vector<16xi1>, vector<16xi32>
      %select_n3A_47 = arith.select %gt3A_42, %select_n3A_35, %select_n3A_46 : vector<16xi1>, vector<16xi32>
      %select_n3A_48 = arith.select %gt3A_42, %get3A_39, %select_n3A_34 : vector<16xi1>, vector<16xf32>
      %select_n3A_49 = arith.select %gt3A_42, %broadcast_in_dim3A_41, %select_n3A_35 : vector<16xi1>, vector<16xi32>
      %get3A_50 = arith.constant 3 : i32
      %get3A_51 = arith.index_cast %get3A_50 : i32 to index
      %get3A_52 = arith.index_cast %mul3A_14 : i32 to index
      %get3A_53 = tpu.vector_load %arg5[%get3A_51, %get3A_52] {strides = array<i32>} : memref<64x256xf32, #tpu.memory_space<vmem>>, vector<16xf32>,
      %broadcast_in_dim3A_54 = arith.constant 3 : i32
      %broadcast_in_dim3A_55 = vector.broadcast %broadcast_in_dim3A_54 : i32 to vector<16xi32>
      %gt3A_56 = arith.cmpf ogt, %get3A_53, %select_n3A_48 : vector<16xf32>
      %gt3A_57 = arith.cmpf ogt, %get3A_53, %select_n3A_45 : vector<16xf32>
      %select_n3A_58 = arith.select %gt3A_57, %get3A_53, %select_n3A_45 : vector<16xi1>, vector<16xf32>
      %select_n3A_59 = arith.select %gt3A_56, %select_n3A_48, %select_n3A_58 : vector<16xi1>, vector<16xf32>
      %select_n3A_60 = arith.select %gt3A_57, %broadcast_in_dim3A_55, %select_n3A_47 : vector<16xi1>, vector<16xi32>
      %select_n3A_61 = arith.select %gt3A_56, %select_n3A_49, %select_n3A_60 : vector<16xi1>, vector<16xi32>
      %select_n3A_62 = arith.select %gt3A_56, %get3A_53, %select_n3A_48 : vector<16xi1>, vector<16xf32>
      %select_n3A_63 = arith.select %gt3A_56, %broadcast_in_dim3A_55, %select_n3A_49 : vector<16xi1>, vector<16xi32>
      %get3A_64 = arith.constant 4 : i32
      %get3A_65 = arith.index_cast %get3A_64 : i32 to index
      %get3A_66 = arith.index_cast %mul3A_14 : i32 to index
      %get3A_67 = tpu.vector_load %arg5[%get3A_65, %get3A_66] {strides = array<i32>} : memref<64x256xf32, #tpu.memory_space<vmem>>, vector<16xf32>,
      %broadcast_in_dim3A_68 = arith.constant 4 : i32
      %broadcast_in_dim3A_69 = vector.broadcast %broadcast_in_dim3A_68 : i32 to vector<16xi32>
      %gt3A_70 = arith.cmpf ogt, %get3A_67, %select_n3A_62 : vector<16xf32>
      %gt3A_71 = arith.cmpf ogt, %get3A_67, %select_n3A_59 : vector<16xf32>
      %select_n3A_72 = arith.select %gt3A_71, %get3A_67, %select_n3A_59 : vector<16xi1>, vector<16xf32>
      %select_n3A_73 = arith.select %gt3A_70, %select_n3A_62, %select_n3A_72 : vector<16xi1>, vector<16xf32>
      %select_n3A_74 = arith.select %gt3A_71, %broadcast_in_dim3A_69, %select_n3A_61 : vector<16xi1>, vector<16xi32>
      %select_n3A_75 = arith.select %gt3A_70, %select_n3A_63, %select_n3A_74 : vector<16xi1>, vector<16xi32>
      %select_n3A_76 = arith.select %gt3A_70, %get3A_67, %select_n3A_62 : vector<16xi1>, vector<16xf32>
      %select_n3A_77 = arith.select %gt3A_70, %broadcast_in_dim3A_69, %select_n3A_63 : vector<16xi1>, vector<16xi32>
      %get3A_78 = arith.constant 5 : i32
      %get3A_79 = arith.index_cast %get3A_78 : i32 to index
      %get3A_80 = arith.index_cast %mul3A_14 : i32 to index
      %get3A_81 = tpu.vector_load %arg5[%get3A_79, %get3A_80] {strides = array<i32>} : memref<64x256xf32, #tpu.memory_space<vmem>>, vector<16xf32>,
      %broadcast_in_dim3A_82 = arith.constant 5 : i32
      %broadcast_in_dim3A_83 = vector.broadcast %broadcast_in_dim3A_82 : i32 to vector<16xi32>
      %gt3A_84 = arith.cmpf ogt, %get3A_81, %select_n3A_76 : vector<16xf32>
      %gt3A_85 = arith.cmpf ogt, %get3A_81, %select_n3A_73 : vector<16xf32>
      %select_n3A_86 = arith.select %gt3A_85, %get3A_81, %select_n3A_73 : vector<16xi1>, vector<16xf32>
      %select_n3A_87 = arith.select %gt3A_84, %select_n3A_76, %select_n3A_86 : vector<16xi1>, vector<16xf32>
      %select_n3A_88 = arith.select %gt3A_85, %broadcast_in_dim3A_83, %select_n3A_75 : vector<16xi1>, vector<16xi32>
      %select_n3A_89 = arith.select %gt3A_84, %select_n3A_77, %select_n3A_88 : vector<16xi1>, vector<16xi32>
      %select_n3A_90 = arith.select %gt3A_84, %get3A_81, %select_n3A_76 : vector<16xi1>, vector<16xf32>
      %select_n3A_91 = arith.select %gt3A_84, %broadcast_in_dim3A_83, %select_n3A_77 : vector<16xi1>, vector<16xi32>
      %get3A_92 = arith.constant 6 : i32
      %get3A_93 = arith.index_cast %get3A_92 : i32 to index
      %get3A_94 = arith.index_cast %mul3A_14 : i32 to index
      %get3A_95 = tpu.vector_load %arg5[%get3A_93, %get3A_94] {strides = array<i32>} : memref<64x256xf32, #tpu.memory_space<vmem>>, vector<16xf32>,
      %broadcast_in_dim3A_96 = arith.constant 6 : i32
      %broadcast_in_dim3A_97 = vector.broadcast %broadcast_in_dim3A_96 : i32 to vector<16xi32>
      %gt3A_98 = arith.cmpf ogt, %get3A_95, %select_n3A_90 : vector<16xf32>
      %gt3A_99 = arith.cmpf ogt, %get3A_95, %select_n3A_87 : vector<16xf32>
      %select_n3A_100 = arith.select %gt3A_99, %get3A_95, %select_n3A_87 : vector<16xi1>, vector<16xf32>
      %select_n3A_101 = arith.select %gt3A_98, %select_n3A_90, %select_n3A_100 : vector<16xi1>, vector<16xf32>
      %select_n3A_102 = arith.select %gt3A_99, %broadcast_in_dim3A_97, %select_n3A_89 : vector<16xi1>, vector<16xi32>
      %select_n3A_103 = arith.select %gt3A_98, %select_n3A_91, %select_n3A_102 : vector<16xi1>, vector<16xi32>
      %select_n3A_104 = arith.select %gt3A_98, %get3A_95, %select_n3A_90 : vector<16xi1>, vector<16xf32>
      %select_n3A_105 = arith.select %gt3A_98, %broadcast_in_dim3A_97, %select_n3A_91 : vector<16xi1>, vector<16xi32>
      %get3A_106 = arith.constant 7 : i32
      %get3A_107 = arith.index_cast %get3A_106 : i32 to index
      %get3A_108 = arith.index_cast %mul3A_14 : i32 to index
      %get3A_109 = tpu.vector_load %arg5[%get3A_107, %get3A_108] {strides = array<i32>} : memref<64x256xf32, #tpu.memory_space<vmem>>, vector<16xf32>,
      %broadcast_in_dim3A_110 = arith.constant 7 : i32
      %broadcast_in_dim3A_111 = vector.broadcast %broadcast_in_dim3A_110 : i32 to vector<16xi32>
      %gt3A_112 = arith.cmpf ogt, %get3A_109, %select_n3A_104 : vector<16xf32>
      %gt3A_113 = arith.cmpf ogt, %get3A_109, %select_n3A_101 : vector<16xf32>
      %select_n3A_114 = arith.select %gt3A_113, %get3A_109, %select_n3A_101 : vector<16xi1>, vector<16xf32>
      %select_n3A_115 = arith.select %gt3A_112, %select_n3A_104, %select_n3A_114 : vector<16xi1>, vector<16xf32>
      %select_n3A_116 = arith.select %gt3A_113, %broadcast_in_dim3A_111, %select_n3A_103 : vector<16xi1>, vector<16xi32>
      %select_n3A_117 = arith.select %gt3A_112, %select_n3A_105, %select_n3A_116 : vector<16xi1>, vector<16xi32>
      %select_n3A_118 = arith.select %gt3A_112, %get3A_109, %select_n3A_104 : vector<16xi1>, vector<16xf32>
      %select_n3A_119 = arith.select %gt3A_112, %broadcast_in_dim3A_111, %select_n3A_105 : vector<16xi1>, vector<16xi32>
      %get3A_120 = arith.constant 8 : i32
      %get3A_121 = arith.index_cast %get3A_120 : i32 to index
      %get3A_122 = arith.index_cast %mul3A_14 : i32 to index
      %get3A_123 = tpu.vector_load %arg5[%get3A_121, %get3A_122] {strides = array<i32>} : memref<64x256xf32, #tpu.memory_space<vmem>>, vector<16xf32>,
      %broadcast_in_dim3A_124 = arith.constant 8 : i32
      %broadcast_in_dim3A_125 = vector.broadcast %broadcast_in_dim3A_124 : i32 to vector<16xi32>
      %gt3A_126 = arith.cmpf ogt, %get3A_123, %select_n3A_118 : vector<16xf32>
      %gt3A_127 = arith.cmpf ogt, %get3A_123, %select_n3A_115 : vector<16xf32>
      %select_n3A_128 = arith.select %gt3A_127, %get3A_123, %select_n3A_115 : vector<16xi1>, vector<16xf32>
      %select_n3A_129 = arith.select %gt3A_126, %select_n3A_118, %select_n3A_128 : vector<16xi1>, vector<16xf32>
      %select_n3A_130 = arith.select %gt3A_127, %broadcast_in_dim3A_125, %select_n3A_117 : vector<16xi1>, vector<16xi32>
      %select_n3A_131 = arith.select %gt3A_126, %select_n3A_119, %select_n3A_130 : vector<16xi1>, vector<16xi32>
      %select_n3A_132 = arith.select %gt3A_126, %get3A_123, %select_n3A_118 : vector<16xi1>, vector<16xf32>
      %select_n3A_133 = arith.select %gt3A_126, %broadcast_in_dim3A_125, %select_n3A_119 : vector<16xi1>, vector<16xi32>
      %get3A_134 = arith.constant 9 : i32
      %get3A_135 = arith.index_cast %get3A_134 : i32 to index
      %get3A_136 = arith.index_cast %mul3A_14 : i32 to index
      %get3A_137 = tpu.vector_load %arg5[%get3A_135, %get3A_136] {strides = array<i32>} : memref<64x256xf32, #tpu.memory_space<vmem>>, vector<16xf32>,
      %broadcast_in_dim3A_138 = arith.constant 9 : i32
      %broadcast_in_dim3A_139 = vector.broadcast %broadcast_in_dim3A_138 : i32 to vector<16xi32>
      %gt3A_140 = arith.cmpf ogt, %get3A_137, %select_n3A_132 : vector<16xf32>
      %gt3A_141 = arith.cmpf ogt, %get3A_137, %select_n3A_129 : vector<16xf32>
      %select_n3A_142 = arith.select %gt3A_141, %get3A_137, %select_n3A_129 : vector<16xi1>, vector<16xf32>
      %select_n3A_143 = arith.select %gt3A_140, %select_n3A_132, %select_n3A_142 : vector<16xi1>, vector<16xf32>
      %select_n3A_144 = arith.select %gt3A_141, %broadcast_in_dim3A_139, %select_n3A_131 : vector<16xi1>, vector<16xi32>
      %select_n3A_145 = arith.select %gt3A_140, %select_n3A_133, %select_n3A_144 : vector<16xi1>, vector<16xi32>
      %select_n3A_146 = arith.select %gt3A_140, %get3A_137, %select_n3A_132 : vector<16xi1>, vector<16xf32>
      %select_n3A_147 = arith.select %gt3A_140, %broadcast_in_dim3A_139, %select_n3A_133 : vector<16xi1>, vector<16xi32>
      %get3A_148 = arith.constant 10 : i32
      %get3A_149 = arith.index_cast %get3A_148 : i32 to index
      %get3A_150 = arith.index_cast %mul3A_14 : i32 to index
      %get3A_151 = tpu.vector_load %arg5[%get3A_149, %get3A_150] {strides = array<i32>} : memref<64x256xf32, #tpu.memory_space<vmem>>, vector<16xf32>,
      %broadcast_in_dim3A_152 = arith.constant 10 : i32
      %broadcast_in_dim3A_153 = vector.broadcast %broadcast_in_dim3A_152 : i32 to vector<16xi32>
      %gt3A_154 = arith.cmpf ogt, %get3A_151, %select_n3A_146 : vector<16xf32>
      %gt3A_155 = arith.cmpf ogt, %get3A_151, %select_n3A_143 : vector<16xf32>
      %select_n3A_156 = arith.select %gt3A_155, %get3A_151, %select_n3A_143 : vector<16xi1>, vector<16xf32>
      %select_n3A_157 = arith.select %gt3A_154, %select_n3A_146, %select_n3A_156 : vector<16xi1>, vector<16xf32>
      %select_n3A_158 = arith.select %gt3A_155, %broadcast_in_dim3A_153, %select_n3A_145 : vector<16xi1>, vector<16xi32>
      %select_n3A_159 = arith.select %gt3A_154, %select_n3A_147, %select_n3A_158 : vector<16xi1>, vector<16xi32>
      %select_n3A_160 = arith.select %gt3A_154, %get3A_151, %select_n3A_146 : vector<16xi1>, vector<16xf32>
      %select_n3A_161 = arith.select %gt3A_154, %broadcast_in_dim3A_153, %select_n3A_147 : vector<16xi1>, vector<16xi32>
      %get3A_162 = arith.constant 11 : i32
      %get3A_163 = arith.index_cast %get3A_162 : i32 to index
      %get3A_164 = arith.index_cast %mul3A_14 : i32 to index
      %get3A_165 = tpu.vector_load %arg5[%get3A_163, %get3A_164] {strides = array<i32>} : memref<64x256xf32, #tpu.memory_space<vmem>>, vector<16xf32>,
      %broadcast_in_dim3A_166 = arith.constant 11 : i32
      %broadcast_in_dim3A_167 = vector.broadcast %broadcast_in_dim3A_166 : i32 to vector<16xi32>
      %gt3A_168 = arith.cmpf ogt, %get3A_165, %select_n3A_160 : vector<16xf32>
      %gt3A_169 = arith.cmpf ogt, %get3A_165, %select_n3A_157 : vector<16xf32>
      %select_n3A_170 = arith.select %gt3A_169, %get3A_165, %select_n3A_157 : vector<16xi1>, vector<16xf32>
      %select_n3A_171 = arith.select %gt3A_168, %select_n3A_160, %select_n3A_170 : vector<16xi1>, vector<16xf32>
      %select_n3A_172 = arith.select %gt3A_169, %broadcast_in_dim3A_167, %select_n3A_159 : vector<16xi1>, vector<16xi32>
      %select_n3A_173 = arith.select %gt3A_168, %select_n3A_161, %select_n3A_172 : vector<16xi1>, vector<16xi32>
      %select_n3A_174 = arith.select %gt3A_168, %get3A_165, %select_n3A_160 : vector<16xi1>, vector<16xf32>
      %select_n3A_175 = arith.select %gt3A_168, %broadcast_in_dim3A_167, %select_n3A_161 : vector<16xi1>, vector<16xi32>
      %get3A_176 = arith.constant 12 : i32
      %get3A_177 = arith.index_cast %get3A_176 : i32 to index
      %get3A_178 = arith.index_cast %mul3A_14 : i32 to index
      %get3A_179 = tpu.vector_load %arg5[%get3A_177, %get3A_178] {strides = array<i32>} : memref<64x256xf32, #tpu.memory_space<vmem>>, vector<16xf32>,
      %broadcast_in_dim3A_180 = arith.constant 12 : i32
      %broadcast_in_dim3A_181 = vector.broadcast %broadcast_in_dim3A_180 : i32 to vector<16xi32>
      %gt3A_182 = arith.cmpf ogt, %get3A_179, %select_n3A_174 : vector<16xf32>
      %gt3A_183 = arith.cmpf ogt, %get3A_179, %select_n3A_171 : vector<16xf32>
      %select_n3A_184 = arith.select %gt3A_183, %get3A_179, %select_n3A_171 : vector<16xi1>, vector<16xf32>
      %select_n3A_185 = arith.select %gt3A_182, %select_n3A_174, %select_n3A_184 : vector<16xi1>, vector<16xf32>
      %select_n3A_186 = arith.select %gt3A_183, %broadcast_in_dim3A_181, %select_n3A_173 : vector<16xi1>, vector<16xi32>
      %select_n3A_187 = arith.select %gt3A_182, %select_n3A_175, %select_n3A_186 : vector<16xi1>, vector<16xi32>
      %select_n3A_188 = arith.select %gt3A_182, %get3A_179, %select_n3A_174 : vector<16xi1>, vector<16xf32>
      %select_n3A_189 = arith.select %gt3A_182, %broadcast_in_dim3A_181, %select_n3A_175 : vector<16xi1>, vector<16xi32>
      %get3A_190 = arith.constant 13 : i32
      %get3A_191 = arith.index_cast %get3A_190 : i32 to index
      %get3A_192 = arith.index_cast %mul3A_14 : i32 to index
      %get3A_193 = tpu.vector_load %arg5[%get3A_191, %get3A_192] {strides = array<i32>} : memref<64x256xf32, #tpu.memory_space<vmem>>, vector<16xf32>,
      %broadcast_in_dim3A_194 = arith.constant 13 : i32
      %broadcast_in_dim3A_195 = vector.broadcast %broadcast_in_dim3A_194 : i32 to vector<16xi32>
      %gt3A_196 = arith.cmpf ogt, %get3A_193, %select_n3A_188 : vector<16xf32>
      %gt3A_197 = arith.cmpf ogt, %get3A_193, %select_n3A_185 : vector<16xf32>
      %select_n3A_198 = arith.select %gt3A_197, %get3A_193, %select_n3A_185 : vector<16xi1>, vector<16xf32>
      %select_n3A_199 = arith.select %gt3A_196, %select_n3A_188, %select_n3A_198 : vector<16xi1>, vector<16xf32>
      %select_n3A_200 = arith.select %gt3A_197, %broadcast_in_dim3A_195, %select_n3A_187 : vector<16xi1>, vector<16xi32>
      %select_n3A_201 = arith.select %gt3A_196, %select_n3A_189, %select_n3A_200 : vector<16xi1>, vector<16xi32>
      %select_n3A_202 = arith.select %gt3A_196, %get3A_193, %select_n3A_188 : vector<16xi1>, vector<16xf32>
      %select_n3A_203 = arith.select %gt3A_196, %broadcast_in_dim3A_195, %select_n3A_189 : vector<16xi1>, vector<16xi32>
      %get3A_204 = arith.constant 14 : i32
      %get3A_205 = arith.index_cast %get3A_204 : i32 to index
      %get3A_206 = arith.index_cast %mul3A_14 : i32 to index
      %get3A_207 = tpu.vector_load %arg5[%get3A_205, %get3A_206] {strides = array<i32>} : memref<64x256xf32, #tpu.memory_space<vmem>>, vector<16xf32>,
      %broadcast_in_dim3A_208 = arith.constant 14 : i32
      %broadcast_in_dim3A_209 = vector.broadcast %broadcast_in_dim3A_208 : i32 to vector<16xi32>
      %gt3A_210 = arith.cmpf ogt, %get3A_207, %select_n3A_202 : vector<16xf32>
      %gt3A_211 = arith.cmpf ogt, %get3A_207, %select_n3A_199 : vector<16xf32>
      %select_n3A_212 = arith.select %gt3A_211, %get3A_207, %select_n3A_199 : vector<16xi1>, vector<16xf32>
      %select_n3A_213 = arith.select %gt3A_210, %select_n3A_202, %select_n3A_212 : vector<16xi1>, vector<16xf32>
      %select_n3A_214 = arith.select %gt3A_211, %broadcast_in_dim3A_209, %select_n3A_201 : vector<16xi1>, vector<16xi32>
      %select_n3A_215 = arith.select %gt3A_210, %select_n3A_203, %select_n3A_214 : vector<16xi1>, vector<16xi32>
      %select_n3A_216 = arith.select %gt3A_210, %get3A_207, %select_n3A_202 : vector<16xi1>, vector<16xf32>
      %select_n3A_217 = arith.select %gt3A_210, %broadcast_in_dim3A_209, %select_n3A_203 : vector<16xi1>, vector<16xi32>
      %get3A_218 = arith.constant 15 : i32
      %get3A_219 = arith.index_cast %get3A_218 : i32 to index
      %get3A_220 = arith.index_cast %mul3A_14 : i32 to index
      %get3A_221 = tpu.vector_load %arg5[%get3A_219, %get3A_220] {strides = array<i32>} : memref<64x256xf32, #tpu.memory_space<vmem>>, vector<16xf32>,
      %broadcast_in_dim3A_222 = arith.constant 15 : i32
      %broadcast_in_dim3A_223 = vector.broadcast %broadcast_in_dim3A_222 : i32 to vector<16xi32>
      %gt3A_224 = arith.cmpf ogt, %get3A_221, %select_n3A_216 : vector<16xf32>
      %gt3A_225 = arith.cmpf ogt, %get3A_221, %select_n3A_213 : vector<16xf32>
      %select_n3A_226 = arith.select %gt3A_225, %get3A_221, %select_n3A_213 : vector<16xi1>, vector<16xf32>
      %select_n3A_227 = arith.select %gt3A_224, %select_n3A_216, %select_n3A_226 : vector<16xi1>, vector<16xf32>
      %select_n3A_228 = arith.select %gt3A_225, %broadcast_in_dim3A_223, %select_n3A_215 : vector<16xi1>, vector<16xi32>
      %select_n3A_229 = arith.select %gt3A_224, %select_n3A_217, %select_n3A_228 : vector<16xi1>, vector<16xi32>
      %select_n3A_230 = arith.select %gt3A_224, %get3A_221, %select_n3A_216 : vector<16xi1>, vector<16xf32>
      %select_n3A_231 = arith.select %gt3A_224, %broadcast_in_dim3A_223, %select_n3A_217 : vector<16xi1>, vector<16xi32>
      %get3A_232 = arith.constant 16 : i32
      %get3A_233 = arith.index_cast %get3A_232 : i32 to index
      %get3A_234 = arith.index_cast %mul3A_14 : i32 to index
      %get3A_235 = tpu.vector_load %arg5[%get3A_233, %get3A_234] {strides = array<i32>} : memref<64x256xf32, #tpu.memory_space<vmem>>, vector<16xf32>,
      %broadcast_in_dim3A_236 = arith.constant 16 : i32
      %broadcast_in_dim3A_237 = vector.broadcast %broadcast_in_dim3A_236 : i32 to vector<16xi32>
      %gt3A_238 = arith.cmpf ogt, %get3A_235, %select_n3A_230 : vector<16xf32>
      %gt3A_239 = arith.cmpf ogt, %get3A_235, %select_n3A_227 : vector<16xf32>
      %select_n3A_240 = arith.select %gt3A_239, %get3A_235, %select_n3A_227 : vector<16xi1>, vector<16xf32>
      %select_n3A_241 = arith.select %gt3A_238, %select_n3A_230, %select_n3A_240 : vector<16xi1>, vector<16xf32>
      %select_n3A_242 = arith.select %gt3A_239, %broadcast_in_dim3A_237, %select_n3A_229 : vector<16xi1>, vector<16xi32>
      %select_n3A_243 = arith.select %gt3A_238, %select_n3A_231, %select_n3A_242 : vector<16xi1>, vector<16xi32>
      %select_n3A_244 = arith.select %gt3A_238, %get3A_235, %select_n3A_230 : vector<16xi1>, vector<16xf32>
      %select_n3A_245 = arith.select %gt3A_238, %broadcast_in_dim3A_237, %select_n3A_231 : vector<16xi1>, vector<16xi32>
      %get3A_246 = arith.constant 17 : i32
      %get3A_247 = arith.index_cast %get3A_246 : i32 to index
      %get3A_248 = arith.index_cast %mul3A_14 : i32 to index
      %get3A_249 = tpu.vector_load %arg5[%get3A_247, %get3A_248] {strides = array<i32>} : memref<64x256xf32, #tpu.memory_space<vmem>>, vector<16xf32>,
      %broadcast_in_dim3A_250 = arith.constant 17 : i32
      %broadcast_in_dim3A_251 = vector.broadcast %broadcast_in_dim3A_250 : i32 to vector<16xi32>
      %gt3A_252 = arith.cmpf ogt, %get3A_249, %select_n3A_244 : vector<16xf32>
      %gt3A_253 = arith.cmpf ogt, %get3A_249, %select_n3A_241 : vector<16xf32>
      %select_n3A_254 = arith.select %gt3A_253, %get3A_249, %select_n3A_241 : vector<16xi1>, vector<16xf32>
      %select_n3A_255 = arith.select %gt3A_252, %select_n3A_244, %select_n3A_254 : vector<16xi1>, vector<16xf32>
      %select_n3A_256 = arith.select %gt3A_253, %broadcast_in_dim3A_251, %select_n3A_243 : vector<16xi1>, vector<16xi32>
      %select_n3A_257 = arith.select %gt3A_252, %select_n3A_245, %select_n3A_256 : vector<16xi1>, vector<16xi32>
      %select_n3A_258 = arith.select %gt3A_252, %get3A_249, %select_n3A_244 : vector<16xi1>, vector<16xf32>
      %select_n3A_259 = arith.select %gt3A_252, %broadcast_in_dim3A_251, %select_n3A_245 : vector<16xi1>, vector<16xi32>
      %get3A_260 = arith.constant 18 : i32
      %get3A_261 = arith.index_cast %get3A_260 : i32 to index
      %get3A_262 = arith.index_cast %mul3A_14 : i32 to index
      %get3A_263 = tpu.vector_load %arg5[%get3A_261, %get3A_262] {strides = array<i32>} : memref<64x256xf32, #tpu.memory_space<vmem>>, vector<16xf32>,
      %broadcast_in_dim3A_264 = arith.constant 18 : i32
      %broadcast_in_dim3A_265 = vector.broadcast %broadcast_in_dim3A_264 : i32 to vector<16xi32>
      %gt3A_266 = arith.cmpf ogt, %get3A_263, %select_n3A_258 : vector<16xf32>
      %gt3A_267 = arith.cmpf ogt, %get3A_263, %select_n3A_255 : vector<16xf32>
      %select_n3A_268 = arith.select %gt3A_267, %get3A_263, %select_n3A_255 : vector<16xi1>, vector<16xf32>
      %select_n3A_269 = arith.select %gt3A_266, %select_n3A_258, %select_n3A_268 : vector<16xi1>, vector<16xf32>
      %select_n3A_270 = arith.select %gt3A_267, %broadcast_in_dim3A_265, %select_n3A_257 : vector<16xi1>, vector<16xi32>
      %select_n3A_271 = arith.select %gt3A_266, %select_n3A_259, %select_n3A_270 : vector<16xi1>, vector<16xi32>
      %select_n3A_272 = arith.select %gt3A_266, %get3A_263, %select_n3A_258 : vector<16xi1>, vector<16xf32>
      %select_n3A_273 = arith.select %gt3A_266, %broadcast_in_dim3A_265, %select_n3A_259 : vector<16xi1>, vector<16xi32>
      %get3A_274 = arith.constant 19 : i32
      %get3A_275 = arith.index_cast %get3A_274 : i32 to index
      %get3A_276 = arith.index_cast %mul3A_14 : i32 to index
      %get3A_277 = tpu.vector_load %arg5[%get3A_275, %get3A_276] {strides = array<i32>} : memref<64x256xf32, #tpu.memory_space<vmem>>, vector<16xf32>,
      %broadcast_in_dim3A_278 = arith.constant 19 : i32
      %broadcast_in_dim3A_279 = vector.broadcast %broadcast_in_dim3A_278 : i32 to vector<16xi32>
      %gt3A_280 = arith.cmpf ogt, %get3A_277, %select_n3A_272 : vector<16xf32>
      %gt3A_281 = arith.cmpf ogt, %get3A_277, %select_n3A_269 : vector<16xf32>
      %select_n3A_282 = arith.select %gt3A_281, %get3A_277, %select_n3A_269 : vector<16xi1>, vector<16xf32>
      %select_n3A_283 = arith.select %gt3A_280, %select_n3A_272, %select_n3A_282 : vector<16xi1>, vector<16xf32>
      %select_n3A_284 = arith.select %gt3A_281, %broadcast_in_dim3A_279, %select_n3A_271 : vector<16xi1>, vector<16xi32>
      %select_n3A_285 = arith.select %gt3A_280, %select_n3A_273, %select_n3A_284 : vector<16xi1>, vector<16xi32>
      %select_n3A_286 = arith.select %gt3A_280, %get3A_277, %select_n3A_272 : vector<16xi1>, vector<16xf32>
      %select_n3A_287 = arith.select %gt3A_280, %broadcast_in_dim3A_279, %select_n3A_273 : vector<16xi1>, vector<16xi32>
      %get3A_288 = arith.constant 20 : i32
      %get3A_289 = arith.index_cast %get3A_288 : i32 to index
      %get3A_290 = arith.index_cast %mul3A_14 : i32 to index
      %get3A_291 = tpu.vector_load %arg5[%get3A_289, %get3A_290] {strides = array<i32>} : memref<64x256xf32, #tpu.memory_space<vmem>>, vector<16xf32>,
      %broadcast_in_dim3A_292 = arith.constant 20 : i32
      %broadcast_in_dim3A_293 = vector.broadcast %broadcast_in_dim3A_292 : i32 to vector<16xi32>
      %gt3A_294 = arith.cmpf ogt, %get3A_291, %select_n3A_286 : vector<16xf32>
      %gt3A_295 = arith.cmpf ogt, %get3A_291, %select_n3A_283 : vector<16xf32>
      %select_n3A_296 = arith.select %gt3A_295, %get3A_291, %select_n3A_283 : vector<16xi1>, vector<16xf32>
      %select_n3A_297 = arith.select %gt3A_294, %select_n3A_286, %select_n3A_296 : vector<16xi1>, vector<16xf32>
      %select_n3A_298 = arith.select %gt3A_295, %broadcast_in_dim3A_293, %select_n3A_285 : vector<16xi1>, vector<16xi32>
      %select_n3A_299 = arith.select %gt3A_294, %select_n3A_287, %select_n3A_298 : vector<16xi1>, vector<16xi32>
      %select_n3A_300 = arith.select %gt3A_294, %get3A_291, %select_n3A_286 : vector<16xi1>, vector<16xf32>
      %select_n3A_301 = arith.select %gt3A_294, %broadcast_in_dim3A_293, %select_n3A_287 : vector<16xi1>, vector<16xi32>
      %get3A_302 = arith.constant 21 : i32
      %get3A_303 = arith.index_cast %get3A_302 : i32 to index
      %get3A_304 = arith.index_cast %mul3A_14 : i32 to index
      %get3A_305 = tpu.vector_load %arg5[%get3A_303, %get3A_304] {strides = array<i32>} : memref<64x256xf32, #tpu.memory_space<vmem>>, vector<16xf32>,
      %broadcast_in_dim3A_306 = arith.constant 21 : i32
      %broadcast_in_dim3A_307 = vector.broadcast %broadcast_in_dim3A_306 : i32 to vector<16xi32>
      %gt3A_308 = arith.cmpf ogt, %get3A_305, %select_n3A_300 : vector<16xf32>
      %gt3A_309 = arith.cmpf ogt, %get3A_305, %select_n3A_297 : vector<16xf32>
      %select_n3A_310 = arith.select %gt3A_309, %get3A_305, %select_n3A_297 : vector<16xi1>, vector<16xf32>
      %select_n3A_311 = arith.select %gt3A_308, %select_n3A_300, %select_n3A_310 : vector<16xi1>, vector<16xf32>
      %select_n3A_312 = arith.select %gt3A_309, %broadcast_in_dim3A_307, %select_n3A_299 : vector<16xi1>, vector<16xi32>
      %select_n3A_313 = arith.select %gt3A_308, %select_n3A_301, %select_n3A_312 : vector<16xi1>, vector<16xi32>
      %select_n3A_314 = arith.select %gt3A_308, %get3A_305, %select_n3A_300 : vector<16xi1>, vector<16xf32>
      %select_n3A_315 = arith.select %gt3A_308, %broadcast_in_dim3A_307, %select_n3A_301 : vector<16xi1>, vector<16xi32>
      %get3A_316 = arith.constant 22 : i32
      %get3A_317 = arith.index_cast %get3A_316 : i32 to index
      %get3A_318 = arith.index_cast %mul3A_14 : i32 to index
      %get3A_319 = tpu.vector_load %arg5[%get3A_317, %get3A_318] {strides = array<i32>} : memref<64x256xf32, #tpu.memory_space<vmem>>, vector<16xf32>,
      %broadcast_in_dim3A_320 = arith.constant 22 : i32
      %broadcast_in_dim3A_321 = vector.broadcast %broadcast_in_dim3A_320 : i32 to vector<16xi32>
      %gt3A_322 = arith.cmpf ogt, %get3A_319, %select_n3A_314 : vector<16xf32>
      %gt3A_323 = arith.cmpf ogt, %get3A_319, %select_n3A_311 : vector<16xf32>
      %select_n3A_324 = arith.select %gt3A_323, %get3A_319, %select_n3A_311 : vector<16xi1>, vector<16xf32>
      %select_n3A_325 = arith.select %gt3A_322, %select_n3A_314, %select_n3A_324 : vector<16xi1>, vector<16xf32>
      %select_n3A_326 = arith.select %gt3A_323, %broadcast_in_dim3A_321, %select_n3A_313 : vector<16xi1>, vector<16xi32>
      %select_n3A_327 = arith.select %gt3A_322, %select_n3A_315, %select_n3A_326 : vector<16xi1>, vector<16xi32>
      %select_n3A_328 = arith.select %gt3A_322, %get3A_319, %select_n3A_314 : vector<16xi1>, vector<16xf32>
      %select_n3A_329 = arith.select %gt3A_322, %broadcast_in_dim3A_321, %select_n3A_315 : vector<16xi1>, vector<16xi32>
      %get3A_330 = arith.constant 23 : i32
      %get3A_331 = arith.index_cast %get3A_330 : i32 to index
      %get3A_332 = arith.index_cast %mul3A_14 : i32 to index
      %get3A_333 = tpu.vector_load %arg5[%get3A_331, %get3A_332] {strides = array<i32>} : memref<64x256xf32, #tpu.memory_space<vmem>>, vector<16xf32>,
      %broadcast_in_dim3A_334 = arith.constant 23 : i32
      %broadcast_in_dim3A_335 = vector.broadcast %broadcast_in_dim3A_334 : i32 to vector<16xi32>
      %gt3A_336 = arith.cmpf ogt, %get3A_333, %select_n3A_328 : vector<16xf32>
      %gt3A_337 = arith.cmpf ogt, %get3A_333, %select_n3A_325 : vector<16xf32>
      %select_n3A_338 = arith.select %gt3A_337, %get3A_333, %select_n3A_325 : vector<16xi1>, vector<16xf32>
      %select_n3A_339 = arith.select %gt3A_336, %select_n3A_328, %select_n3A_338 : vector<16xi1>, vector<16xf32>
      %select_n3A_340 = arith.select %gt3A_337, %broadcast_in_dim3A_335, %select_n3A_327 : vector<16xi1>, vector<16xi32>
      %select_n3A_341 = arith.select %gt3A_336, %select_n3A_329, %select_n3A_340 : vector<16xi1>, vector<16xi32>
      %select_n3A_342 = arith.select %gt3A_336, %get3A_333, %select_n3A_328 : vector<16xi1>, vector<16xf32>
      %select_n3A_343 = arith.select %gt3A_336, %broadcast_in_dim3A_335, %select_n3A_329 : vector<16xi1>, vector<16xi32>
      %get3A_344 = arith.constant 24 : i32
      %get3A_345 = arith.index_cast %get3A_344 : i32 to index
      %get3A_346 = arith.index_cast %mul3A_14 : i32 to index
      %get3A_347 = tpu.vector_load %arg5[%get3A_345, %get3A_346] {strides = array<i32>} : memref<64x256xf32, #tpu.memory_space<vmem>>, vector<16xf32>,
      %broadcast_in_dim3A_348 = arith.constant 24 : i32
      %broadcast_in_dim3A_349 = vector.broadcast %broadcast_in_dim3A_348 : i32 to vector<16xi32>
      %gt3A_350 = arith.cmpf ogt, %get3A_347, %select_n3A_342 : vector<16xf32>
      %gt3A_351 = arith.cmpf ogt, %get3A_347, %select_n3A_339 : vector<16xf32>
      %select_n3A_352 = arith.select %gt3A_351, %get3A_347, %select_n3A_339 : vector<16xi1>, vector<16xf32>
      %select_n3A_353 = arith.select %gt3A_350, %select_n3A_342, %select_n3A_352 : vector<16xi1>, vector<16xf32>
      %select_n3A_354 = arith.select %gt3A_351, %broadcast_in_dim3A_349, %select_n3A_341 : vector<16xi1>, vector<16xi32>
      %select_n3A_355 = arith.select %gt3A_350, %select_n3A_343, %select_n3A_354 : vector<16xi1>, vector<16xi32>
      %select_n3A_356 = arith.select %gt3A_350, %get3A_347, %select_n3A_342 : vector<16xi1>, vector<16xf32>
      %select_n3A_357 = arith.select %gt3A_350, %broadcast_in_dim3A_349, %select_n3A_343 : vector<16xi1>, vector<16xi32>
      %get3A_358 = arith.constant 25 : i32
      %get3A_359 = arith.index_cast %get3A_358 : i32 to index
      %get3A_360 = arith.index_cast %mul3A_14 : i32 to index
      %get3A_361 = tpu.vector_load %arg5[%get3A_359, %get3A_360] {strides = array<i32>} : memref<64x256xf32, #tpu.memory_space<vmem>>, vector<16xf32>,
      %broadcast_in_dim3A_362 = arith.constant 25 : i32
      %broadcast_in_dim3A_363 = vector.broadcast %broadcast_in_dim3A_362 : i32 to vector<16xi32>
      %gt3A_364 = arith.cmpf ogt, %get3A_361, %select_n3A_356 : vector<16xf32>
      %gt3A_365 = arith.cmpf ogt, %get3A_361, %select_n3A_353 : vector<16xf32>
      %select_n3A_366 = arith.select %gt3A_365, %get3A_361, %select_n3A_353 : vector<16xi1>, vector<16xf32>
      %select_n3A_367 = arith.select %gt3A_364, %select_n3A_356, %select_n3A_366 : vector<16xi1>, vector<16xf32>
      %select_n3A_368 = arith.select %gt3A_365, %broadcast_in_dim3A_363, %select_n3A_355 : vector<16xi1>, vector<16xi32>
      %select_n3A_369 = arith.select %gt3A_364, %select_n3A_357, %select_n3A_368 : vector<16xi1>, vector<16xi32>
      %select_n3A_370 = arith.select %gt3A_364, %get3A_361, %select_n3A_356 : vector<16xi1>, vector<16xf32>
      %select_n3A_371 = arith.select %gt3A_364, %broadcast_in_dim3A_363, %select_n3A_357 : vector<16xi1>, vector<16xi32>
      %get3A_372 = arith.constant 26 : i32
      %get3A_373 = arith.index_cast %get3A_372 : i32 to index
      %get3A_374 = arith.index_cast %mul3A_14 : i32 to index
      %get3A_375 = tpu.vector_load %arg5[%get3A_373, %get3A_374] {strides = array<i32>} : memref<64x256xf32, #tpu.memory_space<vmem>>, vector<16xf32>,
      %broadcast_in_dim3A_376 = arith.constant 26 : i32
      %broadcast_in_dim3A_377 = vector.broadcast %broadcast_in_dim3A_376 : i32 to vector<16xi32>
      %gt3A_378 = arith.cmpf ogt, %get3A_375, %select_n3A_370 : vector<16xf32>
      %gt3A_379 = arith.cmpf ogt, %get3A_375, %select_n3A_367 : vector<16xf32>
      %select_n3A_380 = arith.select %gt3A_379, %get3A_375, %select_n3A_367 : vector<16xi1>, vector<16xf32>
      %select_n3A_381 = arith.select %gt3A_378, %select_n3A_370, %select_n3A_380 : vector<16xi1>, vector<16xf32>
      %select_n3A_382 = arith.select %gt3A_379, %broadcast_in_dim3A_377, %select_n3A_369 : vector<16xi1>, vector<16xi32>
      %select_n3A_383 = arith.select %gt3A_378, %select_n3A_371, %select_n3A_382 : vector<16xi1>, vector<16xi32>
      %select_n3A_384 = arith.select %gt3A_378, %get3A_375, %select_n3A_370 : vector<16xi1>, vector<16xf32>
      %select_n3A_385 = arith.select %gt3A_378, %broadcast_in_dim3A_377, %select_n3A_371 : vector<16xi1>, vector<16xi32>
      %get3A_386 = arith.constant 27 : i32
      %get3A_387 = arith.index_cast %get3A_386 : i32 to index
      %get3A_388 = arith.index_cast %mul3A_14 : i32 to index
      %get3A_389 = tpu.vector_load %arg5[%get3A_387, %get3A_388] {strides = array<i32>} : memref<64x256xf32, #tpu.memory_space<vmem>>, vector<16xf32>,
      %broadcast_in_dim3A_390 = arith.constant 27 : i32
      %broadcast_in_dim3A_391 = vector.broadcast %broadcast_in_dim3A_390 : i32 to vector<16xi32>
      %gt3A_392 = arith.cmpf ogt, %get3A_389, %select_n3A_384 : vector<16xf32>
      %gt3A_393 = arith.cmpf ogt, %get3A_389, %select_n3A_381 : vector<16xf32>
      %select_n3A_394 = arith.select %gt3A_393, %get3A_389, %select_n3A_381 : vector<16xi1>, vector<16xf32>
      %select_n3A_395 = arith.select %gt3A_392, %select_n3A_384, %select_n3A_394 : vector<16xi1>, vector<16xf32>
      %select_n3A_396 = arith.select %gt3A_393, %broadcast_in_dim3A_391, %select_n3A_383 : vector<16xi1>, vector<16xi32>
      %select_n3A_397 = arith.select %gt3A_392, %select_n3A_385, %select_n3A_396 : vector<16xi1>, vector<16xi32>
      %select_n3A_398 = arith.select %gt3A_392, %get3A_389, %select_n3A_384 : vector<16xi1>, vector<16xf32>
      %select_n3A_399 = arith.select %gt3A_392, %broadcast_in_dim3A_391, %select_n3A_385 : vector<16xi1>, vector<16xi32>
      %get3A_400 = arith.constant 28 : i32
      %get3A_401 = arith.index_cast %get3A_400 : i32 to index
      %get3A_402 = arith.index_cast %mul3A_14 : i32 to index
      %get3A_403 = tpu.vector_load %arg5[%get3A_401, %get3A_402] {strides = array<i32>} : memref<64x256xf32, #tpu.memory_space<vmem>>, vector<16xf32>,
      %broadcast_in_dim3A_404 = arith.constant 28 : i32
      %broadcast_in_dim3A_405 = vector.broadcast %broadcast_in_dim3A_404 : i32 to vector<16xi32>
      %gt3A_406 = arith.cmpf ogt, %get3A_403, %select_n3A_398 : vector<16xf32>
      %gt3A_407 = arith.cmpf ogt, %get3A_403, %select_n3A_395 : vector<16xf32>
      %select_n3A_408 = arith.select %gt3A_407, %get3A_403, %select_n3A_395 : vector<16xi1>, vector<16xf32>
      %select_n3A_409 = arith.select %gt3A_406, %select_n3A_398, %select_n3A_408 : vector<16xi1>, vector<16xf32>
      %select_n3A_410 = arith.select %gt3A_407, %broadcast_in_dim3A_405, %select_n3A_397 : vector<16xi1>, vector<16xi32>
      %select_n3A_411 = arith.select %gt3A_406, %select_n3A_399, %select_n3A_410 : vector<16xi1>, vector<16xi32>
      %select_n3A_412 = arith.select %gt3A_406, %get3A_403, %select_n3A_398 : vector<16xi1>, vector<16xf32>
      %select_n3A_413 = arith.select %gt3A_406, %broadcast_in_dim3A_405, %select_n3A_399 : vector<16xi1>, vector<16xi32>
      %get3A_414 = arith.constant 29 : i32
      %get3A_415 = arith.index_cast %get3A_414 : i32 to index
      %get3A_416 = arith.index_cast %mul3A_14 : i32 to index
      %get3A_417 = tpu.vector_load %arg5[%get3A_415, %get3A_416] {strides = array<i32>} : memref<64x256xf32, #tpu.memory_space<vmem>>, vector<16xf32>,
      %broadcast_in_dim3A_418 = arith.constant 29 : i32
      %broadcast_in_dim3A_419 = vector.broadcast %broadcast_in_dim3A_418 : i32 to vector<16xi32>
      %gt3A_420 = arith.cmpf ogt, %get3A_417, %select_n3A_412 : vector<16xf32>
      %gt3A_421 = arith.cmpf ogt, %get3A_417, %select_n3A_409 : vector<16xf32>
      %select_n3A_422 = arith.select %gt3A_421, %get3A_417, %select_n3A_409 : vector<16xi1>, vector<16xf32>
      %select_n3A_423 = arith.select %gt3A_420, %select_n3A_412, %select_n3A_422 : vector<16xi1>, vector<16xf32>
      %select_n3A_424 = arith.select %gt3A_421, %broadcast_in_dim3A_419, %select_n3A_411 : vector<16xi1>, vector<16xi32>
      %select_n3A_425 = arith.select %gt3A_420, %select_n3A_413, %select_n3A_424 : vector<16xi1>, vector<16xi32>
      %select_n3A_426 = arith.select %gt3A_420, %get3A_417, %select_n3A_412 : vector<16xi1>, vector<16xf32>
      %select_n3A_427 = arith.select %gt3A_420, %broadcast_in_dim3A_419, %select_n3A_413 : vector<16xi1>, vector<16xi32>
      %get3A_428 = arith.constant 30 : i32
      %get3A_429 = arith.index_cast %get3A_428 : i32 to index
      %get3A_430 = arith.index_cast %mul3A_14 : i32 to index
      %get3A_431 = tpu.vector_load %arg5[%get3A_429, %get3A_430] {strides = array<i32>} : memref<64x256xf32, #tpu.memory_space<vmem>>, vector<16xf32>,
      %broadcast_in_dim3A_432 = arith.constant 30 : i32
      %broadcast_in_dim3A_433 = vector.broadcast %broadcast_in_dim3A_432 : i32 to vector<16xi32>
      %gt3A_434 = arith.cmpf ogt, %get3A_431, %select_n3A_426 : vector<16xf32>
      %gt3A_435 = arith.cmpf ogt, %get3A_431, %select_n3A_423 : vector<16xf32>
      %select_n3A_436 = arith.select %gt3A_435, %get3A_431, %select_n3A_423 : vector<16xi1>, vector<16xf32>
      %select_n3A_437 = arith.select %gt3A_434, %select_n3A_426, %select_n3A_436 : vector<16xi1>, vector<16xf32>
      %select_n3A_438 = arith.select %gt3A_435, %broadcast_in_dim3A_433, %select_n3A_425 : vector<16xi1>, vector<16xi32>
      %select_n3A_439 = arith.select %gt3A_434, %select_n3A_427, %select_n3A_438 : vector<16xi1>, vector<16xi32>
      %select_n3A_440 = arith.select %gt3A_434, %get3A_431, %select_n3A_426 : vector<16xi1>, vector<16xf32>
      %select_n3A_441 = arith.select %gt3A_434, %broadcast_in_dim3A_433, %select_n3A_427 : vector<16xi1>, vector<16xi32>
      %get3A_442 = arith.constant 31 : i32
      %get3A_443 = arith.index_cast %get3A_442 : i32 to index
      %get3A_444 = arith.index_cast %mul3A_14 : i32 to index
      %get3A_445 = tpu.vector_load %arg5[%get3A_443, %get3A_444] {strides = array<i32>} : memref<64x256xf32, #tpu.memory_space<vmem>>, vector<16xf32>,
      %broadcast_in_dim3A_446 = arith.constant 31 : i32
      %broadcast_in_dim3A_447 = vector.broadcast %broadcast_in_dim3A_446 : i32 to vector<16xi32>
      %gt3A_448 = arith.cmpf ogt, %get3A_445, %select_n3A_440 : vector<16xf32>
      %gt3A_449 = arith.cmpf ogt, %get3A_445, %select_n3A_437 : vector<16xf32>
      %select_n3A_450 = arith.select %gt3A_449, %get3A_445, %select_n3A_437 : vector<16xi1>, vector<16xf32>
      %select_n3A_451 = arith.select %gt3A_448, %select_n3A_440, %select_n3A_450 : vector<16xi1>, vector<16xf32>
      %select_n3A_452 = arith.select %gt3A_449, %broadcast_in_dim3A_447, %select_n3A_439 : vector<16xi1>, vector<16xi32>
      %select_n3A_453 = arith.select %gt3A_448, %select_n3A_441, %select_n3A_452 : vector<16xi1>, vector<16xi32>
      %select_n3A_454 = arith.select %gt3A_448, %get3A_445, %select_n3A_440 : vector<16xi1>, vector<16xf32>
      %select_n3A_455 = arith.select %gt3A_448, %broadcast_in_dim3A_447, %select_n3A_441 : vector<16xi1>, vector<16xi32>
      %get3A_456 = arith.constant 32 : i32
      %get3A_457 = arith.index_cast %get3A_456 : i32 to index
      %get3A_458 = arith.index_cast %mul3A_14 : i32 to index
      %get3A_459 = tpu.vector_load %arg5[%get3A_457, %get3A_458] {strides = array<i32>} : memref<64x256xf32, #tpu.memory_space<vmem>>, vector<16xf32>,
      %broadcast_in_dim3A_460 = arith.constant 32 : i32
      %broadcast_in_dim3A_461 = vector.broadcast %broadcast_in_dim3A_460 : i32 to vector<16xi32>
      %gt3A_462 = arith.cmpf ogt, %get3A_459, %select_n3A_454 : vector<16xf32>
      %gt3A_463 = arith.cmpf ogt, %get3A_459, %select_n3A_451 : vector<16xf32>
      %select_n3A_464 = arith.select %gt3A_463, %get3A_459, %select_n3A_451 : vector<16xi1>, vector<16xf32>
      %select_n3A_465 = arith.select %gt3A_462, %select_n3A_454, %select_n3A_464 : vector<16xi1>, vector<16xf32>
      %select_n3A_466 = arith.select %gt3A_463, %broadcast_in_dim3A_461, %select_n3A_453 : vector<16xi1>, vector<16xi32>
      %select_n3A_467 = arith.select %gt3A_462, %select_n3A_455, %select_n3A_466 : vector<16xi1>, vector<16xi32>
      %select_n3A_468 = arith.select %gt3A_462, %get3A_459, %select_n3A_454 : vector<16xi1>, vector<16xf32>
      %select_n3A_469 = arith.select %gt3A_462, %broadcast_in_dim3A_461, %select_n3A_455 : vector<16xi1>, vector<16xi32>
      %get3A_470 = arith.constant 33 : i32
      %get3A_471 = arith.index_cast %get3A_470 : i32 to index
      %get3A_472 = arith.index_cast %mul3A_14 : i32 to index
      %get3A_473 = tpu.vector_load %arg5[%get3A_471, %get3A_472] {strides = array<i32>} : memref<64x256xf32, #tpu.memory_space<vmem>>, vector<16xf32>,
      %broadcast_in_dim3A_474 = arith.constant 33 : i32
      %broadcast_in_dim3A_475 = vector.broadcast %broadcast_in_dim3A_474 : i32 to vector<16xi32>
      %gt3A_476 = arith.cmpf ogt, %get3A_473, %select_n3A_468 : vector<16xf32>
      %gt3A_477 = arith.cmpf ogt, %get3A_473, %select_n3A_465 : vector<16xf32>
      %select_n3A_478 = arith.select %gt3A_477, %get3A_473, %select_n3A_465 : vector<16xi1>, vector<16xf32>
      %select_n3A_479 = arith.select %gt3A_476, %select_n3A_468, %select_n3A_478 : vector<16xi1>, vector<16xf32>
      %select_n3A_480 = arith.select %gt3A_477, %broadcast_in_dim3A_475, %select_n3A_467 : vector<16xi1>, vector<16xi32>
      %select_n3A_481 = arith.select %gt3A_476, %select_n3A_469, %select_n3A_480 : vector<16xi1>, vector<16xi32>
      %select_n3A_482 = arith.select %gt3A_476, %get3A_473, %select_n3A_468 : vector<16xi1>, vector<16xf32>
      %select_n3A_483 = arith.select %gt3A_476, %broadcast_in_dim3A_475, %select_n3A_469 : vector<16xi1>, vector<16xi32>
      %get3A_484 = arith.constant 34 : i32
      %get3A_485 = arith.index_cast %get3A_484 : i32 to index
      %get3A_486 = arith.index_cast %mul3A_14 : i32 to index
      %get3A_487 = tpu.vector_load %arg5[%get3A_485, %get3A_486] {strides = array<i32>} : memref<64x256xf32, #tpu.memory_space<vmem>>, vector<16xf32>,
      %broadcast_in_dim3A_488 = arith.constant 34 : i32
      %broadcast_in_dim3A_489 = vector.broadcast %broadcast_in_dim3A_488 : i32 to vector<16xi32>
      %gt3A_490 = arith.cmpf ogt, %get3A_487, %select_n3A_482 : vector<16xf32>
      %gt3A_491 = arith.cmpf ogt, %get3A_487, %select_n3A_479 : vector<16xf32>
      %select_n3A_492 = arith.select %gt3A_491, %get3A_487, %select_n3A_479 : vector<16xi1>, vector<16xf32>
      %select_n3A_493 = arith.select %gt3A_490, %select_n3A_482, %select_n3A_492 : vector<16xi1>, vector<16xf32>
      %select_n3A_494 = arith.select %gt3A_491, %broadcast_in_dim3A_489, %select_n3A_481 : vector<16xi1>, vector<16xi32>
      %select_n3A_495 = arith.select %gt3A_490, %select_n3A_483, %select_n3A_494 : vector<16xi1>, vector<16xi32>
      %select_n3A_496 = arith.select %gt3A_490, %get3A_487, %select_n3A_482 : vector<16xi1>, vector<16xf32>
      %select_n3A_497 = arith.select %gt3A_490, %broadcast_in_dim3A_489, %select_n3A_483 : vector<16xi1>, vector<16xi32>
      %get3A_498 = arith.constant 35 : i32
      %get3A_499 = arith.index_cast %get3A_498 : i32 to index
      %get3A_500 = arith.index_cast %mul3A_14 : i32 to index
      %get3A_501 = tpu.vector_load %arg5[%get3A_499, %get3A_500] {strides = array<i32>} : memref<64x256xf32, #tpu.memory_space<vmem>>, vector<16xf32>,
      %broadcast_in_dim3A_502 = arith.constant 35 : i32
      %broadcast_in_dim3A_503 = vector.broadcast %broadcast_in_dim3A_502 : i32 to vector<16xi32>
      %gt3A_504 = arith.cmpf ogt, %get3A_501, %select_n3A_496 : vector<16xf32>
      %gt3A_505 = arith.cmpf ogt, %get3A_501, %select_n3A_493 : vector<16xf32>
      %select_n3A_506 = arith.select %gt3A_505, %get3A_501, %select_n3A_493 : vector<16xi1>, vector<16xf32>
      %select_n3A_507 = arith.select %gt3A_504, %select_n3A_496, %select_n3A_506 : vector<16xi1>, vector<16xf32>
      %select_n3A_508 = arith.select %gt3A_505, %broadcast_in_dim3A_503, %select_n3A_495 : vector<16xi1>, vector<16xi32>
      %select_n3A_509 = arith.select %gt3A_504, %select_n3A_497, %select_n3A_508 : vector<16xi1>, vector<16xi32>
      %select_n3A_510 = arith.select %gt3A_504, %get3A_501, %select_n3A_496 : vector<16xi1>, vector<16xf32>
      %select_n3A_511 = arith.select %gt3A_504, %broadcast_in_dim3A_503, %select_n3A_497 : vector<16xi1>, vector<16xi32>
      %get3A_512 = arith.constant 36 : i32
      %get3A_513 = arith.index_cast %get3A_512 : i32 to index
      %get3A_514 = arith.index_cast %mul3A_14 : i32 to index
      %get3A_515 = tpu.vector_load %arg5[%get3A_513, %get3A_514] {strides = array<i32>} : memref<64x256xf32, #tpu.memory_space<vmem>>, vector<16xf32>,
      %broadcast_in_dim3A_516 = arith.constant 36 : i32
      %broadcast_in_dim3A_517 = vector.broadcast %broadcast_in_dim3A_516 : i32 to vector<16xi32>
      %gt3A_518 = arith.cmpf ogt, %get3A_515, %select_n3A_510 : vector<16xf32>
      %gt3A_519 = arith.cmpf ogt, %get3A_515, %select_n3A_507 : vector<16xf32>
      %select_n3A_520 = arith.select %gt3A_519, %get3A_515, %select_n3A_507 : vector<16xi1>, vector<16xf32>
      %select_n3A_521 = arith.select %gt3A_518, %select_n3A_510, %select_n3A_520 : vector<16xi1>, vector<16xf32>
      %select_n3A_522 = arith.select %gt3A_519, %broadcast_in_dim3A_517, %select_n3A_509 : vector<16xi1>, vector<16xi32>
      %select_n3A_523 = arith.select %gt3A_518, %select_n3A_511, %select_n3A_522 : vector<16xi1>, vector<16xi32>
      %select_n3A_524 = arith.select %gt3A_518, %get3A_515, %select_n3A_510 : vector<16xi1>, vector<16xf32>
      %select_n3A_525 = arith.select %gt3A_518, %broadcast_in_dim3A_517, %select_n3A_511 : vector<16xi1>, vector<16xi32>
      %get3A_526 = arith.constant 37 : i32
      %get3A_527 = arith.index_cast %get3A_526 : i32 to index
      %get3A_528 = arith.index_cast %mul3A_14 : i32 to index
      %get3A_529 = tpu.vector_load %arg5[%get3A_527, %get3A_528] {strides = array<i32>} : memref<64x256xf32, #tpu.memory_space<vmem>>, vector<16xf32>,
      %broadcast_in_dim3A_530 = arith.constant 37 : i32
      %broadcast_in_dim3A_531 = vector.broadcast %broadcast_in_dim3A_530 : i32 to vector<16xi32>
      %gt3A_532 = arith.cmpf ogt, %get3A_529, %select_n3A_524 : vector<16xf32>
      %gt3A_533 = arith.cmpf ogt, %get3A_529, %select_n3A_521 : vector<16xf32>
      %select_n3A_534 = arith.select %gt3A_533, %get3A_529, %select_n3A_521 : vector<16xi1>, vector<16xf32>
      %select_n3A_535 = arith.select %gt3A_532, %select_n3A_524, %select_n3A_534 : vector<16xi1>, vector<16xf32>
      %select_n3A_536 = arith.select %gt3A_533, %broadcast_in_dim3A_531, %select_n3A_523 : vector<16xi1>, vector<16xi32>
      %select_n3A_537 = arith.select %gt3A_532, %select_n3A_525, %select_n3A_536 : vector<16xi1>, vector<16xi32>
      %select_n3A_538 = arith.select %gt3A_532, %get3A_529, %select_n3A_524 : vector<16xi1>, vector<16xf32>
      %select_n3A_539 = arith.select %gt3A_532, %broadcast_in_dim3A_531, %select_n3A_525 : vector<16xi1>, vector<16xi32>
      %get3A_540 = arith.constant 38 : i32
      %get3A_541 = arith.index_cast %get3A_540 : i32 to index
      %get3A_542 = arith.index_cast %mul3A_14 : i32 to index
      %get3A_543 = tpu.vector_load %arg5[%get3A_541, %get3A_542] {strides = array<i32>} : memref<64x256xf32, #tpu.memory_space<vmem>>, vector<16xf32>,
      %broadcast_in_dim3A_544 = arith.constant 38 : i32
      %broadcast_in_dim3A_545 = vector.broadcast %broadcast_in_dim3A_544 : i32 to vector<16xi32>
      %gt3A_546 = arith.cmpf ogt, %get3A_543, %select_n3A_538 : vector<16xf32>
      %gt3A_547 = arith.cmpf ogt, %get3A_543, %select_n3A_535 : vector<16xf32>
      %select_n3A_548 = arith.select %gt3A_547, %get3A_543, %select_n3A_535 : vector<16xi1>, vector<16xf32>
      %select_n3A_549 = arith.select %gt3A_546, %select_n3A_538, %select_n3A_548 : vector<16xi1>, vector<16xf32>
      %select_n3A_550 = arith.select %gt3A_547, %broadcast_in_dim3A_545, %select_n3A_537 : vector<16xi1>, vector<16xi32>
      %select_n3A_551 = arith.select %gt3A_546, %select_n3A_539, %select_n3A_550 : vector<16xi1>, vector<16xi32>
      %select_n3A_552 = arith.select %gt3A_546, %get3A_543, %select_n3A_538 : vector<16xi1>, vector<16xf32>
      %select_n3A_553 = arith.select %gt3A_546, %broadcast_in_dim3A_545, %select_n3A_539 : vector<16xi1>, vector<16xi32>
      %get3A_554 = arith.constant 39 : i32
      %get3A_555 = arith.index_cast %get3A_554 : i32 to index
      %get3A_556 = arith.index_cast %mul3A_14 : i32 to index
      %get3A_557 = tpu.vector_load %arg5[%get3A_555, %get3A_556] {strides = array<i32>} : memref<64x256xf32, #tpu.memory_space<vmem>>, vector<16xf32>,
      %broadcast_in_dim3A_558 = arith.constant 39 : i32
      %broadcast_in_dim3A_559 = vector.broadcast %broadcast_in_dim3A_558 : i32 to vector<16xi32>
      %gt3A_560 = arith.cmpf ogt, %get3A_557, %select_n3A_552 : vector<16xf32>
      %gt3A_561 = arith.cmpf ogt, %get3A_557, %select_n3A_549 : vector<16xf32>
      %select_n3A_562 = arith.select %gt3A_561, %get3A_557, %select_n3A_549 : vector<16xi1>, vector<16xf32>
      %select_n3A_563 = arith.select %gt3A_560, %select_n3A_552, %select_n3A_562 : vector<16xi1>, vector<16xf32>
      %select_n3A_564 = arith.select %gt3A_561, %broadcast_in_dim3A_559, %select_n3A_551 : vector<16xi1>, vector<16xi32>
      %select_n3A_565 = arith.select %gt3A_560, %select_n3A_553, %select_n3A_564 : vector<16xi1>, vector<16xi32>
      %select_n3A_566 = arith.select %gt3A_560, %get3A_557, %select_n3A_552 : vector<16xi1>, vector<16xf32>
      %select_n3A_567 = arith.select %gt3A_560, %broadcast_in_dim3A_559, %select_n3A_553 : vector<16xi1>, vector<16xi32>
      %get3A_568 = arith.constant 40 : i32
      %get3A_569 = arith.index_cast %get3A_568 : i32 to index
      %get3A_570 = arith.index_cast %mul3A_14 : i32 to index
      %get3A_571 = tpu.vector_load %arg5[%get3A_569, %get3A_570] {strides = array<i32>} : memref<64x256xf32, #tpu.memory_space<vmem>>, vector<16xf32>,
      %broadcast_in_dim3A_572 = arith.constant 40 : i32
      %broadcast_in_dim3A_573 = vector.broadcast %broadcast_in_dim3A_572 : i32 to vector<16xi32>
      %gt3A_574 = arith.cmpf ogt, %get3A_571, %select_n3A_566 : vector<16xf32>
      %gt3A_575 = arith.cmpf ogt, %get3A_571, %select_n3A_563 : vector<16xf32>
      %select_n3A_576 = arith.select %gt3A_575, %get3A_571, %select_n3A_563 : vector<16xi1>, vector<16xf32>
      %select_n3A_577 = arith.select %gt3A_574, %select_n3A_566, %select_n3A_576 : vector<16xi1>, vector<16xf32>
      %select_n3A_578 = arith.select %gt3A_575, %broadcast_in_dim3A_573, %select_n3A_565 : vector<16xi1>, vector<16xi32>
      %select_n3A_579 = arith.select %gt3A_574, %select_n3A_567, %select_n3A_578 : vector<16xi1>, vector<16xi32>
      %select_n3A_580 = arith.select %gt3A_574, %get3A_571, %select_n3A_566 : vector<16xi1>, vector<16xf32>
      %select_n3A_581 = arith.select %gt3A_574, %broadcast_in_dim3A_573, %select_n3A_567 : vector<16xi1>, vector<16xi32>
      %get3A_582 = arith.constant 41 : i32
      %get3A_583 = arith.index_cast %get3A_582 : i32 to index
      %get3A_584 = arith.index_cast %mul3A_14 : i32 to index
      %get3A_585 = tpu.vector_load %arg5[%get3A_583, %get3A_584] {strides = array<i32>} : memref<64x256xf32, #tpu.memory_space<vmem>>, vector<16xf32>,
      %broadcast_in_dim3A_586 = arith.constant 41 : i32
      %broadcast_in_dim3A_587 = vector.broadcast %broadcast_in_dim3A_586 : i32 to vector<16xi32>
      %gt3A_588 = arith.cmpf ogt, %get3A_585, %select_n3A_580 : vector<16xf32>
      %gt3A_589 = arith.cmpf ogt, %get3A_585, %select_n3A_577 : vector<16xf32>
      %select_n3A_590 = arith.select %gt3A_589, %get3A_585, %select_n3A_577 : vector<16xi1>, vector<16xf32>
      %select_n3A_591 = arith.select %gt3A_588, %select_n3A_580, %select_n3A_590 : vector<16xi1>, vector<16xf32>
      %select_n3A_592 = arith.select %gt3A_589, %broadcast_in_dim3A_587, %select_n3A_579 : vector<16xi1>, vector<16xi32>
      %select_n3A_593 = arith.select %gt3A_588, %select_n3A_581, %select_n3A_592 : vector<16xi1>, vector<16xi32>
      %select_n3A_594 = arith.select %gt3A_588, %get3A_585, %select_n3A_580 : vector<16xi1>, vector<16xf32>
      %select_n3A_595 = arith.select %gt3A_588, %broadcast_in_dim3A_587, %select_n3A_581 : vector<16xi1>, vector<16xi32>
      %get3A_596 = arith.constant 42 : i32
      %get3A_597 = arith.index_cast %get3A_596 : i32 to index
      %get3A_598 = arith.index_cast %mul3A_14 : i32 to index
      %get3A_599 = tpu.vector_load %arg5[%get3A_597, %get3A_598] {strides = array<i32>} : memref<64x256xf32, #tpu.memory_space<vmem>>, vector<16xf32>,
      %broadcast_in_dim3A_600 = arith.constant 42 : i32
      %broadcast_in_dim3A_601 = vector.broadcast %broadcast_in_dim3A_600 : i32 to vector<16xi32>
      %gt3A_602 = arith.cmpf ogt, %get3A_599, %select_n3A_594 : vector<16xf32>
      %gt3A_603 = arith.cmpf ogt, %get3A_599, %select_n3A_591 : vector<16xf32>
      %select_n3A_604 = arith.select %gt3A_603, %get3A_599, %select_n3A_591 : vector<16xi1>, vector<16xf32>
      %select_n3A_605 = arith.select %gt3A_602, %select_n3A_594, %select_n3A_604 : vector<16xi1>, vector<16xf32>
      %select_n3A_606 = arith.select %gt3A_603, %broadcast_in_dim3A_601, %select_n3A_593 : vector<16xi1>, vector<16xi32>
      %select_n3A_607 = arith.select %gt3A_602, %select_n3A_595, %select_n3A_606 : vector<16xi1>, vector<16xi32>
      %select_n3A_608 = arith.select %gt3A_602, %get3A_599, %select_n3A_594 : vector<16xi1>, vector<16xf32>
      %select_n3A_609 = arith.select %gt3A_602, %broadcast_in_dim3A_601, %select_n3A_595 : vector<16xi1>, vector<16xi32>
      %get3A_610 = arith.constant 43 : i32
      %get3A_611 = arith.index_cast %get3A_610 : i32 to index
      %get3A_612 = arith.index_cast %mul3A_14 : i32 to index
      %get3A_613 = tpu.vector_load %arg5[%get3A_611, %get3A_612] {strides = array<i32>} : memref<64x256xf32, #tpu.memory_space<vmem>>, vector<16xf32>,
      %broadcast_in_dim3A_614 = arith.constant 43 : i32
      %broadcast_in_dim3A_615 = vector.broadcast %broadcast_in_dim3A_614 : i32 to vector<16xi32>
      %gt3A_616 = arith.cmpf ogt, %get3A_613, %select_n3A_608 : vector<16xf32>
      %gt3A_617 = arith.cmpf ogt, %get3A_613, %select_n3A_605 : vector<16xf32>
      %select_n3A_618 = arith.select %gt3A_617, %get3A_613, %select_n3A_605 : vector<16xi1>, vector<16xf32>
      %select_n3A_619 = arith.select %gt3A_616, %select_n3A_608, %select_n3A_618 : vector<16xi1>, vector<16xf32>
      %select_n3A_620 = arith.select %gt3A_617, %broadcast_in_dim3A_615, %select_n3A_607 : vector<16xi1>, vector<16xi32>
      %select_n3A_621 = arith.select %gt3A_616, %select_n3A_609, %select_n3A_620 : vector<16xi1>, vector<16xi32>
      %select_n3A_622 = arith.select %gt3A_616, %get3A_613, %select_n3A_608 : vector<16xi1>, vector<16xf32>
      %select_n3A_623 = arith.select %gt3A_616, %broadcast_in_dim3A_615, %select_n3A_609 : vector<16xi1>, vector<16xi32>
      %get3A_624 = arith.constant 44 : i32
      %get3A_625 = arith.index_cast %get3A_624 : i32 to index
      %get3A_626 = arith.index_cast %mul3A_14 : i32 to index
      %get3A_627 = tpu.vector_load %arg5[%get3A_625, %get3A_626] {strides = array<i32>} : memref<64x256xf32, #tpu.memory_space<vmem>>, vector<16xf32>,
      %broadcast_in_dim3A_628 = arith.constant 44 : i32
      %broadcast_in_dim3A_629 = vector.broadcast %broadcast_in_dim3A_628 : i32 to vector<16xi32>
      %gt3A_630 = arith.cmpf ogt, %get3A_627, %select_n3A_622 : vector<16xf32>
      %gt3A_631 = arith.cmpf ogt, %get3A_627, %select_n3A_619 : vector<16xf32>
      %select_n3A_632 = arith.select %gt3A_631, %get3A_627, %select_n3A_619 : vector<16xi1>, vector<16xf32>
      %select_n3A_633 = arith.select %gt3A_630, %select_n3A_622, %select_n3A_632 : vector<16xi1>, vector<16xf32>
      %select_n3A_634 = arith.select %gt3A_631, %broadcast_in_dim3A_629, %select_n3A_621 : vector<16xi1>, vector<16xi32>
      %select_n3A_635 = arith.select %gt3A_630, %select_n3A_623, %select_n3A_634 : vector<16xi1>, vector<16xi32>
      %select_n3A_636 = arith.select %gt3A_630, %get3A_627, %select_n3A_622 : vector<16xi1>, vector<16xf32>
      %select_n3A_637 = arith.select %gt3A_630, %broadcast_in_dim3A_629, %select_n3A_623 : vector<16xi1>, vector<16xi32>
      %get3A_638 = arith.constant 45 : i32
      %get3A_639 = arith.index_cast %get3A_638 : i32 to index
      %get3A_640 = arith.index_cast %mul3A_14 : i32 to index
      %get3A_641 = tpu.vector_load %arg5[%get3A_639, %get3A_640] {strides = array<i32>} : memref<64x256xf32, #tpu.memory_space<vmem>>, vector<16xf32>,
      %broadcast_in_dim3A_642 = arith.constant 45 : i32
      %broadcast_in_dim3A_643 = vector.broadcast %broadcast_in_dim3A_642 : i32 to vector<16xi32>
      %gt3A_644 = arith.cmpf ogt, %get3A_641, %select_n3A_636 : vector<16xf32>
      %gt3A_645 = arith.cmpf ogt, %get3A_641, %select_n3A_633 : vector<16xf32>
      %select_n3A_646 = arith.select %gt3A_645, %get3A_641, %select_n3A_633 : vector<16xi1>, vector<16xf32>
      %select_n3A_647 = arith.select %gt3A_644, %select_n3A_636, %select_n3A_646 : vector<16xi1>, vector<16xf32>
      %select_n3A_648 = arith.select %gt3A_645, %broadcast_in_dim3A_643, %select_n3A_635 : vector<16xi1>, vector<16xi32>
      %select_n3A_649 = arith.select %gt3A_644, %select_n3A_637, %select_n3A_648 : vector<16xi1>, vector<16xi32>
      %select_n3A_650 = arith.select %gt3A_644, %get3A_641, %select_n3A_636 : vector<16xi1>, vector<16xf32>
      %select_n3A_651 = arith.select %gt3A_644, %broadcast_in_dim3A_643, %select_n3A_637 : vector<16xi1>, vector<16xi32>
      %get3A_652 = arith.constant 46 : i32
      %get3A_653 = arith.index_cast %get3A_652 : i32 to index
      %get3A_654 = arith.index_cast %mul3A_14 : i32 to index
      %get3A_655 = tpu.vector_load %arg5[%get3A_653, %get3A_654] {strides = array<i32>} : memref<64x256xf32, #tpu.memory_space<vmem>>, vector<16xf32>,
      %broadcast_in_dim3A_656 = arith.constant 46 : i32
      %broadcast_in_dim3A_657 = vector.broadcast %broadcast_in_dim3A_656 : i32 to vector<16xi32>
      %gt3A_658 = arith.cmpf ogt, %get3A_655, %select_n3A_650 : vector<16xf32>
      %gt3A_659 = arith.cmpf ogt, %get3A_655, %select_n3A_647 : vector<16xf32>
      %select_n3A_660 = arith.select %gt3A_659, %get3A_655, %select_n3A_647 : vector<16xi1>, vector<16xf32>
      %select_n3A_661 = arith.select %gt3A_658, %select_n3A_650, %select_n3A_660 : vector<16xi1>, vector<16xf32>
      %select_n3A_662 = arith.select %gt3A_659, %broadcast_in_dim3A_657, %select_n3A_649 : vector<16xi1>, vector<16xi32>
      %select_n3A_663 = arith.select %gt3A_658, %select_n3A_651, %select_n3A_662 : vector<16xi1>, vector<16xi32>
      %select_n3A_664 = arith.select %gt3A_658, %get3A_655, %select_n3A_650 : vector<16xi1>, vector<16xf32>
      %select_n3A_665 = arith.select %gt3A_658, %broadcast_in_dim3A_657, %select_n3A_651 : vector<16xi1>, vector<16xi32>
      %get3A_666 = arith.constant 47 : i32
      %get3A_667 = arith.index_cast %get3A_666 : i32 to index
      %get3A_668 = arith.index_cast %mul3A_14 : i32 to index
      %get3A_669 = tpu.vector_load %arg5[%get3A_667, %get3A_668] {strides = array<i32>} : memref<64x256xf32, #tpu.memory_space<vmem>>, vector<16xf32>,
      %broadcast_in_dim3A_670 = arith.constant 47 : i32
      %broadcast_in_dim3A_671 = vector.broadcast %broadcast_in_dim3A_670 : i32 to vector<16xi32>
      %gt3A_672 = arith.cmpf ogt, %get3A_669, %select_n3A_664 : vector<16xf32>
      %gt3A_673 = arith.cmpf ogt, %get3A_669, %select_n3A_661 : vector<16xf32>
      %select_n3A_674 = arith.select %gt3A_673, %get3A_669, %select_n3A_661 : vector<16xi1>, vector<16xf32>
      %select_n3A_675 = arith.select %gt3A_672, %select_n3A_664, %select_n3A_674 : vector<16xi1>, vector<16xf32>
      %select_n3A_676 = arith.select %gt3A_673, %broadcast_in_dim3A_671, %select_n3A_663 : vector<16xi1>, vector<16xi32>
      %select_n3A_677 = arith.select %gt3A_672, %select_n3A_665, %select_n3A_676 : vector<16xi1>, vector<16xi32>
      %select_n3A_678 = arith.select %gt3A_672, %get3A_669, %select_n3A_664 : vector<16xi1>, vector<16xf32>
      %select_n3A_679 = arith.select %gt3A_672, %broadcast_in_dim3A_671, %select_n3A_665 : vector<16xi1>, vector<16xi32>
      %get3A_680 = arith.constant 48 : i32
      %get3A_681 = arith.index_cast %get3A_680 : i32 to index
      %get3A_682 = arith.index_cast %mul3A_14 : i32 to index
      %get3A_683 = tpu.vector_load %arg5[%get3A_681, %get3A_682] {strides = array<i32>} : memref<64x256xf32, #tpu.memory_space<vmem>>, vector<16xf32>,
      %broadcast_in_dim3A_684 = arith.constant 48 : i32
      %broadcast_in_dim3A_685 = vector.broadcast %broadcast_in_dim3A_684 : i32 to vector<16xi32>
      %gt3A_686 = arith.cmpf ogt, %get3A_683, %select_n3A_678 : vector<16xf32>
      %gt3A_687 = arith.cmpf ogt, %get3A_683, %select_n3A_675 : vector<16xf32>
      %select_n3A_688 = arith.select %gt3A_687, %get3A_683, %select_n3A_675 : vector<16xi1>, vector<16xf32>
      %select_n3A_689 = arith.select %gt3A_686, %select_n3A_678, %select_n3A_688 : vector<16xi1>, vector<16xf32>
      %select_n3A_690 = arith.select %gt3A_687, %broadcast_in_dim3A_685, %select_n3A_677 : vector<16xi1>, vector<16xi32>
      %select_n3A_691 = arith.select %gt3A_686, %select_n3A_679, %select_n3A_690 : vector<16xi1>, vector<16xi32>
      %select_n3A_692 = arith.select %gt3A_686, %get3A_683, %select_n3A_678 : vector<16xi1>, vector<16xf32>
      %select_n3A_693 = arith.select %gt3A_686, %broadcast_in_dim3A_685, %select_n3A_679 : vector<16xi1>, vector<16xi32>
      %get3A_694 = arith.constant 49 : i32
      %get3A_695 = arith.index_cast %get3A_694 : i32 to index
      %get3A_696 = arith.index_cast %mul3A_14 : i32 to index
      %get3A_697 = tpu.vector_load %arg5[%get3A_695, %get3A_696] {strides = array<i32>} : memref<64x256xf32, #tpu.memory_space<vmem>>, vector<16xf32>,
      %broadcast_in_dim3A_698 = arith.constant 49 : i32
      %broadcast_in_dim3A_699 = vector.broadcast %broadcast_in_dim3A_698 : i32 to vector<16xi32>
      %gt3A_700 = arith.cmpf ogt, %get3A_697, %select_n3A_692 : vector<16xf32>
      %gt3A_701 = arith.cmpf ogt, %get3A_697, %select_n3A_689 : vector<16xf32>
      %select_n3A_702 = arith.select %gt3A_701, %get3A_697, %select_n3A_689 : vector<16xi1>, vector<16xf32>
      %select_n3A_703 = arith.select %gt3A_700, %select_n3A_692, %select_n3A_702 : vector<16xi1>, vector<16xf32>
      %select_n3A_704 = arith.select %gt3A_701, %broadcast_in_dim3A_699, %select_n3A_691 : vector<16xi1>, vector<16xi32>
      %select_n3A_705 = arith.select %gt3A_700, %select_n3A_693, %select_n3A_704 : vector<16xi1>, vector<16xi32>
      %select_n3A_706 = arith.select %gt3A_700, %get3A_697, %select_n3A_692 : vector<16xi1>, vector<16xf32>
      %select_n3A_707 = arith.select %gt3A_700, %broadcast_in_dim3A_699, %select_n3A_693 : vector<16xi1>, vector<16xi32>
      %get3A_708 = arith.constant 50 : i32
      %get3A_709 = arith.index_cast %get3A_708 : i32 to index
      %get3A_710 = arith.index_cast %mul3A_14 : i32 to index
      %get3A_711 = tpu.vector_load %arg5[%get3A_709, %get3A_710] {strides = array<i32>} : memref<64x256xf32, #tpu.memory_space<vmem>>, vector<16xf32>,
      %broadcast_in_dim3A_712 = arith.constant 50 : i32
      %broadcast_in_dim3A_713 = vector.broadcast %broadcast_in_dim3A_712 : i32 to vector<16xi32>
      %gt3A_714 = arith.cmpf ogt, %get3A_711, %select_n3A_706 : vector<16xf32>
      %gt3A_715 = arith.cmpf ogt, %get3A_711, %select_n3A_703 : vector<16xf32>
      %select_n3A_716 = arith.select %gt3A_715, %get3A_711, %select_n3A_703 : vector<16xi1>, vector<16xf32>
      %select_n3A_717 = arith.select %gt3A_714, %select_n3A_706, %select_n3A_716 : vector<16xi1>, vector<16xf32>
      %select_n3A_718 = arith.select %gt3A_715, %broadcast_in_dim3A_713, %select_n3A_705 : vector<16xi1>, vector<16xi32>
      %select_n3A_719 = arith.select %gt3A_714, %select_n3A_707, %select_n3A_718 : vector<16xi1>, vector<16xi32>
      %select_n3A_720 = arith.select %gt3A_714, %get3A_711, %select_n3A_706 : vector<16xi1>, vector<16xf32>
      %select_n3A_721 = arith.select %gt3A_714, %broadcast_in_dim3A_713, %select_n3A_707 : vector<16xi1>, vector<16xi32>
      %get3A_722 = arith.constant 51 : i32
      %get3A_723 = arith.index_cast %get3A_722 : i32 to index
      %get3A_724 = arith.index_cast %mul3A_14 : i32 to index
      %get3A_725 = tpu.vector_load %arg5[%get3A_723, %get3A_724] {strides = array<i32>} : memref<64x256xf32, #tpu.memory_space<vmem>>, vector<16xf32>,
      %broadcast_in_dim3A_726 = arith.constant 51 : i32
      %broadcast_in_dim3A_727 = vector.broadcast %broadcast_in_dim3A_726 : i32 to vector<16xi32>
      %gt3A_728 = arith.cmpf ogt, %get3A_725, %select_n3A_720 : vector<16xf32>
      %gt3A_729 = arith.cmpf ogt, %get3A_725, %select_n3A_717 : vector<16xf32>
      %select_n3A_730 = arith.select %gt3A_729, %get3A_725, %select_n3A_717 : vector<16xi1>, vector<16xf32>
      %select_n3A_731 = arith.select %gt3A_728, %select_n3A_720, %select_n3A_730 : vector<16xi1>, vector<16xf32>
      %select_n3A_732 = arith.select %gt3A_729, %broadcast_in_dim3A_727, %select_n3A_719 : vector<16xi1>, vector<16xi32>
      %select_n3A_733 = arith.select %gt3A_728, %select_n3A_721, %select_n3A_732 : vector<16xi1>, vector<16xi32>
      %select_n3A_734 = arith.select %gt3A_728, %get3A_725, %select_n3A_720 : vector<16xi1>, vector<16xf32>
      %select_n3A_735 = arith.select %gt3A_728, %broadcast_in_dim3A_727, %select_n3A_721 : vector<16xi1>, vector<16xi32>
      %get3A_736 = arith.constant 52 : i32
      %get3A_737 = arith.index_cast %get3A_736 : i32 to index
      %get3A_738 = arith.index_cast %mul3A_14 : i32 to index
      %get3A_739 = tpu.vector_load %arg5[%get3A_737, %get3A_738] {strides = array<i32>} : memref<64x256xf32, #tpu.memory_space<vmem>>, vector<16xf32>,
      %broadcast_in_dim3A_740 = arith.constant 52 : i32
      %broadcast_in_dim3A_741 = vector.broadcast %broadcast_in_dim3A_740 : i32 to vector<16xi32>
      %gt3A_742 = arith.cmpf ogt, %get3A_739, %select_n3A_734 : vector<16xf32>
      %gt3A_743 = arith.cmpf ogt, %get3A_739, %select_n3A_731 : vector<16xf32>
      %select_n3A_744 = arith.select %gt3A_743, %get3A_739, %select_n3A_731 : vector<16xi1>, vector<16xf32>
      %select_n3A_745 = arith.select %gt3A_742, %select_n3A_734, %select_n3A_744 : vector<16xi1>, vector<16xf32>
      %select_n3A_746 = arith.select %gt3A_743, %broadcast_in_dim3A_741, %select_n3A_733 : vector<16xi1>, vector<16xi32>
      %select_n3A_747 = arith.select %gt3A_742, %select_n3A_735, %select_n3A_746 : vector<16xi1>, vector<16xi32>
      %select_n3A_748 = arith.select %gt3A_742, %get3A_739, %select_n3A_734 : vector<16xi1>, vector<16xf32>
      %select_n3A_749 = arith.select %gt3A_742, %broadcast_in_dim3A_741, %select_n3A_735 : vector<16xi1>, vector<16xi32>
      %get3A_750 = arith.constant 53 : i32
      %get3A_751 = arith.index_cast %get3A_750 : i32 to index
      %get3A_752 = arith.index_cast %mul3A_14 : i32 to index
      %get3A_753 = tpu.vector_load %arg5[%get3A_751, %get3A_752] {strides = array<i32>} : memref<64x256xf32, #tpu.memory_space<vmem>>, vector<16xf32>,
      %broadcast_in_dim3A_754 = arith.constant 53 : i32
      %broadcast_in_dim3A_755 = vector.broadcast %broadcast_in_dim3A_754 : i32 to vector<16xi32>
      %gt3A_756 = arith.cmpf ogt, %get3A_753, %select_n3A_748 : vector<16xf32>
      %gt3A_757 = arith.cmpf ogt, %get3A_753, %select_n3A_745 : vector<16xf32>
      %select_n3A_758 = arith.select %gt3A_757, %get3A_753, %select_n3A_745 : vector<16xi1>, vector<16xf32>
      %select_n3A_759 = arith.select %gt3A_756, %select_n3A_748, %select_n3A_758 : vector<16xi1>, vector<16xf32>
      %select_n3A_760 = arith.select %gt3A_757, %broadcast_in_dim3A_755, %select_n3A_747 : vector<16xi1>, vector<16xi32>
      %select_n3A_761 = arith.select %gt3A_756, %select_n3A_749, %select_n3A_760 : vector<16xi1>, vector<16xi32>
      %select_n3A_762 = arith.select %gt3A_756, %get3A_753, %select_n3A_748 : vector<16xi1>, vector<16xf32>
      %select_n3A_763 = arith.select %gt3A_756, %broadcast_in_dim3A_755, %select_n3A_749 : vector<16xi1>, vector<16xi32>
      %get3A_764 = arith.constant 54 : i32
      %get3A_765 = arith.index_cast %get3A_764 : i32 to index
      %get3A_766 = arith.index_cast %mul3A_14 : i32 to index
      %get3A_767 = tpu.vector_load %arg5[%get3A_765, %get3A_766] {strides = array<i32>} : memref<64x256xf32, #tpu.memory_space<vmem>>, vector<16xf32>,
      %broadcast_in_dim3A_768 = arith.constant 54 : i32
      %broadcast_in_dim3A_769 = vector.broadcast %broadcast_in_dim3A_768 : i32 to vector<16xi32>
      %gt3A_770 = arith.cmpf ogt, %get3A_767, %select_n3A_762 : vector<16xf32>
      %gt3A_771 = arith.cmpf ogt, %get3A_767, %select_n3A_759 : vector<16xf32>
      %select_n3A_772 = arith.select %gt3A_771, %get3A_767, %select_n3A_759 : vector<16xi1>, vector<16xf32>
      %select_n3A_773 = arith.select %gt3A_770, %select_n3A_762, %select_n3A_772 : vector<16xi1>, vector<16xf32>
      %select_n3A_774 = arith.select %gt3A_771, %broadcast_in_dim3A_769, %select_n3A_761 : vector<16xi1>, vector<16xi32>
      %select_n3A_775 = arith.select %gt3A_770, %select_n3A_763, %select_n3A_774 : vector<16xi1>, vector<16xi32>
      %select_n3A_776 = arith.select %gt3A_770, %get3A_767, %select_n3A_762 : vector<16xi1>, vector<16xf32>
      %select_n3A_777 = arith.select %gt3A_770, %broadcast_in_dim3A_769, %select_n3A_763 : vector<16xi1>, vector<16xi32>
      %get3A_778 = arith.constant 55 : i32
      %get3A_779 = arith.index_cast %get3A_778 : i32 to index
      %get3A_780 = arith.index_cast %mul3A_14 : i32 to index
      %get3A_781 = tpu.vector_load %arg5[%get3A_779, %get3A_780] {strides = array<i32>} : memref<64x256xf32, #tpu.memory_space<vmem>>, vector<16xf32>,
      %broadcast_in_dim3A_782 = arith.constant 55 : i32
      %broadcast_in_dim3A_783 = vector.broadcast %broadcast_in_dim3A_782 : i32 to vector<16xi32>
      %gt3A_784 = arith.cmpf ogt, %get3A_781, %select_n3A_776 : vector<16xf32>
      %gt3A_785 = arith.cmpf ogt, %get3A_781, %select_n3A_773 : vector<16xf32>
      %select_n3A_786 = arith.select %gt3A_785, %get3A_781, %select_n3A_773 : vector<16xi1>, vector<16xf32>
      %select_n3A_787 = arith.select %gt3A_784, %select_n3A_776, %select_n3A_786 : vector<16xi1>, vector<16xf32>
      %select_n3A_788 = arith.select %gt3A_785, %broadcast_in_dim3A_783, %select_n3A_775 : vector<16xi1>, vector<16xi32>
      %select_n3A_789 = arith.select %gt3A_784, %select_n3A_777, %select_n3A_788 : vector<16xi1>, vector<16xi32>
      %select_n3A_790 = arith.select %gt3A_784, %get3A_781, %select_n3A_776 : vector<16xi1>, vector<16xf32>
      %select_n3A_791 = arith.select %gt3A_784, %broadcast_in_dim3A_783, %select_n3A_777 : vector<16xi1>, vector<16xi32>
      %get3A_792 = arith.constant 56 : i32
      %get3A_793 = arith.index_cast %get3A_792 : i32 to index
      %get3A_794 = arith.index_cast %mul3A_14 : i32 to index
      %get3A_795 = tpu.vector_load %arg5[%get3A_793, %get3A_794] {strides = array<i32>} : memref<64x256xf32, #tpu.memory_space<vmem>>, vector<16xf32>,
      %broadcast_in_dim3A_796 = arith.constant 56 : i32
      %broadcast_in_dim3A_797 = vector.broadcast %broadcast_in_dim3A_796 : i32 to vector<16xi32>
      %gt3A_798 = arith.cmpf ogt, %get3A_795, %select_n3A_790 : vector<16xf32>
      %gt3A_799 = arith.cmpf ogt, %get3A_795, %select_n3A_787 : vector<16xf32>
      %select_n3A_800 = arith.select %gt3A_799, %get3A_795, %select_n3A_787 : vector<16xi1>, vector<16xf32>
      %select_n3A_801 = arith.select %gt3A_798, %select_n3A_790, %select_n3A_800 : vector<16xi1>, vector<16xf32>
      %select_n3A_802 = arith.select %gt3A_799, %broadcast_in_dim3A_797, %select_n3A_789 : vector<16xi1>, vector<16xi32>
      %select_n3A_803 = arith.select %gt3A_798, %select_n3A_791, %select_n3A_802 : vector<16xi1>, vector<16xi32>
      %select_n3A_804 = arith.select %gt3A_798, %get3A_795, %select_n3A_790 : vector<16xi1>, vector<16xf32>
      %select_n3A_805 = arith.select %gt3A_798, %broadcast_in_dim3A_797, %select_n3A_791 : vector<16xi1>, vector<16xi32>
      %get3A_806 = arith.constant 57 : i32
      %get3A_807 = arith.index_cast %get3A_806 : i32 to index
      %get3A_808 = arith.index_cast %mul3A_14 : i32 to index
      %get3A_809 = tpu.vector_load %arg5[%get3A_807, %get3A_808] {strides = array<i32>} : memref<64x256xf32, #tpu.memory_space<vmem>>, vector<16xf32>,
      %broadcast_in_dim3A_810 = arith.constant 57 : i32
      %broadcast_in_dim3A_811 = vector.broadcast %broadcast_in_dim3A_810 : i32 to vector<16xi32>
      %gt3A_812 = arith.cmpf ogt, %get3A_809, %select_n3A_804 : vector<16xf32>
      %gt3A_813 = arith.cmpf ogt, %get3A_809, %select_n3A_801 : vector<16xf32>
      %select_n3A_814 = arith.select %gt3A_813, %get3A_809, %select_n3A_801 : vector<16xi1>, vector<16xf32>
      %select_n3A_815 = arith.select %gt3A_812, %select_n3A_804, %select_n3A_814 : vector<16xi1>, vector<16xf32>
      %select_n3A_816 = arith.select %gt3A_813, %broadcast_in_dim3A_811, %select_n3A_803 : vector<16xi1>, vector<16xi32>
      %select_n3A_817 = arith.select %gt3A_812, %select_n3A_805, %select_n3A_816 : vector<16xi1>, vector<16xi32>
      %select_n3A_818 = arith.select %gt3A_812, %get3A_809, %select_n3A_804 : vector<16xi1>, vector<16xf32>
      %select_n3A_819 = arith.select %gt3A_812, %broadcast_in_dim3A_811, %select_n3A_805 : vector<16xi1>, vector<16xi32>
      %get3A_820 = arith.constant 58 : i32
      %get3A_821 = arith.index_cast %get3A_820 : i32 to index
      %get3A_822 = arith.index_cast %mul3A_14 : i32 to index
      %get3A_823 = tpu.vector_load %arg5[%get3A_821, %get3A_822] {strides = array<i32>} : memref<64x256xf32, #tpu.memory_space<vmem>>, vector<16xf32>,
      %broadcast_in_dim3A_824 = arith.constant 58 : i32
      %broadcast_in_dim3A_825 = vector.broadcast %broadcast_in_dim3A_824 : i32 to vector<16xi32>
      %gt3A_826 = arith.cmpf ogt, %get3A_823, %select_n3A_818 : vector<16xf32>
      %gt3A_827 = arith.cmpf ogt, %get3A_823, %select_n3A_815 : vector<16xf32>
      %select_n3A_828 = arith.select %gt3A_827, %get3A_823, %select_n3A_815 : vector<16xi1>, vector<16xf32>
      %select_n3A_829 = arith.select %gt3A_826, %select_n3A_818, %select_n3A_828 : vector<16xi1>, vector<16xf32>
      %select_n3A_830 = arith.select %gt3A_827, %broadcast_in_dim3A_825, %select_n3A_817 : vector<16xi1>, vector<16xi32>
      %select_n3A_831 = arith.select %gt3A_826, %select_n3A_819, %select_n3A_830 : vector<16xi1>, vector<16xi32>
      %select_n3A_832 = arith.select %gt3A_826, %get3A_823, %select_n3A_818 : vector<16xi1>, vector<16xf32>
      %select_n3A_833 = arith.select %gt3A_826, %broadcast_in_dim3A_825, %select_n3A_819 : vector<16xi1>, vector<16xi32>
      %get3A_834 = arith.constant 59 : i32
      %get3A_835 = arith.index_cast %get3A_834 : i32 to index
      %get3A_836 = arith.index_cast %mul3A_14 : i32 to index
      %get3A_837 = tpu.vector_load %arg5[%get3A_835, %get3A_836] {strides = array<i32>} : memref<64x256xf32, #tpu.memory_space<vmem>>, vector<16xf32>,
      %broadcast_in_dim3A_838 = arith.constant 59 : i32
      %broadcast_in_dim3A_839 = vector.broadcast %broadcast_in_dim3A_838 : i32 to vector<16xi32>
      %gt3A_840 = arith.cmpf ogt, %get3A_837, %select_n3A_832 : vector<16xf32>
      %gt3A_841 = arith.cmpf ogt, %get3A_837, %select_n3A_829 : vector<16xf32>
      %select_n3A_842 = arith.select %gt3A_841, %get3A_837, %select_n3A_829 : vector<16xi1>, vector<16xf32>
      %select_n3A_843 = arith.select %gt3A_840, %select_n3A_832, %select_n3A_842 : vector<16xi1>, vector<16xf32>
      %select_n3A_844 = arith.select %gt3A_841, %broadcast_in_dim3A_839, %select_n3A_831 : vector<16xi1>, vector<16xi32>
      %select_n3A_845 = arith.select %gt3A_840, %select_n3A_833, %select_n3A_844 : vector<16xi1>, vector<16xi32>
      %select_n3A_846 = arith.select %gt3A_840, %get3A_837, %select_n3A_832 : vector<16xi1>, vector<16xf32>
      %select_n3A_847 = arith.select %gt3A_840, %broadcast_in_dim3A_839, %select_n3A_833 : vector<16xi1>, vector<16xi32>
      %get3A_848 = arith.constant 60 : i32
      %get3A_849 = arith.index_cast %get3A_848 : i32 to index
      %get3A_850 = arith.index_cast %mul3A_14 : i32 to index
      %get3A_851 = tpu.vector_load %arg5[%get3A_849, %get3A_850] {strides = array<i32>} : memref<64x256xf32, #tpu.memory_space<vmem>>, vector<16xf32>,
      %broadcast_in_dim3A_852 = arith.constant 60 : i32
      %broadcast_in_dim3A_853 = vector.broadcast %broadcast_in_dim3A_852 : i32 to vector<16xi32>
      %gt3A_854 = arith.cmpf ogt, %get3A_851, %select_n3A_846 : vector<16xf32>
      %gt3A_855 = arith.cmpf ogt, %get3A_851, %select_n3A_843 : vector<16xf32>
      %select_n3A_856 = arith.select %gt3A_855, %get3A_851, %select_n3A_843 : vector<16xi1>, vector<16xf32>
      %select_n3A_857 = arith.select %gt3A_854, %select_n3A_846, %select_n3A_856 : vector<16xi1>, vector<16xf32>
      %select_n3A_858 = arith.select %gt3A_855, %broadcast_in_dim3A_853, %select_n3A_845 : vector<16xi1>, vector<16xi32>
      %select_n3A_859 = arith.select %gt3A_854, %select_n3A_847, %select_n3A_858 : vector<16xi1>, vector<16xi32>
      %select_n3A_860 = arith.select %gt3A_854, %get3A_851, %select_n3A_846 : vector<16xi1>, vector<16xf32>
      %select_n3A_861 = arith.select %gt3A_854, %broadcast_in_dim3A_853, %select_n3A_847 : vector<16xi1>, vector<16xi32>
      %get3A_862 = arith.constant 61 : i32
      %get3A_863 = arith.index_cast %get3A_862 : i32 to index
      %get3A_864 = arith.index_cast %mul3A_14 : i32 to index
      %get3A_865 = tpu.vector_load %arg5[%get3A_863, %get3A_864] {strides = array<i32>} : memref<64x256xf32, #tpu.memory_space<vmem>>, vector<16xf32>,
      %broadcast_in_dim3A_866 = arith.constant 61 : i32
      %broadcast_in_dim3A_867 = vector.broadcast %broadcast_in_dim3A_866 : i32 to vector<16xi32>
      %gt3A_868 = arith.cmpf ogt, %get3A_865, %select_n3A_860 : vector<16xf32>
      %gt3A_869 = arith.cmpf ogt, %get3A_865, %select_n3A_857 : vector<16xf32>
      %select_n3A_870 = arith.select %gt3A_869, %get3A_865, %select_n3A_857 : vector<16xi1>, vector<16xf32>
      %select_n3A_871 = arith.select %gt3A_868, %select_n3A_860, %select_n3A_870 : vector<16xi1>, vector<16xf32>
      %select_n3A_872 = arith.select %gt3A_869, %broadcast_in_dim3A_867, %select_n3A_859 : vector<16xi1>, vector<16xi32>
      %select_n3A_873 = arith.select %gt3A_868, %select_n3A_861, %select_n3A_872 : vector<16xi1>, vector<16xi32>
      %select_n3A_874 = arith.select %gt3A_868, %get3A_865, %select_n3A_860 : vector<16xi1>, vector<16xf32>
      %select_n3A_875 = arith.select %gt3A_868, %broadcast_in_dim3A_867, %select_n3A_861 : vector<16xi1>, vector<16xi32>
      %get3A_876 = arith.constant 62 : i32
      %get3A_877 = arith.index_cast %get3A_876 : i32 to index
      %get3A_878 = arith.index_cast %mul3A_14 : i32 to index
      %get3A_879 = tpu.vector_load %arg5[%get3A_877, %get3A_878] {strides = array<i32>} : memref<64x256xf32, #tpu.memory_space<vmem>>, vector<16xf32>,
      %broadcast_in_dim3A_880 = arith.constant 62 : i32
      %broadcast_in_dim3A_881 = vector.broadcast %broadcast_in_dim3A_880 : i32 to vector<16xi32>
      %gt3A_882 = arith.cmpf ogt, %get3A_879, %select_n3A_874 : vector<16xf32>
      %gt3A_883 = arith.cmpf ogt, %get3A_879, %select_n3A_871 : vector<16xf32>
      %select_n3A_884 = arith.select %gt3A_883, %get3A_879, %select_n3A_871 : vector<16xi1>, vector<16xf32>
      %select_n3A_885 = arith.select %gt3A_882, %select_n3A_874, %select_n3A_884 : vector<16xi1>, vector<16xf32>
      %select_n3A_886 = arith.select %gt3A_883, %broadcast_in_dim3A_881, %select_n3A_873 : vector<16xi1>, vector<16xi32>
      %select_n3A_887 = arith.select %gt3A_882, %select_n3A_875, %select_n3A_886 : vector<16xi1>, vector<16xi32>
      %select_n3A_888 = arith.select %gt3A_882, %get3A_879, %select_n3A_874 : vector<16xi1>, vector<16xf32>
      %select_n3A_889 = arith.select %gt3A_882, %broadcast_in_dim3A_881, %select_n3A_875 : vector<16xi1>, vector<16xi32>
      %get3A_890 = arith.constant 63 : i32
      %get3A_891 = arith.index_cast %get3A_890 : i32 to index
      %get3A_892 = arith.index_cast %mul3A_14 : i32 to index
      %get3A_893 = tpu.vector_load %arg5[%get3A_891, %get3A_892] {strides = array<i32>} : memref<64x256xf32, #tpu.memory_space<vmem>>, vector<16xf32>,
      %broadcast_in_dim3A_894 = arith.constant 63 : i32
      %broadcast_in_dim3A_895 = vector.broadcast %broadcast_in_dim3A_894 : i32 to vector<16xi32>
      %gt3A_896 = arith.cmpf ogt, %get3A_893, %select_n3A_888 : vector<16xf32>
      %gt3A_897 = arith.cmpf ogt, %get3A_893, %select_n3A_885 : vector<16xf32>
      %select_n3A_898 = arith.select %gt3A_897, %get3A_893, %select_n3A_885 : vector<16xi1>, vector<16xf32>
      %select_n3A_899 = arith.select %gt3A_896, %select_n3A_888, %select_n3A_898 : vector<16xi1>, vector<16xf32>
      %select_n3A_900 = arith.select %gt3A_897, %broadcast_in_dim3A_895, %select_n3A_887 : vector<16xi1>, vector<16xi32>
      %select_n3A_901 = arith.select %gt3A_896, %select_n3A_889, %select_n3A_900 : vector<16xi1>, vector<16xi32>
      %select_n3A_902 = arith.select %gt3A_896, %get3A_893, %select_n3A_888 : vector<16xi1>, vector<16xf32>
      %select_n3A_903 = arith.select %gt3A_896, %broadcast_in_dim3A_895, %select_n3A_889 : vector<16xi1>, vector<16xi32>
      %get3A_904 = arith.constant 0 : i32
      %get3A_905 = arith.index_cast %get3A_904 : i32 to index
      %get3A_906 = arith.index_cast %add3A_16 : i32 to index
      %get3A_907 = tpu.vector_load %arg5[%get3A_905, %get3A_906] {strides = array<i32>} : memref<64x256xf32, #tpu.memory_space<vmem>>, vector<16xf32>,
      %broadcast_in_dim3A_908 = arith.constant 0 : i32
      %broadcast_in_dim3A_909 = vector.broadcast %broadcast_in_dim3A_908 : i32 to vector<16xi32>
      %broadcast_in_dim3A_910 = arith.constant 0xFF800000 : f32
      %broadcast_in_dim3A_911 = vector.broadcast %broadcast_in_dim3A_910 : f32 to vector<16xf32>
      %get3A_912 = arith.constant 1 : i32
      %get3A_913 = arith.index_cast %get3A_912 : i32 to index
      %get3A_914 = arith.index_cast %add3A_16 : i32 to index
      %get3A_915 = tpu.vector_load %arg5[%get3A_913, %get3A_914] {strides = array<i32>} : memref<64x256xf32, #tpu.memory_space<vmem>>, vector<16xf32>,
      %broadcast_in_dim3A_916 = arith.constant 1 : i32
      %broadcast_in_dim3A_917 = vector.broadcast %broadcast_in_dim3A_916 : i32 to vector<16xi32>
      %gt3A_918 = arith.cmpf ogt, %get3A_915, %get3A_907 : vector<16xf32>
      %gt3A_919 = arith.cmpf ogt, %get3A_915, %broadcast_in_dim3A_911 : vector<16xf32>
      %select_n3A_920 = arith.select %gt3A_919, %get3A_915, %broadcast_in_dim3A_911 : vector<16xi1>, vector<16xf32>
      %select_n3A_921 = arith.select %gt3A_918, %get3A_907, %select_n3A_920 : vector<16xi1>, vector<16xf32>
      %select_n3A_922 = arith.select %gt3A_919, %broadcast_in_dim3A_917, %broadcast_in_dim3A_909 : vector<16xi1>, vector<16xi32>
      %select_n3A_923 = arith.select %gt3A_918, %broadcast_in_dim3A_909, %select_n3A_922 : vector<16xi1>, vector<16xi32>
      %select_n3A_924 = arith.select %gt3A_918, %get3A_915, %get3A_907 : vector<16xi1>, vector<16xf32>
      %select_n3A_925 = arith.select %gt3A_918, %broadcast_in_dim3A_917, %broadcast_in_dim3A_909 : vector<16xi1>, vector<16xi32>
      %get3A_926 = arith.constant 2 : i32
      %get3A_927 = arith.index_cast %get3A_926 : i32 to index
      %get3A_928 = arith.index_cast %add3A_16 : i32 to index
      %get3A_929 = tpu.vector_load %arg5[%get3A_927, %get3A_928] {strides = array<i32>} : memref<64x256xf32, #tpu.memory_space<vmem>>, vector<16xf32>,
      %broadcast_in_dim3A_930 = arith.constant 2 : i32
      %broadcast_in_dim3A_931 = vector.broadcast %broadcast_in_dim3A_930 : i32 to vector<16xi32>
      %gt3A_932 = arith.cmpf ogt, %get3A_929, %select_n3A_924 : vector<16xf32>
      %gt3A_933 = arith.cmpf ogt, %get3A_929, %select_n3A_921 : vector<16xf32>
      %select_n3A_934 = arith.select %gt3A_933, %get3A_929, %select_n3A_921 : vector<16xi1>, vector<16xf32>
      %select_n3A_935 = arith.select %gt3A_932, %select_n3A_924, %select_n3A_934 : vector<16xi1>, vector<16xf32>
      %select_n3A_936 = arith.select %gt3A_933, %broadcast_in_dim3A_931, %select_n3A_923 : vector<16xi1>, vector<16xi32>
      %select_n3A_937 = arith.select %gt3A_932, %select_n3A_925, %select_n3A_936 : vector<16xi1>, vector<16xi32>
      %select_n3A_938 = arith.select %gt3A_932, %get3A_929, %select_n3A_924 : vector<16xi1>, vector<16xf32>
      %select_n3A_939 = arith.select %gt3A_932, %broadcast_in_dim3A_931, %select_n3A_925 : vector<16xi1>, vector<16xi32>
      %get3A_940 = arith.constant 3 : i32
      %get3A_941 = arith.index_cast %get3A_940 : i32 to index
      %get3A_942 = arith.index_cast %add3A_16 : i32 to index
      %get3A_943 = tpu.vector_load %arg5[%get3A_941, %get3A_942] {strides = array<i32>} : memref<64x256xf32, #tpu.memory_space<vmem>>, vector<16xf32>,
      %broadcast_in_dim3A_944 = arith.constant 3 : i32
      %broadcast_in_dim3A_945 = vector.broadcast %broadcast_in_dim3A_944 : i32 to vector<16xi32>
      %gt3A_946 = arith.cmpf ogt, %get3A_943, %select_n3A_938 : vector<16xf32>
      %gt3A_947 = arith.cmpf ogt, %get3A_943, %select_n3A_935 : vector<16xf32>
      %select_n3A_948 = arith.select %gt3A_947, %get3A_943, %select_n3A_935 : vector<16xi1>, vector<16xf32>
      %select_n3A_949 = arith.select %gt3A_946, %select_n3A_938, %select_n3A_948 : vector<16xi1>, vector<16xf32>
      %select_n3A_950 = arith.select %gt3A_947, %broadcast_in_dim3A_945, %select_n3A_937 : vector<16xi1>, vector<16xi32>
      %select_n3A_951 = arith.select %gt3A_946, %select_n3A_939, %select_n3A_950 : vector<16xi1>, vector<16xi32>
      %select_n3A_952 = arith.select %gt3A_946, %get3A_943, %select_n3A_938 : vector<16xi1>, vector<16xf32>
      %select_n3A_953 = arith.select %gt3A_946, %broadcast_in_dim3A_945, %select_n3A_939 : vector<16xi1>, vector<16xi32>
      %get3A_954 = arith.constant 4 : i32
      %get3A_955 = arith.index_cast %get3A_954 : i32 to index
      %get3A_956 = arith.index_cast %add3A_16 : i32 to index
      %get3A_957 = tpu.vector_load %arg5[%get3A_955, %get3A_956] {strides = array<i32>} : memref<64x256xf32, #tpu.memory_space<vmem>>, vector<16xf32>,
      %broadcast_in_dim3A_958 = arith.constant 4 : i32
      %broadcast_in_dim3A_959 = vector.broadcast %broadcast_in_dim3A_958 : i32 to vector<16xi32>
      %gt3A_960 = arith.cmpf ogt, %get3A_957, %select_n3A_952 : vector<16xf32>
      %gt3A_961 = arith.cmpf ogt, %get3A_957, %select_n3A_949 : vector<16xf32>
      %select_n3A_962 = arith.select %gt3A_961, %get3A_957, %select_n3A_949 : vector<16xi1>, vector<16xf32>
      %select_n3A_963 = arith.select %gt3A_960, %select_n3A_952, %select_n3A_962 : vector<16xi1>, vector<16xf32>
      %select_n3A_964 = arith.select %gt3A_961, %broadcast_in_dim3A_959, %select_n3A_951 : vector<16xi1>, vector<16xi32>
      %select_n3A_965 = arith.select %gt3A_960, %select_n3A_953, %select_n3A_964 : vector<16xi1>, vector<16xi32>
      %select_n3A_966 = arith.select %gt3A_960, %get3A_957, %select_n3A_952 : vector<16xi1>, vector<16xf32>
      %select_n3A_967 = arith.select %gt3A_960, %broadcast_in_dim3A_959, %select_n3A_953 : vector<16xi1>, vector<16xi32>
      %get3A_968 = arith.constant 5 : i32
      %get3A_969 = arith.index_cast %get3A_968 : i32 to index
      %get3A_970 = arith.index_cast %add3A_16 : i32 to index
      %get3A_971 = tpu.vector_load %arg5[%get3A_969, %get3A_970] {strides = array<i32>} : memref<64x256xf32, #tpu.memory_space<vmem>>, vector<16xf32>,
      %broadcast_in_dim3A_972 = arith.constant 5 : i32
      %broadcast_in_dim3A_973 = vector.broadcast %broadcast_in_dim3A_972 : i32 to vector<16xi32>
      %gt3A_974 = arith.cmpf ogt, %get3A_971, %select_n3A_966 : vector<16xf32>
      %gt3A_975 = arith.cmpf ogt, %get3A_971, %select_n3A_963 : vector<16xf32>
      %select_n3A_976 = arith.select %gt3A_975, %get3A_971, %select_n3A_963 : vector<16xi1>, vector<16xf32>
      %select_n3A_977 = arith.select %gt3A_974, %select_n3A_966, %select_n3A_976 : vector<16xi1>, vector<16xf32>
      %select_n3A_978 = arith.select %gt3A_975, %broadcast_in_dim3A_973, %select_n3A_965 : vector<16xi1>, vector<16xi32>
      %select_n3A_979 = arith.select %gt3A_974, %select_n3A_967, %select_n3A_978 : vector<16xi1>, vector<16xi32>
      %select_n3A_980 = arith.select %gt3A_974, %get3A_971, %select_n3A_966 : vector<16xi1>, vector<16xf32>
      %select_n3A_981 = arith.select %gt3A_974, %broadcast_in_dim3A_973, %select_n3A_967 : vector<16xi1>, vector<16xi32>
      %get3A_982 = arith.constant 6 : i32
      %get3A_983 = arith.index_cast %get3A_982 : i32 to index
      %get3A_984 = arith.index_cast %add3A_16 : i32 to index
      %get3A_985 = tpu.vector_load %arg5[%get3A_983, %get3A_984] {strides = array<i32>} : memref<64x256xf32, #tpu.memory_space<vmem>>, vector<16xf32>,
      %broadcast_in_dim3A_986 = arith.constant 6 : i32
      %broadcast_in_dim3A_987 = vector.broadcast %broadcast_in_dim3A_986 : i32 to vector<16xi32>
      %gt3A_988 = arith.cmpf ogt, %get3A_985, %select_n3A_980 : vector<16xf32>
      %gt3A_989 = arith.cmpf ogt, %get3A_985, %select_n3A_977 : vector<16xf32>
      %select_n3A_990 = arith.select %gt3A_989, %get3A_985, %select_n3A_977 : vector<16xi1>, vector<16xf32>
      %select_n3A_991 = arith.select %gt3A_988, %select_n3A_980, %select_n3A_990 : vector<16xi1>, vector<16xf32>
      %select_n3A_992 = arith.select %gt3A_989, %broadcast_in_dim3A_987, %select_n3A_979 : vector<16xi1>, vector<16xi32>
      %select_n3A_993 = arith.select %gt3A_988, %select_n3A_981, %select_n3A_992 : vector<16xi1>, vector<16xi32>
      %select_n3A_994 = arith.select %gt3A_988, %get3A_985, %select_n3A_980 : vector<16xi1>, vector<16xf32>
      %select_n3A_995 = arith.select %gt3A_988, %broadcast_in_dim3A_987, %select_n3A_981 : vector<16xi1>, vector<16xi32>
      %get3A_996 = arith.constant 7 : i32
      %get3A_997 = arith.index_cast %get3A_996 : i32 to index
      %get3A_998 = arith.index_cast %add3A_16 : i32 to index
      %get3A_999 = tpu.vector_load %arg5[%get3A_997, %get3A_998] {strides = array<i32>} : memref<64x256xf32, #tpu.memory_space<vmem>>, vector<16xf32>,
      %broadcast_in_dim3A_1000 = arith.constant 7 : i32
      %broadcast_in_dim3A_1001 = vector.broadcast %broadcast_in_dim3A_1000 : i32 to vector<16xi32>
      %gt3A_1002 = arith.cmpf ogt, %get3A_999, %select_n3A_994 : vector<16xf32>
      %gt3A_1003 = arith.cmpf ogt, %get3A_999, %select_n3A_991 : vector<16xf32>
      %select_n3A_1004 = arith.select %gt3A_1003, %get3A_999, %select_n3A_991 : vector<16xi1>, vector<16xf32>
      %select_n3A_1005 = arith.select %gt3A_1002, %select_n3A_994, %select_n3A_1004 : vector<16xi1>, vector<16xf32>
      %select_n3A_1006 = arith.select %gt3A_1003, %broadcast_in_dim3A_1001, %select_n3A_993 : vector<16xi1>, vector<16xi32>
      %select_n3A_1007 = arith.select %gt3A_1002, %select_n3A_995, %select_n3A_1006 : vector<16xi1>, vector<16xi32>
      %select_n3A_1008 = arith.select %gt3A_1002, %get3A_999, %select_n3A_994 : vector<16xi1>, vector<16xf32>
      %select_n3A_1009 = arith.select %gt3A_1002, %broadcast_in_dim3A_1001, %select_n3A_995 : vector<16xi1>, vector<16xi32>
      %get3A_1010 = arith.constant 8 : i32
      %get3A_1011 = arith.index_cast %get3A_1010 : i32 to index
      %get3A_1012 = arith.index_cast %add3A_16 : i32 to index
      %get3A_1013 = tpu.vector_load %arg5[%get3A_1011, %get3A_1012] {strides = array<i32>} : memref<64x256xf32, #tpu.memory_space<vmem>>, vector<16xf32>,
      %broadcast_in_dim3A_1014 = arith.constant 8 : i32
      %broadcast_in_dim3A_1015 = vector.broadcast %broadcast_in_dim3A_1014 : i32 to vector<16xi32>
      %gt3A_1016 = arith.cmpf ogt, %get3A_1013, %select_n3A_1008 : vector<16xf32>
      %gt3A_1017 = arith.cmpf ogt, %get3A_1013, %select_n3A_1005 : vector<16xf32>
      %select_n3A_1018 = arith.select %gt3A_1017, %get3A_1013, %select_n3A_1005 : vector<16xi1>, vector<16xf32>
      %select_n3A_1019 = arith.select %gt3A_1016, %select_n3A_1008, %select_n3A_1018 : vector<16xi1>, vector<16xf32>
      %select_n3A_1020 = arith.select %gt3A_1017, %broadcast_in_dim3A_1015, %select_n3A_1007 : vector<16xi1>, vector<16xi32>
      %select_n3A_1021 = arith.select %gt3A_1016, %select_n3A_1009, %select_n3A_1020 : vector<16xi1>, vector<16xi32>
      %select_n3A_1022 = arith.select %gt3A_1016, %get3A_1013, %select_n3A_1008 : vector<16xi1>, vector<16xf32>
      %select_n3A_1023 = arith.select %gt3A_1016, %broadcast_in_dim3A_1015, %select_n3A_1009 : vector<16xi1>, vector<16xi32>
      %get3A_1024 = arith.constant 9 : i32
      %get3A_1025 = arith.index_cast %get3A_1024 : i32 to index
      %get3A_1026 = arith.index_cast %add3A_16 : i32 to index
      %get3A_1027 = tpu.vector_load %arg5[%get3A_1025, %get3A_1026] {strides = array<i32>} : memref<64x256xf32, #tpu.memory_space<vmem>>, vector<16xf32>,
      %broadcast_in_dim3A_1028 = arith.constant 9 : i32
      %broadcast_in_dim3A_1029 = vector.broadcast %broadcast_in_dim3A_1028 : i32 to vector<16xi32>
      %gt3A_1030 = arith.cmpf ogt, %get3A_1027, %select_n3A_1022 : vector<16xf32>
      %gt3A_1031 = arith.cmpf ogt, %get3A_1027, %select_n3A_1019 : vector<16xf32>
      %select_n3A_1032 = arith.select %gt3A_1031, %get3A_1027, %select_n3A_1019 : vector<16xi1>, vector<16xf32>
      %select_n3A_1033 = arith.select %gt3A_1030, %select_n3A_1022, %select_n3A_1032 : vector<16xi1>, vector<16xf32>
      %select_n3A_1034 = arith.select %gt3A_1031, %broadcast_in_dim3A_1029, %select_n3A_1021 : vector<16xi1>, vector<16xi32>
      %select_n3A_1035 = arith.select %gt3A_1030, %select_n3A_1023, %select_n3A_1034 : vector<16xi1>, vector<16xi32>
      %select_n3A_1036 = arith.select %gt3A_1030, %get3A_1027, %select_n3A_1022 : vector<16xi1>, vector<16xf32>
      %select_n3A_1037 = arith.select %gt3A_1030, %broadcast_in_dim3A_1029, %select_n3A_1023 : vector<16xi1>, vector<16xi32>
      %get3A_1038 = arith.constant 10 : i32
      %get3A_1039 = arith.index_cast %get3A_1038 : i32 to index
      %get3A_1040 = arith.index_cast %add3A_16 : i32 to index
      %get3A_1041 = tpu.vector_load %arg5[%get3A_1039, %get3A_1040] {strides = array<i32>} : memref<64x256xf32, #tpu.memory_space<vmem>>, vector<16xf32>,
      %broadcast_in_dim3A_1042 = arith.constant 10 : i32
      %broadcast_in_dim3A_1043 = vector.broadcast %broadcast_in_dim3A_1042 : i32 to vector<16xi32>
      %gt3A_1044 = arith.cmpf ogt, %get3A_1041, %select_n3A_1036 : vector<16xf32>
      %gt3A_1045 = arith.cmpf ogt, %get3A_1041, %select_n3A_1033 : vector<16xf32>
      %select_n3A_1046 = arith.select %gt3A_1045, %get3A_1041, %select_n3A_1033 : vector<16xi1>, vector<16xf32>
      %select_n3A_1047 = arith.select %gt3A_1044, %select_n3A_1036, %select_n3A_1046 : vector<16xi1>, vector<16xf32>
      %select_n3A_1048 = arith.select %gt3A_1045, %broadcast_in_dim3A_1043, %select_n3A_1035 : vector<16xi1>, vector<16xi32>
      %select_n3A_1049 = arith.select %gt3A_1044, %select_n3A_1037, %select_n3A_1048 : vector<16xi1>, vector<16xi32>
      %select_n3A_1050 = arith.select %gt3A_1044, %get3A_1041, %select_n3A_1036 : vector<16xi1>, vector<16xf32>
      %select_n3A_1051 = arith.select %gt3A_1044, %broadcast_in_dim3A_1043, %select_n3A_1037 : vector<16xi1>, vector<16xi32>
      %get3A_1052 = arith.constant 11 : i32
      %get3A_1053 = arith.index_cast %get3A_1052 : i32 to index
      %get3A_1054 = arith.index_cast %add3A_16 : i32 to index
      %get3A_1055 = tpu.vector_load %arg5[%get3A_1053, %get3A_1054] {strides = array<i32>} : memref<64x256xf32, #tpu.memory_space<vmem>>, vector<16xf32>,
      %broadcast_in_dim3A_1056 = arith.constant 11 : i32
      %broadcast_in_dim3A_1057 = vector.broadcast %broadcast_in_dim3A_1056 : i32 to vector<16xi32>
      %gt3A_1058 = arith.cmpf ogt, %get3A_1055, %select_n3A_1050 : vector<16xf32>
      %gt3A_1059 = arith.cmpf ogt, %get3A_1055, %select_n3A_1047 : vector<16xf32>
      %select_n3A_1060 = arith.select %gt3A_1059, %get3A_1055, %select_n3A_1047 : vector<16xi1>, vector<16xf32>
      %select_n3A_1061 = arith.select %gt3A_1058, %select_n3A_1050, %select_n3A_1060 : vector<16xi1>, vector<16xf32>
      %select_n3A_1062 = arith.select %gt3A_1059, %broadcast_in_dim3A_1057, %select_n3A_1049 : vector<16xi1>, vector<16xi32>
      %select_n3A_1063 = arith.select %gt3A_1058, %select_n3A_1051, %select_n3A_1062 : vector<16xi1>, vector<16xi32>
      %select_n3A_1064 = arith.select %gt3A_1058, %get3A_1055, %select_n3A_1050 : vector<16xi1>, vector<16xf32>
      %select_n3A_1065 = arith.select %gt3A_1058, %broadcast_in_dim3A_1057, %select_n3A_1051 : vector<16xi1>, vector<16xi32>
      %get3A_1066 = arith.constant 12 : i32
      %get3A_1067 = arith.index_cast %get3A_1066 : i32 to index
      %get3A_1068 = arith.index_cast %add3A_16 : i32 to index
      %get3A_1069 = tpu.vector_load %arg5[%get3A_1067, %get3A_1068] {strides = array<i32>} : memref<64x256xf32, #tpu.memory_space<vmem>>, vector<16xf32>,
      %broadcast_in_dim3A_1070 = arith.constant 12 : i32
      %broadcast_in_dim3A_1071 = vector.broadcast %broadcast_in_dim3A_1070 : i32 to vector<16xi32>
      %gt3A_1072 = arith.cmpf ogt, %get3A_1069, %select_n3A_1064 : vector<16xf32>
      %gt3A_1073 = arith.cmpf ogt, %get3A_1069, %select_n3A_1061 : vector<16xf32>
      %select_n3A_1074 = arith.select %gt3A_1073, %get3A_1069, %select_n3A_1061 : vector<16xi1>, vector<16xf32>
      %select_n3A_1075 = arith.select %gt3A_1072, %select_n3A_1064, %select_n3A_1074 : vector<16xi1>, vector<16xf32>
      %select_n3A_1076 = arith.select %gt3A_1073, %broadcast_in_dim3A_1071, %select_n3A_1063 : vector<16xi1>, vector<16xi32>
      %select_n3A_1077 = arith.select %gt3A_1072, %select_n3A_1065, %select_n3A_1076 : vector<16xi1>, vector<16xi32>
      %select_n3A_1078 = arith.select %gt3A_1072, %get3A_1069, %select_n3A_1064 : vector<16xi1>, vector<16xf32>
      %select_n3A_1079 = arith.select %gt3A_1072, %broadcast_in_dim3A_1071, %select_n3A_1065 : vector<16xi1>, vector<16xi32>
      %get3A_1080 = arith.constant 13 : i32
      %get3A_1081 = arith.index_cast %get3A_1080 : i32 to index
      %get3A_1082 = arith.index_cast %add3A_16 : i32 to index
      %get3A_1083 = tpu.vector_load %arg5[%get3A_1081, %get3A_1082] {strides = array<i32>} : memref<64x256xf32, #tpu.memory_space<vmem>>, vector<16xf32>,
      %broadcast_in_dim3A_1084 = arith.constant 13 : i32
      %broadcast_in_dim3A_1085 = vector.broadcast %broadcast_in_dim3A_1084 : i32 to vector<16xi32>
      %gt3A_1086 = arith.cmpf ogt, %get3A_1083, %select_n3A_1078 : vector<16xf32>
      %gt3A_1087 = arith.cmpf ogt, %get3A_1083, %select_n3A_1075 : vector<16xf32>
      %select_n3A_1088 = arith.select %gt3A_1087, %get3A_1083, %select_n3A_1075 : vector<16xi1>, vector<16xf32>
      %select_n3A_1089 = arith.select %gt3A_1086, %select_n3A_1078, %select_n3A_1088 : vector<16xi1>, vector<16xf32>
      %select_n3A_1090 = arith.select %gt3A_1087, %broadcast_in_dim3A_1085, %select_n3A_1077 : vector<16xi1>, vector<16xi32>
      %select_n3A_1091 = arith.select %gt3A_1086, %select_n3A_1079, %select_n3A_1090 : vector<16xi1>, vector<16xi32>
      %select_n3A_1092 = arith.select %gt3A_1086, %get3A_1083, %select_n3A_1078 : vector<16xi1>, vector<16xf32>
      %select_n3A_1093 = arith.select %gt3A_1086, %broadcast_in_dim3A_1085, %select_n3A_1079 : vector<16xi1>, vector<16xi32>
      %get3A_1094 = arith.constant 14 : i32
      %get3A_1095 = arith.index_cast %get3A_1094 : i32 to index
      %get3A_1096 = arith.index_cast %add3A_16 : i32 to index
      %get3A_1097 = tpu.vector_load %arg5[%get3A_1095, %get3A_1096] {strides = array<i32>} : memref<64x256xf32, #tpu.memory_space<vmem>>, vector<16xf32>,
      %broadcast_in_dim3A_1098 = arith.constant 14 : i32
      %broadcast_in_dim3A_1099 = vector.broadcast %broadcast_in_dim3A_1098 : i32 to vector<16xi32>
      %gt3A_1100 = arith.cmpf ogt, %get3A_1097, %select_n3A_1092 : vector<16xf32>
      %gt3A_1101 = arith.cmpf ogt, %get3A_1097, %select_n3A_1089 : vector<16xf32>
      %select_n3A_1102 = arith.select %gt3A_1101, %get3A_1097, %select_n3A_1089 : vector<16xi1>, vector<16xf32>
      %select_n3A_1103 = arith.select %gt3A_1100, %select_n3A_1092, %select_n3A_1102 : vector<16xi1>, vector<16xf32>
      %select_n3A_1104 = arith.select %gt3A_1101, %broadcast_in_dim3A_1099, %select_n3A_1091 : vector<16xi1>, vector<16xi32>
      %select_n3A_1105 = arith.select %gt3A_1100, %select_n3A_1093, %select_n3A_1104 : vector<16xi1>, vector<16xi32>
      %select_n3A_1106 = arith.select %gt3A_1100, %get3A_1097, %select_n3A_1092 : vector<16xi1>, vector<16xf32>
      %select_n3A_1107 = arith.select %gt3A_1100, %broadcast_in_dim3A_1099, %select_n3A_1093 : vector<16xi1>, vector<16xi32>
      %get3A_1108 = arith.constant 15 : i32
      %get3A_1109 = arith.index_cast %get3A_1108 : i32 to index
      %get3A_1110 = arith.index_cast %add3A_16 : i32 to index
      %get3A_1111 = tpu.vector_load %arg5[%get3A_1109, %get3A_1110] {strides = array<i32>} : memref<64x256xf32, #tpu.memory_space<vmem>>, vector<16xf32>,
      %broadcast_in_dim3A_1112 = arith.constant 15 : i32
      %broadcast_in_dim3A_1113 = vector.broadcast %broadcast_in_dim3A_1112 : i32 to vector<16xi32>
      %gt3A_1114 = arith.cmpf ogt, %get3A_1111, %select_n3A_1106 : vector<16xf32>
      %gt3A_1115 = arith.cmpf ogt, %get3A_1111, %select_n3A_1103 : vector<16xf32>
      %select_n3A_1116 = arith.select %gt3A_1115, %get3A_1111, %select_n3A_1103 : vector<16xi1>, vector<16xf32>
      %select_n3A_1117 = arith.select %gt3A_1114, %select_n3A_1106, %select_n3A_1116 : vector<16xi1>, vector<16xf32>
      %select_n3A_1118 = arith.select %gt3A_1115, %broadcast_in_dim3A_1113, %select_n3A_1105 : vector<16xi1>, vector<16xi32>
      %select_n3A_1119 = arith.select %gt3A_1114, %select_n3A_1107, %select_n3A_1118 : vector<16xi1>, vector<16xi32>
      %select_n3A_1120 = arith.select %gt3A_1114, %get3A_1111, %select_n3A_1106 : vector<16xi1>, vector<16xf32>
      %select_n3A_1121 = arith.select %gt3A_1114, %broadcast_in_dim3A_1113, %select_n3A_1107 : vector<16xi1>, vector<16xi32>
      %get3A_1122 = arith.constant 16 : i32
      %get3A_1123 = arith.index_cast %get3A_1122 : i32 to index
      %get3A_1124 = arith.index_cast %add3A_16 : i32 to index
      %get3A_1125 = tpu.vector_load %arg5[%get3A_1123, %get3A_1124] {strides = array<i32>} : memref<64x256xf32, #tpu.memory_space<vmem>>, vector<16xf32>,
      %broadcast_in_dim3A_1126 = arith.constant 16 : i32
      %broadcast_in_dim3A_1127 = vector.broadcast %broadcast_in_dim3A_1126 : i32 to vector<16xi32>
      %gt3A_1128 = arith.cmpf ogt, %get3A_1125, %select_n3A_1120 : vector<16xf32>
      %gt3A_1129 = arith.cmpf ogt, %get3A_1125, %select_n3A_1117 : vector<16xf32>
      %select_n3A_1130 = arith.select %gt3A_1129, %get3A_1125, %select_n3A_1117 : vector<16xi1>, vector<16xf32>
      %select_n3A_1131 = arith.select %gt3A_1128, %select_n3A_1120, %select_n3A_1130 : vector<16xi1>, vector<16xf32>
      %select_n3A_1132 = arith.select %gt3A_1129, %broadcast_in_dim3A_1127, %select_n3A_1119 : vector<16xi1>, vector<16xi32>
      %select_n3A_1133 = arith.select %gt3A_1128, %select_n3A_1121, %select_n3A_1132 : vector<16xi1>, vector<16xi32>
      %select_n3A_1134 = arith.select %gt3A_1128, %get3A_1125, %select_n3A_1120 : vector<16xi1>, vector<16xf32>
      %select_n3A_1135 = arith.select %gt3A_1128, %broadcast_in_dim3A_1127, %select_n3A_1121 : vector<16xi1>, vector<16xi32>
      %get3A_1136 = arith.constant 17 : i32
      %get3A_1137 = arith.index_cast %get3A_1136 : i32 to index
      %get3A_1138 = arith.index_cast %add3A_16 : i32 to index
      %get3A_1139 = tpu.vector_load %arg5[%get3A_1137, %get3A_1138] {strides = array<i32>} : memref<64x256xf32, #tpu.memory_space<vmem>>, vector<16xf32>,
      %broadcast_in_dim3A_1140 = arith.constant 17 : i32
      %broadcast_in_dim3A_1141 = vector.broadcast %broadcast_in_dim3A_1140 : i32 to vector<16xi32>
      %gt3A_1142 = arith.cmpf ogt, %get3A_1139, %select_n3A_1134 : vector<16xf32>
      %gt3A_1143 = arith.cmpf ogt, %get3A_1139, %select_n3A_1131 : vector<16xf32>
      %select_n3A_1144 = arith.select %gt3A_1143, %get3A_1139, %select_n3A_1131 : vector<16xi1>, vector<16xf32>
      %select_n3A_1145 = arith.select %gt3A_1142, %select_n3A_1134, %select_n3A_1144 : vector<16xi1>, vector<16xf32>
      %select_n3A_1146 = arith.select %gt3A_1143, %broadcast_in_dim3A_1141, %select_n3A_1133 : vector<16xi1>, vector<16xi32>
      %select_n3A_1147 = arith.select %gt3A_1142, %select_n3A_1135, %select_n3A_1146 : vector<16xi1>, vector<16xi32>
      %select_n3A_1148 = arith.select %gt3A_1142, %get3A_1139, %select_n3A_1134 : vector<16xi1>, vector<16xf32>
      %select_n3A_1149 = arith.select %gt3A_1142, %broadcast_in_dim3A_1141, %select_n3A_1135 : vector<16xi1>, vector<16xi32>
      %get3A_1150 = arith.constant 18 : i32
      %get3A_1151 = arith.index_cast %get3A_1150 : i32 to index
      %get3A_1152 = arith.index_cast %add3A_16 : i32 to index
      %get3A_1153 = tpu.vector_load %arg5[%get3A_1151, %get3A_1152] {strides = array<i32>} : memref<64x256xf32, #tpu.memory_space<vmem>>, vector<16xf32>,
      %broadcast_in_dim3A_1154 = arith.constant 18 : i32
      %broadcast_in_dim3A_1155 = vector.broadcast %broadcast_in_dim3A_1154 : i32 to vector<16xi32>
      %gt3A_1156 = arith.cmpf ogt, %get3A_1153, %select_n3A_1148 : vector<16xf32>
      %gt3A_1157 = arith.cmpf ogt, %get3A_1153, %select_n3A_1145 : vector<16xf32>
      %select_n3A_1158 = arith.select %gt3A_1157, %get3A_1153, %select_n3A_1145 : vector<16xi1>, vector<16xf32>
      %select_n3A_1159 = arith.select %gt3A_1156, %select_n3A_1148, %select_n3A_1158 : vector<16xi1>, vector<16xf32>
      %select_n3A_1160 = arith.select %gt3A_1157, %broadcast_in_dim3A_1155, %select_n3A_1147 : vector<16xi1>, vector<16xi32>
      %select_n3A_1161 = arith.select %gt3A_1156, %select_n3A_1149, %select_n3A_1160 : vector<16xi1>, vector<16xi32>
      %select_n3A_1162 = arith.select %gt3A_1156, %get3A_1153, %select_n3A_1148 : vector<16xi1>, vector<16xf32>
      %select_n3A_1163 = arith.select %gt3A_1156, %broadcast_in_dim3A_1155, %select_n3A_1149 : vector<16xi1>, vector<16xi32>
      %get3A_1164 = arith.constant 19 : i32
      %get3A_1165 = arith.index_cast %get3A_1164 : i32 to index
      %get3A_1166 = arith.index_cast %add3A_16 : i32 to index
      %get3A_1167 = tpu.vector_load %arg5[%get3A_1165, %get3A_1166] {strides = array<i32>} : memref<64x256xf32, #tpu.memory_space<vmem>>, vector<16xf32>,
      %broadcast_in_dim3A_1168 = arith.constant 19 : i32
      %broadcast_in_dim3A_1169 = vector.broadcast %broadcast_in_dim3A_1168 : i32 to vector<16xi32>
      %gt3A_1170 = arith.cmpf ogt, %get3A_1167, %select_n3A_1162 : vector<16xf32>
      %gt3A_1171 = arith.cmpf ogt, %get3A_1167, %select_n3A_1159 : vector<16xf32>
      %select_n3A_1172 = arith.select %gt3A_1171, %get3A_1167, %select_n3A_1159 : vector<16xi1>, vector<16xf32>
      %select_n3A_1173 = arith.select %gt3A_1170, %select_n3A_1162, %select_n3A_1172 : vector<16xi1>, vector<16xf32>
      %select_n3A_1174 = arith.select %gt3A_1171, %broadcast_in_dim3A_1169, %select_n3A_1161 : vector<16xi1>, vector<16xi32>
      %select_n3A_1175 = arith.select %gt3A_1170, %select_n3A_1163, %select_n3A_1174 : vector<16xi1>, vector<16xi32>
      %select_n3A_1176 = arith.select %gt3A_1170, %get3A_1167, %select_n3A_1162 : vector<16xi1>, vector<16xf32>
      %select_n3A_1177 = arith.select %gt3A_1170, %broadcast_in_dim3A_1169, %select_n3A_1163 : vector<16xi1>, vector<16xi32>
      %get3A_1178 = arith.constant 20 : i32
      %get3A_1179 = arith.index_cast %get3A_1178 : i32 to index
      %get3A_1180 = arith.index_cast %add3A_16 : i32 to index
      %get3A_1181 = tpu.vector_load %arg5[%get3A_1179, %get3A_1180] {strides = array<i32>} : memref<64x256xf32, #tpu.memory_space<vmem>>, vector<16xf32>,
      %broadcast_in_dim3A_1182 = arith.constant 20 : i32
      %broadcast_in_dim3A_1183 = vector.broadcast %broadcast_in_dim3A_1182 : i32 to vector<16xi32>
      %gt3A_1184 = arith.cmpf ogt, %get3A_1181, %select_n3A_1176 : vector<16xf32>
      %gt3A_1185 = arith.cmpf ogt, %get3A_1181, %select_n3A_1173 : vector<16xf32>
      %select_n3A_1186 = arith.select %gt3A_1185, %get3A_1181, %select_n3A_1173 : vector<16xi1>, vector<16xf32>
      %select_n3A_1187 = arith.select %gt3A_1184, %select_n3A_1176, %select_n3A_1186 : vector<16xi1>, vector<16xf32>
      %select_n3A_1188 = arith.select %gt3A_1185, %broadcast_in_dim3A_1183, %select_n3A_1175 : vector<16xi1>, vector<16xi32>
      %select_n3A_1189 = arith.select %gt3A_1184, %select_n3A_1177, %select_n3A_1188 : vector<16xi1>, vector<16xi32>
      %select_n3A_1190 = arith.select %gt3A_1184, %get3A_1181, %select_n3A_1176 : vector<16xi1>, vector<16xf32>
      %select_n3A_1191 = arith.select %gt3A_1184, %broadcast_in_dim3A_1183, %select_n3A_1177 : vector<16xi1>, vector<16xi32>
      %get3A_1192 = arith.constant 21 : i32
      %get3A_1193 = arith.index_cast %get3A_1192 : i32 to index
      %get3A_1194 = arith.index_cast %add3A_16 : i32 to index
      %get3A_1195 = tpu.vector_load %arg5[%get3A_1193, %get3A_1194] {strides = array<i32>} : memref<64x256xf32, #tpu.memory_space<vmem>>, vector<16xf32>,
      %broadcast_in_dim3A_1196 = arith.constant 21 : i32
      %broadcast_in_dim3A_1197 = vector.broadcast %broadcast_in_dim3A_1196 : i32 to vector<16xi32>
      %gt3A_1198 = arith.cmpf ogt, %get3A_1195, %select_n3A_1190 : vector<16xf32>
      %gt3A_1199 = arith.cmpf ogt, %get3A_1195, %select_n3A_1187 : vector<16xf32>
      %select_n3A_1200 = arith.select %gt3A_1199, %get3A_1195, %select_n3A_1187 : vector<16xi1>, vector<16xf32>
      %select_n3A_1201 = arith.select %gt3A_1198, %select_n3A_1190, %select_n3A_1200 : vector<16xi1>, vector<16xf32>
      %select_n3A_1202 = arith.select %gt3A_1199, %broadcast_in_dim3A_1197, %select_n3A_1189 : vector<16xi1>, vector<16xi32>
      %select_n3A_1203 = arith.select %gt3A_1198, %select_n3A_1191, %select_n3A_1202 : vector<16xi1>, vector<16xi32>
      %select_n3A_1204 = arith.select %gt3A_1198, %get3A_1195, %select_n3A_1190 : vector<16xi1>, vector<16xf32>
      %select_n3A_1205 = arith.select %gt3A_1198, %broadcast_in_dim3A_1197, %select_n3A_1191 : vector<16xi1>, vector<16xi32>
      %get3A_1206 = arith.constant 22 : i32
      %get3A_1207 = arith.index_cast %get3A_1206 : i32 to index
      %get3A_1208 = arith.index_cast %add3A_16 : i32 to index
      %get3A_1209 = tpu.vector_load %arg5[%get3A_1207, %get3A_1208] {strides = array<i32>} : memref<64x256xf32, #tpu.memory_space<vmem>>, vector<16xf32>,
      %broadcast_in_dim3A_1210 = arith.constant 22 : i32
      %broadcast_in_dim3A_1211 = vector.broadcast %broadcast_in_dim3A_1210 : i32 to vector<16xi32>
      %gt3A_1212 = arith.cmpf ogt, %get3A_1209, %select_n3A_1204 : vector<16xf32>
      %gt3A_1213 = arith.cmpf ogt, %get3A_1209, %select_n3A_1201 : vector<16xf32>
      %select_n3A_1214 = arith.select %gt3A_1213, %get3A_1209, %select_n3A_1201 : vector<16xi1>, vector<16xf32>
      %select_n3A_1215 = arith.select %gt3A_1212, %select_n3A_1204, %select_n3A_1214 : vector<16xi1>, vector<16xf32>
      %select_n3A_1216 = arith.select %gt3A_1213, %broadcast_in_dim3A_1211, %select_n3A_1203 : vector<16xi1>, vector<16xi32>
      %select_n3A_1217 = arith.select %gt3A_1212, %select_n3A_1205, %select_n3A_1216 : vector<16xi1>, vector<16xi32>
      %select_n3A_1218 = arith.select %gt3A_1212, %get3A_1209, %select_n3A_1204 : vector<16xi1>, vector<16xf32>
      %select_n3A_1219 = arith.select %gt3A_1212, %broadcast_in_dim3A_1211, %select_n3A_1205 : vector<16xi1>, vector<16xi32>
      %get3A_1220 = arith.constant 23 : i32
      %get3A_1221 = arith.index_cast %get3A_1220 : i32 to index
      %get3A_1222 = arith.index_cast %add3A_16 : i32 to index
      %get3A_1223 = tpu.vector_load %arg5[%get3A_1221, %get3A_1222] {strides = array<i32>} : memref<64x256xf32, #tpu.memory_space<vmem>>, vector<16xf32>,
      %broadcast_in_dim3A_1224 = arith.constant 23 : i32
      %broadcast_in_dim3A_1225 = vector.broadcast %broadcast_in_dim3A_1224 : i32 to vector<16xi32>
      %gt3A_1226 = arith.cmpf ogt, %get3A_1223, %select_n3A_1218 : vector<16xf32>
      %gt3A_1227 = arith.cmpf ogt, %get3A_1223, %select_n3A_1215 : vector<16xf32>
      %select_n3A_1228 = arith.select %gt3A_1227, %get3A_1223, %select_n3A_1215 : vector<16xi1>, vector<16xf32>
      %select_n3A_1229 = arith.select %gt3A_1226, %select_n3A_1218, %select_n3A_1228 : vector<16xi1>, vector<16xf32>
      %select_n3A_1230 = arith.select %gt3A_1227, %broadcast_in_dim3A_1225, %select_n3A_1217 : vector<16xi1>, vector<16xi32>
      %select_n3A_1231 = arith.select %gt3A_1226, %select_n3A_1219, %select_n3A_1230 : vector<16xi1>, vector<16xi32>
      %select_n3A_1232 = arith.select %gt3A_1226, %get3A_1223, %select_n3A_1218 : vector<16xi1>, vector<16xf32>
      %select_n3A_1233 = arith.select %gt3A_1226, %broadcast_in_dim3A_1225, %select_n3A_1219 : vector<16xi1>, vector<16xi32>
      %get3A_1234 = arith.constant 24 : i32
      %get3A_1235 = arith.index_cast %get3A_1234 : i32 to index
      %get3A_1236 = arith.index_cast %add3A_16 : i32 to index
      %get3A_1237 = tpu.vector_load %arg5[%get3A_1235, %get3A_1236] {strides = array<i32>} : memref<64x256xf32, #tpu.memory_space<vmem>>, vector<16xf32>,
      %broadcast_in_dim3A_1238 = arith.constant 24 : i32
      %broadcast_in_dim3A_1239 = vector.broadcast %broadcast_in_dim3A_1238 : i32 to vector<16xi32>
      %gt3A_1240 = arith.cmpf ogt, %get3A_1237, %select_n3A_1232 : vector<16xf32>
      %gt3A_1241 = arith.cmpf ogt, %get3A_1237, %select_n3A_1229 : vector<16xf32>
      %select_n3A_1242 = arith.select %gt3A_1241, %get3A_1237, %select_n3A_1229 : vector<16xi1>, vector<16xf32>
      %select_n3A_1243 = arith.select %gt3A_1240, %select_n3A_1232, %select_n3A_1242 : vector<16xi1>, vector<16xf32>
      %select_n3A_1244 = arith.select %gt3A_1241, %broadcast_in_dim3A_1239, %select_n3A_1231 : vector<16xi1>, vector<16xi32>
      %select_n3A_1245 = arith.select %gt3A_1240, %select_n3A_1233, %select_n3A_1244 : vector<16xi1>, vector<16xi32>
      %select_n3A_1246 = arith.select %gt3A_1240, %get3A_1237, %select_n3A_1232 : vector<16xi1>, vector<16xf32>
      %select_n3A_1247 = arith.select %gt3A_1240, %broadcast_in_dim3A_1239, %select_n3A_1233 : vector<16xi1>, vector<16xi32>
      %get3A_1248 = arith.constant 25 : i32
      %get3A_1249 = arith.index_cast %get3A_1248 : i32 to index
      %get3A_1250 = arith.index_cast %add3A_16 : i32 to index
      %get3A_1251 = tpu.vector_load %arg5[%get3A_1249, %get3A_1250] {strides = array<i32>} : memref<64x256xf32, #tpu.memory_space<vmem>>, vector<16xf32>,
      %broadcast_in_dim3A_1252 = arith.constant 25 : i32
      %broadcast_in_dim3A_1253 = vector.broadcast %broadcast_in_dim3A_1252 : i32 to vector<16xi32>
      %gt3A_1254 = arith.cmpf ogt, %get3A_1251, %select_n3A_1246 : vector<16xf32>
      %gt3A_1255 = arith.cmpf ogt, %get3A_1251, %select_n3A_1243 : vector<16xf32>
      %select_n3A_1256 = arith.select %gt3A_1255, %get3A_1251, %select_n3A_1243 : vector<16xi1>, vector<16xf32>
      %select_n3A_1257 = arith.select %gt3A_1254, %select_n3A_1246, %select_n3A_1256 : vector<16xi1>, vector<16xf32>
      %select_n3A_1258 = arith.select %gt3A_1255, %broadcast_in_dim3A_1253, %select_n3A_1245 : vector<16xi1>, vector<16xi32>
      %select_n3A_1259 = arith.select %gt3A_1254, %select_n3A_1247, %select_n3A_1258 : vector<16xi1>, vector<16xi32>
      %select_n3A_1260 = arith.select %gt3A_1254, %get3A_1251, %select_n3A_1246 : vector<16xi1>, vector<16xf32>
      %select_n3A_1261 = arith.select %gt3A_1254, %broadcast_in_dim3A_1253, %select_n3A_1247 : vector<16xi1>, vector<16xi32>
      %get3A_1262 = arith.constant 26 : i32
      %get3A_1263 = arith.index_cast %get3A_1262 : i32 to index
      %get3A_1264 = arith.index_cast %add3A_16 : i32 to index
      %get3A_1265 = tpu.vector_load %arg5[%get3A_1263, %get3A_1264] {strides = array<i32>} : memref<64x256xf32, #tpu.memory_space<vmem>>, vector<16xf32>,
      %broadcast_in_dim3A_1266 = arith.constant 26 : i32
      %broadcast_in_dim3A_1267 = vector.broadcast %broadcast_in_dim3A_1266 : i32 to vector<16xi32>
      %gt3A_1268 = arith.cmpf ogt, %get3A_1265, %select_n3A_1260 : vector<16xf32>
      %gt3A_1269 = arith.cmpf ogt, %get3A_1265, %select_n3A_1257 : vector<16xf32>
      %select_n3A_1270 = arith.select %gt3A_1269, %get3A_1265, %select_n3A_1257 : vector<16xi1>, vector<16xf32>
      %select_n3A_1271 = arith.select %gt3A_1268, %select_n3A_1260, %select_n3A_1270 : vector<16xi1>, vector<16xf32>
      %select_n3A_1272 = arith.select %gt3A_1269, %broadcast_in_dim3A_1267, %select_n3A_1259 : vector<16xi1>, vector<16xi32>
      %select_n3A_1273 = arith.select %gt3A_1268, %select_n3A_1261, %select_n3A_1272 : vector<16xi1>, vector<16xi32>
      %select_n3A_1274 = arith.select %gt3A_1268, %get3A_1265, %select_n3A_1260 : vector<16xi1>, vector<16xf32>
      %select_n3A_1275 = arith.select %gt3A_1268, %broadcast_in_dim3A_1267, %select_n3A_1261 : vector<16xi1>, vector<16xi32>
      %get3A_1276 = arith.constant 27 : i32
      %get3A_1277 = arith.index_cast %get3A_1276 : i32 to index
      %get3A_1278 = arith.index_cast %add3A_16 : i32 to index
      %get3A_1279 = tpu.vector_load %arg5[%get3A_1277, %get3A_1278] {strides = array<i32>} : memref<64x256xf32, #tpu.memory_space<vmem>>, vector<16xf32>,
      %broadcast_in_dim3A_1280 = arith.constant 27 : i32
      %broadcast_in_dim3A_1281 = vector.broadcast %broadcast_in_dim3A_1280 : i32 to vector<16xi32>
      %gt3A_1282 = arith.cmpf ogt, %get3A_1279, %select_n3A_1274 : vector<16xf32>
      %gt3A_1283 = arith.cmpf ogt, %get3A_1279, %select_n3A_1271 : vector<16xf32>
      %select_n3A_1284 = arith.select %gt3A_1283, %get3A_1279, %select_n3A_1271 : vector<16xi1>, vector<16xf32>
      %select_n3A_1285 = arith.select %gt3A_1282, %select_n3A_1274, %select_n3A_1284 : vector<16xi1>, vector<16xf32>
      %select_n3A_1286 = arith.select %gt3A_1283, %broadcast_in_dim3A_1281, %select_n3A_1273 : vector<16xi1>, vector<16xi32>
      %select_n3A_1287 = arith.select %gt3A_1282, %select_n3A_1275, %select_n3A_1286 : vector<16xi1>, vector<16xi32>
      %select_n3A_1288 = arith.select %gt3A_1282, %get3A_1279, %select_n3A_1274 : vector<16xi1>, vector<16xf32>
      %select_n3A_1289 = arith.select %gt3A_1282, %broadcast_in_dim3A_1281, %select_n3A_1275 : vector<16xi1>, vector<16xi32>
      %get3A_1290 = arith.constant 28 : i32
      %get3A_1291 = arith.index_cast %get3A_1290 : i32 to index
      %get3A_1292 = arith.index_cast %add3A_16 : i32 to index
      %get3A_1293 = tpu.vector_load %arg5[%get3A_1291, %get3A_1292] {strides = array<i32>} : memref<64x256xf32, #tpu.memory_space<vmem>>, vector<16xf32>,
      %broadcast_in_dim3A_1294 = arith.constant 28 : i32
      %broadcast_in_dim3A_1295 = vector.broadcast %broadcast_in_dim3A_1294 : i32 to vector<16xi32>
      %gt3A_1296 = arith.cmpf ogt, %get3A_1293, %select_n3A_1288 : vector<16xf32>
      %gt3A_1297 = arith.cmpf ogt, %get3A_1293, %select_n3A_1285 : vector<16xf32>
      %select_n3A_1298 = arith.select %gt3A_1297, %get3A_1293, %select_n3A_1285 : vector<16xi1>, vector<16xf32>
      %select_n3A_1299 = arith.select %gt3A_1296, %select_n3A_1288, %select_n3A_1298 : vector<16xi1>, vector<16xf32>
      %select_n3A_1300 = arith.select %gt3A_1297, %broadcast_in_dim3A_1295, %select_n3A_1287 : vector<16xi1>, vector<16xi32>
      %select_n3A_1301 = arith.select %gt3A_1296, %select_n3A_1289, %select_n3A_1300 : vector<16xi1>, vector<16xi32>
      %select_n3A_1302 = arith.select %gt3A_1296, %get3A_1293, %select_n3A_1288 : vector<16xi1>, vector<16xf32>
      %select_n3A_1303 = arith.select %gt3A_1296, %broadcast_in_dim3A_1295, %select_n3A_1289 : vector<16xi1>, vector<16xi32>
      %get3A_1304 = arith.constant 29 : i32
      %get3A_1305 = arith.index_cast %get3A_1304 : i32 to index
      %get3A_1306 = arith.index_cast %add3A_16 : i32 to index
      %get3A_1307 = tpu.vector_load %arg5[%get3A_1305, %get3A_1306] {strides = array<i32>} : memref<64x256xf32, #tpu.memory_space<vmem>>, vector<16xf32>,
      %broadcast_in_dim3A_1308 = arith.constant 29 : i32
      %broadcast_in_dim3A_1309 = vector.broadcast %broadcast_in_dim3A_1308 : i32 to vector<16xi32>
      %gt3A_1310 = arith.cmpf ogt, %get3A_1307, %select_n3A_1302 : vector<16xf32>
      %gt3A_1311 = arith.cmpf ogt, %get3A_1307, %select_n3A_1299 : vector<16xf32>
      %select_n3A_1312 = arith.select %gt3A_1311, %get3A_1307, %select_n3A_1299 : vector<16xi1>, vector<16xf32>
      %select_n3A_1313 = arith.select %gt3A_1310, %select_n3A_1302, %select_n3A_1312 : vector<16xi1>, vector<16xf32>
      %select_n3A_1314 = arith.select %gt3A_1311, %broadcast_in_dim3A_1309, %select_n3A_1301 : vector<16xi1>, vector<16xi32>
      %select_n3A_1315 = arith.select %gt3A_1310, %select_n3A_1303, %select_n3A_1314 : vector<16xi1>, vector<16xi32>
      %select_n3A_1316 = arith.select %gt3A_1310, %get3A_1307, %select_n3A_1302 : vector<16xi1>, vector<16xf32>
      %select_n3A_1317 = arith.select %gt3A_1310, %broadcast_in_dim3A_1309, %select_n3A_1303 : vector<16xi1>, vector<16xi32>
      %get3A_1318 = arith.constant 30 : i32
      %get3A_1319 = arith.index_cast %get3A_1318 : i32 to index
      %get3A_1320 = arith.index_cast %add3A_16 : i32 to index
      %get3A_1321 = tpu.vector_load %arg5[%get3A_1319, %get3A_1320] {strides = array<i32>} : memref<64x256xf32, #tpu.memory_space<vmem>>, vector<16xf32>,
      %broadcast_in_dim3A_1322 = arith.constant 30 : i32
      %broadcast_in_dim3A_1323 = vector.broadcast %broadcast_in_dim3A_1322 : i32 to vector<16xi32>
      %gt3A_1324 = arith.cmpf ogt, %get3A_1321, %select_n3A_1316 : vector<16xf32>
      %gt3A_1325 = arith.cmpf ogt, %get3A_1321, %select_n3A_1313 : vector<16xf32>
      %select_n3A_1326 = arith.select %gt3A_1325, %get3A_1321, %select_n3A_1313 : vector<16xi1>, vector<16xf32>
      %select_n3A_1327 = arith.select %gt3A_1324, %select_n3A_1316, %select_n3A_1326 : vector<16xi1>, vector<16xf32>
      %select_n3A_1328 = arith.select %gt3A_1325, %broadcast_in_dim3A_1323, %select_n3A_1315 : vector<16xi1>, vector<16xi32>
      %select_n3A_1329 = arith.select %gt3A_1324, %select_n3A_1317, %select_n3A_1328 : vector<16xi1>, vector<16xi32>
      %select_n3A_1330 = arith.select %gt3A_1324, %get3A_1321, %select_n3A_1316 : vector<16xi1>, vector<16xf32>
      %select_n3A_1331 = arith.select %gt3A_1324, %broadcast_in_dim3A_1323, %select_n3A_1317 : vector<16xi1>, vector<16xi32>
      %get3A_1332 = arith.constant 31 : i32
      %get3A_1333 = arith.index_cast %get3A_1332 : i32 to index
      %get3A_1334 = arith.index_cast %add3A_16 : i32 to index
      %get3A_1335 = tpu.vector_load %arg5[%get3A_1333, %get3A_1334] {strides = array<i32>} : memref<64x256xf32, #tpu.memory_space<vmem>>, vector<16xf32>,
      %broadcast_in_dim3A_1336 = arith.constant 31 : i32
      %broadcast_in_dim3A_1337 = vector.broadcast %broadcast_in_dim3A_1336 : i32 to vector<16xi32>
      %gt3A_1338 = arith.cmpf ogt, %get3A_1335, %select_n3A_1330 : vector<16xf32>
      %gt3A_1339 = arith.cmpf ogt, %get3A_1335, %select_n3A_1327 : vector<16xf32>
      %select_n3A_1340 = arith.select %gt3A_1339, %get3A_1335, %select_n3A_1327 : vector<16xi1>, vector<16xf32>
      %select_n3A_1341 = arith.select %gt3A_1338, %select_n3A_1330, %select_n3A_1340 : vector<16xi1>, vector<16xf32>
      %select_n3A_1342 = arith.select %gt3A_1339, %broadcast_in_dim3A_1337, %select_n3A_1329 : vector<16xi1>, vector<16xi32>
      %select_n3A_1343 = arith.select %gt3A_1338, %select_n3A_1331, %select_n3A_1342 : vector<16xi1>, vector<16xi32>
      %select_n3A_1344 = arith.select %gt3A_1338, %get3A_1335, %select_n3A_1330 : vector<16xi1>, vector<16xf32>
      %select_n3A_1345 = arith.select %gt3A_1338, %broadcast_in_dim3A_1337, %select_n3A_1331 : vector<16xi1>, vector<16xi32>
      %get3A_1346 = arith.constant 32 : i32
      %get3A_1347 = arith.index_cast %get3A_1346 : i32 to index
      %get3A_1348 = arith.index_cast %add3A_16 : i32 to index
      %get3A_1349 = tpu.vector_load %arg5[%get3A_1347, %get3A_1348] {strides = array<i32>} : memref<64x256xf32, #tpu.memory_space<vmem>>, vector<16xf32>,
      %broadcast_in_dim3A_1350 = arith.constant 32 : i32
      %broadcast_in_dim3A_1351 = vector.broadcast %broadcast_in_dim3A_1350 : i32 to vector<16xi32>
      %gt3A_1352 = arith.cmpf ogt, %get3A_1349, %select_n3A_1344 : vector<16xf32>
      %gt3A_1353 = arith.cmpf ogt, %get3A_1349, %select_n3A_1341 : vector<16xf32>
      %select_n3A_1354 = arith.select %gt3A_1353, %get3A_1349, %select_n3A_1341 : vector<16xi1>, vector<16xf32>
      %select_n3A_1355 = arith.select %gt3A_1352, %select_n3A_1344, %select_n3A_1354 : vector<16xi1>, vector<16xf32>
      %select_n3A_1356 = arith.select %gt3A_1353, %broadcast_in_dim3A_1351, %select_n3A_1343 : vector<16xi1>, vector<16xi32>
      %select_n3A_1357 = arith.select %gt3A_1352, %select_n3A_1345, %select_n3A_1356 : vector<16xi1>, vector<16xi32>
      %select_n3A_1358 = arith.select %gt3A_1352, %get3A_1349, %select_n3A_1344 : vector<16xi1>, vector<16xf32>
      %select_n3A_1359 = arith.select %gt3A_1352, %broadcast_in_dim3A_1351, %select_n3A_1345 : vector<16xi1>, vector<16xi32>
      %get3A_1360 = arith.constant 33 : i32
      %get3A_1361 = arith.index_cast %get3A_1360 : i32 to index
      %get3A_1362 = arith.index_cast %add3A_16 : i32 to index
      %get3A_1363 = tpu.vector_load %arg5[%get3A_1361, %get3A_1362] {strides = array<i32>} : memref<64x256xf32, #tpu.memory_space<vmem>>, vector<16xf32>,
      %broadcast_in_dim3A_1364 = arith.constant 33 : i32
      %broadcast_in_dim3A_1365 = vector.broadcast %broadcast_in_dim3A_1364 : i32 to vector<16xi32>
      %gt3A_1366 = arith.cmpf ogt, %get3A_1363, %select_n3A_1358 : vector<16xf32>
      %gt3A_1367 = arith.cmpf ogt, %get3A_1363, %select_n3A_1355 : vector<16xf32>
      %select_n3A_1368 = arith.select %gt3A_1367, %get3A_1363, %select_n3A_1355 : vector<16xi1>, vector<16xf32>
      %select_n3A_1369 = arith.select %gt3A_1366, %select_n3A_1358, %select_n3A_1368 : vector<16xi1>, vector<16xf32>
      %select_n3A_1370 = arith.select %gt3A_1367, %broadcast_in_dim3A_1365, %select_n3A_1357 : vector<16xi1>, vector<16xi32>
      %select_n3A_1371 = arith.select %gt3A_1366, %select_n3A_1359, %select_n3A_1370 : vector<16xi1>, vector<16xi32>
      %select_n3A_1372 = arith.select %gt3A_1366, %get3A_1363, %select_n3A_1358 : vector<16xi1>, vector<16xf32>
      %select_n3A_1373 = arith.select %gt3A_1366, %broadcast_in_dim3A_1365, %select_n3A_1359 : vector<16xi1>, vector<16xi32>
      %get3A_1374 = arith.constant 34 : i32
      %get3A_1375 = arith.index_cast %get3A_1374 : i32 to index
      %get3A_1376 = arith.index_cast %add3A_16 : i32 to index
      %get3A_1377 = tpu.vector_load %arg5[%get3A_1375, %get3A_1376] {strides = array<i32>} : memref<64x256xf32, #tpu.memory_space<vmem>>, vector<16xf32>,
      %broadcast_in_dim3A_1378 = arith.constant 34 : i32
      %broadcast_in_dim3A_1379 = vector.broadcast %broadcast_in_dim3A_1378 : i32 to vector<16xi32>
      %gt3A_1380 = arith.cmpf ogt, %get3A_1377, %select_n3A_1372 : vector<16xf32>
      %gt3A_1381 = arith.cmpf ogt, %get3A_1377, %select_n3A_1369 : vector<16xf32>
      %select_n3A_1382 = arith.select %gt3A_1381, %get3A_1377, %select_n3A_1369 : vector<16xi1>, vector<16xf32>
      %select_n3A_1383 = arith.select %gt3A_1380, %select_n3A_1372, %select_n3A_1382 : vector<16xi1>, vector<16xf32>
      %select_n3A_1384 = arith.select %gt3A_1381, %broadcast_in_dim3A_1379, %select_n3A_1371 : vector<16xi1>, vector<16xi32>
      %select_n3A_1385 = arith.select %gt3A_1380, %select_n3A_1373, %select_n3A_1384 : vector<16xi1>, vector<16xi32>
      %select_n3A_1386 = arith.select %gt3A_1380, %get3A_1377, %select_n3A_1372 : vector<16xi1>, vector<16xf32>
      %select_n3A_1387 = arith.select %gt3A_1380, %broadcast_in_dim3A_1379, %select_n3A_1373 : vector<16xi1>, vector<16xi32>
      %get3A_1388 = arith.constant 35 : i32
      %get3A_1389 = arith.index_cast %get3A_1388 : i32 to index
      %get3A_1390 = arith.index_cast %add3A_16 : i32 to index
      %get3A_1391 = tpu.vector_load %arg5[%get3A_1389, %get3A_1390] {strides = array<i32>} : memref<64x256xf32, #tpu.memory_space<vmem>>, vector<16xf32>,
      %broadcast_in_dim3A_1392 = arith.constant 35 : i32
      %broadcast_in_dim3A_1393 = vector.broadcast %broadcast_in_dim3A_1392 : i32 to vector<16xi32>
      %gt3A_1394 = arith.cmpf ogt, %get3A_1391, %select_n3A_1386 : vector<16xf32>
      %gt3A_1395 = arith.cmpf ogt, %get3A_1391, %select_n3A_1383 : vector<16xf32>
      %select_n3A_1396 = arith.select %gt3A_1395, %get3A_1391, %select_n3A_1383 : vector<16xi1>, vector<16xf32>
      %select_n3A_1397 = arith.select %gt3A_1394, %select_n3A_1386, %select_n3A_1396 : vector<16xi1>, vector<16xf32>
      %select_n3A_1398 = arith.select %gt3A_1395, %broadcast_in_dim3A_1393, %select_n3A_1385 : vector<16xi1>, vector<16xi32>
      %select_n3A_1399 = arith.select %gt3A_1394, %select_n3A_1387, %select_n3A_1398 : vector<16xi1>, vector<16xi32>
      %select_n3A_1400 = arith.select %gt3A_1394, %get3A_1391, %select_n3A_1386 : vector<16xi1>, vector<16xf32>
      %select_n3A_1401 = arith.select %gt3A_1394, %broadcast_in_dim3A_1393, %select_n3A_1387 : vector<16xi1>, vector<16xi32>
      %get3A_1402 = arith.constant 36 : i32
      %get3A_1403 = arith.index_cast %get3A_1402 : i32 to index
      %get3A_1404 = arith.index_cast %add3A_16 : i32 to index
      %get3A_1405 = tpu.vector_load %arg5[%get3A_1403, %get3A_1404] {strides = array<i32>} : memref<64x256xf32, #tpu.memory_space<vmem>>, vector<16xf32>,
      %broadcast_in_dim3A_1406 = arith.constant 36 : i32
      %broadcast_in_dim3A_1407 = vector.broadcast %broadcast_in_dim3A_1406 : i32 to vector<16xi32>
      %gt3A_1408 = arith.cmpf ogt, %get3A_1405, %select_n3A_1400 : vector<16xf32>
      %gt3A_1409 = arith.cmpf ogt, %get3A_1405, %select_n3A_1397 : vector<16xf32>
      %select_n3A_1410 = arith.select %gt3A_1409, %get3A_1405, %select_n3A_1397 : vector<16xi1>, vector<16xf32>
      %select_n3A_1411 = arith.select %gt3A_1408, %select_n3A_1400, %select_n3A_1410 : vector<16xi1>, vector<16xf32>
      %select_n3A_1412 = arith.select %gt3A_1409, %broadcast_in_dim3A_1407, %select_n3A_1399 : vector<16xi1>, vector<16xi32>
      %select_n3A_1413 = arith.select %gt3A_1408, %select_n3A_1401, %select_n3A_1412 : vector<16xi1>, vector<16xi32>
      %select_n3A_1414 = arith.select %gt3A_1408, %get3A_1405, %select_n3A_1400 : vector<16xi1>, vector<16xf32>
      %select_n3A_1415 = arith.select %gt3A_1408, %broadcast_in_dim3A_1407, %select_n3A_1401 : vector<16xi1>, vector<16xi32>
      %get3A_1416 = arith.constant 37 : i32
      %get3A_1417 = arith.index_cast %get3A_1416 : i32 to index
      %get3A_1418 = arith.index_cast %add3A_16 : i32 to index
      %get3A_1419 = tpu.vector_load %arg5[%get3A_1417, %get3A_1418] {strides = array<i32>} : memref<64x256xf32, #tpu.memory_space<vmem>>, vector<16xf32>,
      %broadcast_in_dim3A_1420 = arith.constant 37 : i32
      %broadcast_in_dim3A_1421 = vector.broadcast %broadcast_in_dim3A_1420 : i32 to vector<16xi32>
      %gt3A_1422 = arith.cmpf ogt, %get3A_1419, %select_n3A_1414 : vector<16xf32>
      %gt3A_1423 = arith.cmpf ogt, %get3A_1419, %select_n3A_1411 : vector<16xf32>
      %select_n3A_1424 = arith.select %gt3A_1423, %get3A_1419, %select_n3A_1411 : vector<16xi1>, vector<16xf32>
      %select_n3A_1425 = arith.select %gt3A_1422, %select_n3A_1414, %select_n3A_1424 : vector<16xi1>, vector<16xf32>
      %select_n3A_1426 = arith.select %gt3A_1423, %broadcast_in_dim3A_1421, %select_n3A_1413 : vector<16xi1>, vector<16xi32>
      %select_n3A_1427 = arith.select %gt3A_1422, %select_n3A_1415, %select_n3A_1426 : vector<16xi1>, vector<16xi32>
      %select_n3A_1428 = arith.select %gt3A_1422, %get3A_1419, %select_n3A_1414 : vector<16xi1>, vector<16xf32>
      %select_n3A_1429 = arith.select %gt3A_1422, %broadcast_in_dim3A_1421, %select_n3A_1415 : vector<16xi1>, vector<16xi32>
      %get3A_1430 = arith.constant 38 : i32
      %get3A_1431 = arith.index_cast %get3A_1430 : i32 to index
      %get3A_1432 = arith.index_cast %add3A_16 : i32 to index
      %get3A_1433 = tpu.vector_load %arg5[%get3A_1431, %get3A_1432] {strides = array<i32>} : memref<64x256xf32, #tpu.memory_space<vmem>>, vector<16xf32>,
      %broadcast_in_dim3A_1434 = arith.constant 38 : i32
      %broadcast_in_dim3A_1435 = vector.broadcast %broadcast_in_dim3A_1434 : i32 to vector<16xi32>
      %gt3A_1436 = arith.cmpf ogt, %get3A_1433, %select_n3A_1428 : vector<16xf32>
      %gt3A_1437 = arith.cmpf ogt, %get3A_1433, %select_n3A_1425 : vector<16xf32>
      %select_n3A_1438 = arith.select %gt3A_1437, %get3A_1433, %select_n3A_1425 : vector<16xi1>, vector<16xf32>
      %select_n3A_1439 = arith.select %gt3A_1436, %select_n3A_1428, %select_n3A_1438 : vector<16xi1>, vector<16xf32>
      %select_n3A_1440 = arith.select %gt3A_1437, %broadcast_in_dim3A_1435, %select_n3A_1427 : vector<16xi1>, vector<16xi32>
      %select_n3A_1441 = arith.select %gt3A_1436, %select_n3A_1429, %select_n3A_1440 : vector<16xi1>, vector<16xi32>
      %select_n3A_1442 = arith.select %gt3A_1436, %get3A_1433, %select_n3A_1428 : vector<16xi1>, vector<16xf32>
      %select_n3A_1443 = arith.select %gt3A_1436, %broadcast_in_dim3A_1435, %select_n3A_1429 : vector<16xi1>, vector<16xi32>
      %get3A_1444 = arith.constant 39 : i32
      %get3A_1445 = arith.index_cast %get3A_1444 : i32 to index
      %get3A_1446 = arith.index_cast %add3A_16 : i32 to index
      %get3A_1447 = tpu.vector_load %arg5[%get3A_1445, %get3A_1446] {strides = array<i32>} : memref<64x256xf32, #tpu.memory_space<vmem>>, vector<16xf32>,
      %broadcast_in_dim3A_1448 = arith.constant 39 : i32
      %broadcast_in_dim3A_1449 = vector.broadcast %broadcast_in_dim3A_1448 : i32 to vector<16xi32>
      %gt3A_1450 = arith.cmpf ogt, %get3A_1447, %select_n3A_1442 : vector<16xf32>
      %gt3A_1451 = arith.cmpf ogt, %get3A_1447, %select_n3A_1439 : vector<16xf32>
      %select_n3A_1452 = arith.select %gt3A_1451, %get3A_1447, %select_n3A_1439 : vector<16xi1>, vector<16xf32>
      %select_n3A_1453 = arith.select %gt3A_1450, %select_n3A_1442, %select_n3A_1452 : vector<16xi1>, vector<16xf32>
      %select_n3A_1454 = arith.select %gt3A_1451, %broadcast_in_dim3A_1449, %select_n3A_1441 : vector<16xi1>, vector<16xi32>
      %select_n3A_1455 = arith.select %gt3A_1450, %select_n3A_1443, %select_n3A_1454 : vector<16xi1>, vector<16xi32>
      %select_n3A_1456 = arith.select %gt3A_1450, %get3A_1447, %select_n3A_1442 : vector<16xi1>, vector<16xf32>
      %select_n3A_1457 = arith.select %gt3A_1450, %broadcast_in_dim3A_1449, %select_n3A_1443 : vector<16xi1>, vector<16xi32>
      %get3A_1458 = arith.constant 40 : i32
      %get3A_1459 = arith.index_cast %get3A_1458 : i32 to index
      %get3A_1460 = arith.index_cast %add3A_16 : i32 to index
      %get3A_1461 = tpu.vector_load %arg5[%get3A_1459, %get3A_1460] {strides = array<i32>} : memref<64x256xf32, #tpu.memory_space<vmem>>, vector<16xf32>,
      %broadcast_in_dim3A_1462 = arith.constant 40 : i32
      %broadcast_in_dim3A_1463 = vector.broadcast %broadcast_in_dim3A_1462 : i32 to vector<16xi32>
      %gt3A_1464 = arith.cmpf ogt, %get3A_1461, %select_n3A_1456 : vector<16xf32>
      %gt3A_1465 = arith.cmpf ogt, %get3A_1461, %select_n3A_1453 : vector<16xf32>
      %select_n3A_1466 = arith.select %gt3A_1465, %get3A_1461, %select_n3A_1453 : vector<16xi1>, vector<16xf32>
      %select_n3A_1467 = arith.select %gt3A_1464, %select_n3A_1456, %select_n3A_1466 : vector<16xi1>, vector<16xf32>
      %select_n3A_1468 = arith.select %gt3A_1465, %broadcast_in_dim3A_1463, %select_n3A_1455 : vector<16xi1>, vector<16xi32>
      %select_n3A_1469 = arith.select %gt3A_1464, %select_n3A_1457, %select_n3A_1468 : vector<16xi1>, vector<16xi32>
      %select_n3A_1470 = arith.select %gt3A_1464, %get3A_1461, %select_n3A_1456 : vector<16xi1>, vector<16xf32>
      %select_n3A_1471 = arith.select %gt3A_1464, %broadcast_in_dim3A_1463, %select_n3A_1457 : vector<16xi1>, vector<16xi32>
      %get3A_1472 = arith.constant 41 : i32
      %get3A_1473 = arith.index_cast %get3A_1472 : i32 to index
      %get3A_1474 = arith.index_cast %add3A_16 : i32 to index
      %get3A_1475 = tpu.vector_load %arg5[%get3A_1473, %get3A_1474] {strides = array<i32>} : memref<64x256xf32, #tpu.memory_space<vmem>>, vector<16xf32>,
      %broadcast_in_dim3A_1476 = arith.constant 41 : i32
      %broadcast_in_dim3A_1477 = vector.broadcast %broadcast_in_dim3A_1476 : i32 to vector<16xi32>
      %gt3A_1478 = arith.cmpf ogt, %get3A_1475, %select_n3A_1470 : vector<16xf32>
      %gt3A_1479 = arith.cmpf ogt, %get3A_1475, %select_n3A_1467 : vector<16xf32>
      %select_n3A_1480 = arith.select %gt3A_1479, %get3A_1475, %select_n3A_1467 : vector<16xi1>, vector<16xf32>
      %select_n3A_1481 = arith.select %gt3A_1478, %select_n3A_1470, %select_n3A_1480 : vector<16xi1>, vector<16xf32>
      %select_n3A_1482 = arith.select %gt3A_1479, %broadcast_in_dim3A_1477, %select_n3A_1469 : vector<16xi1>, vector<16xi32>
      %select_n3A_1483 = arith.select %gt3A_1478, %select_n3A_1471, %select_n3A_1482 : vector<16xi1>, vector<16xi32>
      %select_n3A_1484 = arith.select %gt3A_1478, %get3A_1475, %select_n3A_1470 : vector<16xi1>, vector<16xf32>
      %select_n3A_1485 = arith.select %gt3A_1478, %broadcast_in_dim3A_1477, %select_n3A_1471 : vector<16xi1>, vector<16xi32>
      %get3A_1486 = arith.constant 42 : i32
      %get3A_1487 = arith.index_cast %get3A_1486 : i32 to index
      %get3A_1488 = arith.index_cast %add3A_16 : i32 to index
      %get3A_1489 = tpu.vector_load %arg5[%get3A_1487, %get3A_1488] {strides = array<i32>} : memref<64x256xf32, #tpu.memory_space<vmem>>, vector<16xf32>,
      %broadcast_in_dim3A_1490 = arith.constant 42 : i32
      %broadcast_in_dim3A_1491 = vector.broadcast %broadcast_in_dim3A_1490 : i32 to vector<16xi32>
      %gt3A_1492 = arith.cmpf ogt, %get3A_1489, %select_n3A_1484 : vector<16xf32>
      %gt3A_1493 = arith.cmpf ogt, %get3A_1489, %select_n3A_1481 : vector<16xf32>
      %select_n3A_1494 = arith.select %gt3A_1493, %get3A_1489, %select_n3A_1481 : vector<16xi1>, vector<16xf32>
      %select_n3A_1495 = arith.select %gt3A_1492, %select_n3A_1484, %select_n3A_1494 : vector<16xi1>, vector<16xf32>
      %select_n3A_1496 = arith.select %gt3A_1493, %broadcast_in_dim3A_1491, %select_n3A_1483 : vector<16xi1>, vector<16xi32>
      %select_n3A_1497 = arith.select %gt3A_1492, %select_n3A_1485, %select_n3A_1496 : vector<16xi1>, vector<16xi32>
      %select_n3A_1498 = arith.select %gt3A_1492, %get3A_1489, %select_n3A_1484 : vector<16xi1>, vector<16xf32>
      %select_n3A_1499 = arith.select %gt3A_1492, %broadcast_in_dim3A_1491, %select_n3A_1485 : vector<16xi1>, vector<16xi32>
      %get3A_1500 = arith.constant 43 : i32
      %get3A_1501 = arith.index_cast %get3A_1500 : i32 to index
      %get3A_1502 = arith.index_cast %add3A_16 : i32 to index
      %get3A_1503 = tpu.vector_load %arg5[%get3A_1501, %get3A_1502] {strides = array<i32>} : memref<64x256xf32, #tpu.memory_space<vmem>>, vector<16xf32>,
      %broadcast_in_dim3A_1504 = arith.constant 43 : i32
      %broadcast_in_dim3A_1505 = vector.broadcast %broadcast_in_dim3A_1504 : i32 to vector<16xi32>
      %gt3A_1506 = arith.cmpf ogt, %get3A_1503, %select_n3A_1498 : vector<16xf32>
      %gt3A_1507 = arith.cmpf ogt, %get3A_1503, %select_n3A_1495 : vector<16xf32>
      %select_n3A_1508 = arith.select %gt3A_1507, %get3A_1503, %select_n3A_1495 : vector<16xi1>, vector<16xf32>
      %select_n3A_1509 = arith.select %gt3A_1506, %select_n3A_1498, %select_n3A_1508 : vector<16xi1>, vector<16xf32>
      %select_n3A_1510 = arith.select %gt3A_1507, %broadcast_in_dim3A_1505, %select_n3A_1497 : vector<16xi1>, vector<16xi32>
      %select_n3A_1511 = arith.select %gt3A_1506, %select_n3A_1499, %select_n3A_1510 : vector<16xi1>, vector<16xi32>
      %select_n3A_1512 = arith.select %gt3A_1506, %get3A_1503, %select_n3A_1498 : vector<16xi1>, vector<16xf32>
      %select_n3A_1513 = arith.select %gt3A_1506, %broadcast_in_dim3A_1505, %select_n3A_1499 : vector<16xi1>, vector<16xi32>
      %get3A_1514 = arith.constant 44 : i32
      %get3A_1515 = arith.index_cast %get3A_1514 : i32 to index
      %get3A_1516 = arith.index_cast %add3A_16 : i32 to index
      %get3A_1517 = tpu.vector_load %arg5[%get3A_1515, %get3A_1516] {strides = array<i32>} : memref<64x256xf32, #tpu.memory_space<vmem>>, vector<16xf32>,
      %broadcast_in_dim3A_1518 = arith.constant 44 : i32
      %broadcast_in_dim3A_1519 = vector.broadcast %broadcast_in_dim3A_1518 : i32 to vector<16xi32>
      %gt3A_1520 = arith.cmpf ogt, %get3A_1517, %select_n3A_1512 : vector<16xf32>
      %gt3A_1521 = arith.cmpf ogt, %get3A_1517, %select_n3A_1509 : vector<16xf32>
      %select_n3A_1522 = arith.select %gt3A_1521, %get3A_1517, %select_n3A_1509 : vector<16xi1>, vector<16xf32>
      %select_n3A_1523 = arith.select %gt3A_1520, %select_n3A_1512, %select_n3A_1522 : vector<16xi1>, vector<16xf32>
      %select_n3A_1524 = arith.select %gt3A_1521, %broadcast_in_dim3A_1519, %select_n3A_1511 : vector<16xi1>, vector<16xi32>
      %select_n3A_1525 = arith.select %gt3A_1520, %select_n3A_1513, %select_n3A_1524 : vector<16xi1>, vector<16xi32>
      %select_n3A_1526 = arith.select %gt3A_1520, %get3A_1517, %select_n3A_1512 : vector<16xi1>, vector<16xf32>
      %select_n3A_1527 = arith.select %gt3A_1520, %broadcast_in_dim3A_1519, %select_n3A_1513 : vector<16xi1>, vector<16xi32>
      %get3A_1528 = arith.constant 45 : i32
      %get3A_1529 = arith.index_cast %get3A_1528 : i32 to index
      %get3A_1530 = arith.index_cast %add3A_16 : i32 to index
      %get3A_1531 = tpu.vector_load %arg5[%get3A_1529, %get3A_1530] {strides = array<i32>} : memref<64x256xf32, #tpu.memory_space<vmem>>, vector<16xf32>,
      %broadcast_in_dim3A_1532 = arith.constant 45 : i32
      %broadcast_in_dim3A_1533 = vector.broadcast %broadcast_in_dim3A_1532 : i32 to vector<16xi32>
      %gt3A_1534 = arith.cmpf ogt, %get3A_1531, %select_n3A_1526 : vector<16xf32>
      %gt3A_1535 = arith.cmpf ogt, %get3A_1531, %select_n3A_1523 : vector<16xf32>
      %select_n3A_1536 = arith.select %gt3A_1535, %get3A_1531, %select_n3A_1523 : vector<16xi1>, vector<16xf32>
      %select_n3A_1537 = arith.select %gt3A_1534, %select_n3A_1526, %select_n3A_1536 : vector<16xi1>, vector<16xf32>
      %select_n3A_1538 = arith.select %gt3A_1535, %broadcast_in_dim3A_1533, %select_n3A_1525 : vector<16xi1>, vector<16xi32>
      %select_n3A_1539 = arith.select %gt3A_1534, %select_n3A_1527, %select_n3A_1538 : vector<16xi1>, vector<16xi32>
      %select_n3A_1540 = arith.select %gt3A_1534, %get3A_1531, %select_n3A_1526 : vector<16xi1>, vector<16xf32>
      %select_n3A_1541 = arith.select %gt3A_1534, %broadcast_in_dim3A_1533, %select_n3A_1527 : vector<16xi1>, vector<16xi32>
      %get3A_1542 = arith.constant 46 : i32
      %get3A_1543 = arith.index_cast %get3A_1542 : i32 to index
      %get3A_1544 = arith.index_cast %add3A_16 : i32 to index
      %get3A_1545 = tpu.vector_load %arg5[%get3A_1543, %get3A_1544] {strides = array<i32>} : memref<64x256xf32, #tpu.memory_space<vmem>>, vector<16xf32>,
      %broadcast_in_dim3A_1546 = arith.constant 46 : i32
      %broadcast_in_dim3A_1547 = vector.broadcast %broadcast_in_dim3A_1546 : i32 to vector<16xi32>
      %gt3A_1548 = arith.cmpf ogt, %get3A_1545, %select_n3A_1540 : vector<16xf32>
      %gt3A_1549 = arith.cmpf ogt, %get3A_1545, %select_n3A_1537 : vector<16xf32>
      %select_n3A_1550 = arith.select %gt3A_1549, %get3A_1545, %select_n3A_1537 : vector<16xi1>, vector<16xf32>
      %select_n3A_1551 = arith.select %gt3A_1548, %select_n3A_1540, %select_n3A_1550 : vector<16xi1>, vector<16xf32>
      %select_n3A_1552 = arith.select %gt3A_1549, %broadcast_in_dim3A_1547, %select_n3A_1539 : vector<16xi1>, vector<16xi32>
      %select_n3A_1553 = arith.select %gt3A_1548, %select_n3A_1541, %select_n3A_1552 : vector<16xi1>, vector<16xi32>
      %select_n3A_1554 = arith.select %gt3A_1548, %get3A_1545, %select_n3A_1540 : vector<16xi1>, vector<16xf32>
      %select_n3A_1555 = arith.select %gt3A_1548, %broadcast_in_dim3A_1547, %select_n3A_1541 : vector<16xi1>, vector<16xi32>
      %get3A_1556 = arith.constant 47 : i32
      %get3A_1557 = arith.index_cast %get3A_1556 : i32 to index
      %get3A_1558 = arith.index_cast %add3A_16 : i32 to index
      %get3A_1559 = tpu.vector_load %arg5[%get3A_1557, %get3A_1558] {strides = array<i32>} : memref<64x256xf32, #tpu.memory_space<vmem>>, vector<16xf32>,
      %broadcast_in_dim3A_1560 = arith.constant 47 : i32
      %broadcast_in_dim3A_1561 = vector.broadcast %broadcast_in_dim3A_1560 : i32 to vector<16xi32>
      %gt3A_1562 = arith.cmpf ogt, %get3A_1559, %select_n3A_1554 : vector<16xf32>
      %gt3A_1563 = arith.cmpf ogt, %get3A_1559, %select_n3A_1551 : vector<16xf32>
      %select_n3A_1564 = arith.select %gt3A_1563, %get3A_1559, %select_n3A_1551 : vector<16xi1>, vector<16xf32>
      %select_n3A_1565 = arith.select %gt3A_1562, %select_n3A_1554, %select_n3A_1564 : vector<16xi1>, vector<16xf32>
      %select_n3A_1566 = arith.select %gt3A_1563, %broadcast_in_dim3A_1561, %select_n3A_1553 : vector<16xi1>, vector<16xi32>
      %select_n3A_1567 = arith.select %gt3A_1562, %select_n3A_1555, %select_n3A_1566 : vector<16xi1>, vector<16xi32>
      %select_n3A_1568 = arith.select %gt3A_1562, %get3A_1559, %select_n3A_1554 : vector<16xi1>, vector<16xf32>
      %select_n3A_1569 = arith.select %gt3A_1562, %broadcast_in_dim3A_1561, %select_n3A_1555 : vector<16xi1>, vector<16xi32>
      %get3A_1570 = arith.constant 48 : i32
      %get3A_1571 = arith.index_cast %get3A_1570 : i32 to index
      %get3A_1572 = arith.index_cast %add3A_16 : i32 to index
      %get3A_1573 = tpu.vector_load %arg5[%get3A_1571, %get3A_1572] {strides = array<i32>} : memref<64x256xf32, #tpu.memory_space<vmem>>, vector<16xf32>,
      %broadcast_in_dim3A_1574 = arith.constant 48 : i32
      %broadcast_in_dim3A_1575 = vector.broadcast %broadcast_in_dim3A_1574 : i32 to vector<16xi32>
      %gt3A_1576 = arith.cmpf ogt, %get3A_1573, %select_n3A_1568 : vector<16xf32>
      %gt3A_1577 = arith.cmpf ogt, %get3A_1573, %select_n3A_1565 : vector<16xf32>
      %select_n3A_1578 = arith.select %gt3A_1577, %get3A_1573, %select_n3A_1565 : vector<16xi1>, vector<16xf32>
      %select_n3A_1579 = arith.select %gt3A_1576, %select_n3A_1568, %select_n3A_1578 : vector<16xi1>, vector<16xf32>
      %select_n3A_1580 = arith.select %gt3A_1577, %broadcast_in_dim3A_1575, %select_n3A_1567 : vector<16xi1>, vector<16xi32>
      %select_n3A_1581 = arith.select %gt3A_1576, %select_n3A_1569, %select_n3A_1580 : vector<16xi1>, vector<16xi32>
      %select_n3A_1582 = arith.select %gt3A_1576, %get3A_1573, %select_n3A_1568 : vector<16xi1>, vector<16xf32>
      %select_n3A_1583 = arith.select %gt3A_1576, %broadcast_in_dim3A_1575, %select_n3A_1569 : vector<16xi1>, vector<16xi32>
      %get3A_1584 = arith.constant 49 : i32
      %get3A_1585 = arith.index_cast %get3A_1584 : i32 to index
      %get3A_1586 = arith.index_cast %add3A_16 : i32 to index
      %get3A_1587 = tpu.vector_load %arg5[%get3A_1585, %get3A_1586] {strides = array<i32>} : memref<64x256xf32, #tpu.memory_space<vmem>>, vector<16xf32>,
      %broadcast_in_dim3A_1588 = arith.constant 49 : i32
      %broadcast_in_dim3A_1589 = vector.broadcast %broadcast_in_dim3A_1588 : i32 to vector<16xi32>
      %gt3A_1590 = arith.cmpf ogt, %get3A_1587, %select_n3A_1582 : vector<16xf32>
      %gt3A_1591 = arith.cmpf ogt, %get3A_1587, %select_n3A_1579 : vector<16xf32>
      %select_n3A_1592 = arith.select %gt3A_1591, %get3A_1587, %select_n3A_1579 : vector<16xi1>, vector<16xf32>
      %select_n3A_1593 = arith.select %gt3A_1590, %select_n3A_1582, %select_n3A_1592 : vector<16xi1>, vector<16xf32>
      %select_n3A_1594 = arith.select %gt3A_1591, %broadcast_in_dim3A_1589, %select_n3A_1581 : vector<16xi1>, vector<16xi32>
      %select_n3A_1595 = arith.select %gt3A_1590, %select_n3A_1583, %select_n3A_1594 : vector<16xi1>, vector<16xi32>
      %select_n3A_1596 = arith.select %gt3A_1590, %get3A_1587, %select_n3A_1582 : vector<16xi1>, vector<16xf32>
      %select_n3A_1597 = arith.select %gt3A_1590, %broadcast_in_dim3A_1589, %select_n3A_1583 : vector<16xi1>, vector<16xi32>
      %get3A_1598 = arith.constant 50 : i32
      %get3A_1599 = arith.index_cast %get3A_1598 : i32 to index
      %get3A_1600 = arith.index_cast %add3A_16 : i32 to index
      %get3A_1601 = tpu.vector_load %arg5[%get3A_1599, %get3A_1600] {strides = array<i32>} : memref<64x256xf32, #tpu.memory_space<vmem>>, vector<16xf32>,
      %broadcast_in_dim3A_1602 = arith.constant 50 : i32
      %broadcast_in_dim3A_1603 = vector.broadcast %broadcast_in_dim3A_1602 : i32 to vector<16xi32>
      %gt3A_1604 = arith.cmpf ogt, %get3A_1601, %select_n3A_1596 : vector<16xf32>
      %gt3A_1605 = arith.cmpf ogt, %get3A_1601, %select_n3A_1593 : vector<16xf32>
      %select_n3A_1606 = arith.select %gt3A_1605, %get3A_1601, %select_n3A_1593 : vector<16xi1>, vector<16xf32>
      %select_n3A_1607 = arith.select %gt3A_1604, %select_n3A_1596, %select_n3A_1606 : vector<16xi1>, vector<16xf32>
      %select_n3A_1608 = arith.select %gt3A_1605, %broadcast_in_dim3A_1603, %select_n3A_1595 : vector<16xi1>, vector<16xi32>
      %select_n3A_1609 = arith.select %gt3A_1604, %select_n3A_1597, %select_n3A_1608 : vector<16xi1>, vector<16xi32>
      %select_n3A_1610 = arith.select %gt3A_1604, %get3A_1601, %select_n3A_1596 : vector<16xi1>, vector<16xf32>
      %select_n3A_1611 = arith.select %gt3A_1604, %broadcast_in_dim3A_1603, %select_n3A_1597 : vector<16xi1>, vector<16xi32>
      %get3A_1612 = arith.constant 51 : i32
      %get3A_1613 = arith.index_cast %get3A_1612 : i32 to index
      %get3A_1614 = arith.index_cast %add3A_16 : i32 to index
      %get3A_1615 = tpu.vector_load %arg5[%get3A_1613, %get3A_1614] {strides = array<i32>} : memref<64x256xf32, #tpu.memory_space<vmem>>, vector<16xf32>,
      %broadcast_in_dim3A_1616 = arith.constant 51 : i32
      %broadcast_in_dim3A_1617 = vector.broadcast %broadcast_in_dim3A_1616 : i32 to vector<16xi32>
      %gt3A_1618 = arith.cmpf ogt, %get3A_1615, %select_n3A_1610 : vector<16xf32>
      %gt3A_1619 = arith.cmpf ogt, %get3A_1615, %select_n3A_1607 : vector<16xf32>
      %select_n3A_1620 = arith.select %gt3A_1619, %get3A_1615, %select_n3A_1607 : vector<16xi1>, vector<16xf32>
      %select_n3A_1621 = arith.select %gt3A_1618, %select_n3A_1610, %select_n3A_1620 : vector<16xi1>, vector<16xf32>
      %select_n3A_1622 = arith.select %gt3A_1619, %broadcast_in_dim3A_1617, %select_n3A_1609 : vector<16xi1>, vector<16xi32>
      %select_n3A_1623 = arith.select %gt3A_1618, %select_n3A_1611, %select_n3A_1622 : vector<16xi1>, vector<16xi32>
      %select_n3A_1624 = arith.select %gt3A_1618, %get3A_1615, %select_n3A_1610 : vector<16xi1>, vector<16xf32>
      %select_n3A_1625 = arith.select %gt3A_1618, %broadcast_in_dim3A_1617, %select_n3A_1611 : vector<16xi1>, vector<16xi32>
      %get3A_1626 = arith.constant 52 : i32
      %get3A_1627 = arith.index_cast %get3A_1626 : i32 to index
      %get3A_1628 = arith.index_cast %add3A_16 : i32 to index
      %get3A_1629 = tpu.vector_load %arg5[%get3A_1627, %get3A_1628] {strides = array<i32>} : memref<64x256xf32, #tpu.memory_space<vmem>>, vector<16xf32>,
      %broadcast_in_dim3A_1630 = arith.constant 52 : i32
      %broadcast_in_dim3A_1631 = vector.broadcast %broadcast_in_dim3A_1630 : i32 to vector<16xi32>
      %gt3A_1632 = arith.cmpf ogt, %get3A_1629, %select_n3A_1624 : vector<16xf32>
      %gt3A_1633 = arith.cmpf ogt, %get3A_1629, %select_n3A_1621 : vector<16xf32>
      %select_n3A_1634 = arith.select %gt3A_1633, %get3A_1629, %select_n3A_1621 : vector<16xi1>, vector<16xf32>
      %select_n3A_1635 = arith.select %gt3A_1632, %select_n3A_1624, %select_n3A_1634 : vector<16xi1>, vector<16xf32>
      %select_n3A_1636 = arith.select %gt3A_1633, %broadcast_in_dim3A_1631, %select_n3A_1623 : vector<16xi1>, vector<16xi32>
      %select_n3A_1637 = arith.select %gt3A_1632, %select_n3A_1625, %select_n3A_1636 : vector<16xi1>, vector<16xi32>
      %select_n3A_1638 = arith.select %gt3A_1632, %get3A_1629, %select_n3A_1624 : vector<16xi1>, vector<16xf32>
      %select_n3A_1639 = arith.select %gt3A_1632, %broadcast_in_dim3A_1631, %select_n3A_1625 : vector<16xi1>, vector<16xi32>
      %get3A_1640 = arith.constant 53 : i32
      %get3A_1641 = arith.index_cast %get3A_1640 : i32 to index
      %get3A_1642 = arith.index_cast %add3A_16 : i32 to index
      %get3A_1643 = tpu.vector_load %arg5[%get3A_1641, %get3A_1642] {strides = array<i32>} : memref<64x256xf32, #tpu.memory_space<vmem>>, vector<16xf32>,
      %broadcast_in_dim3A_1644 = arith.constant 53 : i32
      %broadcast_in_dim3A_1645 = vector.broadcast %broadcast_in_dim3A_1644 : i32 to vector<16xi32>
      %gt3A_1646 = arith.cmpf ogt, %get3A_1643, %select_n3A_1638 : vector<16xf32>
      %gt3A_1647 = arith.cmpf ogt, %get3A_1643, %select_n3A_1635 : vector<16xf32>
      %select_n3A_1648 = arith.select %gt3A_1647, %get3A_1643, %select_n3A_1635 : vector<16xi1>, vector<16xf32>
      %select_n3A_1649 = arith.select %gt3A_1646, %select_n3A_1638, %select_n3A_1648 : vector<16xi1>, vector<16xf32>
      %select_n3A_1650 = arith.select %gt3A_1647, %broadcast_in_dim3A_1645, %select_n3A_1637 : vector<16xi1>, vector<16xi32>
      %select_n3A_1651 = arith.select %gt3A_1646, %select_n3A_1639, %select_n3A_1650 : vector<16xi1>, vector<16xi32>
      %select_n3A_1652 = arith.select %gt3A_1646, %get3A_1643, %select_n3A_1638 : vector<16xi1>, vector<16xf32>
      %select_n3A_1653 = arith.select %gt3A_1646, %broadcast_in_dim3A_1645, %select_n3A_1639 : vector<16xi1>, vector<16xi32>
      %get3A_1654 = arith.constant 54 : i32
      %get3A_1655 = arith.index_cast %get3A_1654 : i32 to index
      %get3A_1656 = arith.index_cast %add3A_16 : i32 to index
      %get3A_1657 = tpu.vector_load %arg5[%get3A_1655, %get3A_1656] {strides = array<i32>} : memref<64x256xf32, #tpu.memory_space<vmem>>, vector<16xf32>,
      %broadcast_in_dim3A_1658 = arith.constant 54 : i32
      %broadcast_in_dim3A_1659 = vector.broadcast %broadcast_in_dim3A_1658 : i32 to vector<16xi32>
      %gt3A_1660 = arith.cmpf ogt, %get3A_1657, %select_n3A_1652 : vector<16xf32>
      %gt3A_1661 = arith.cmpf ogt, %get3A_1657, %select_n3A_1649 : vector<16xf32>
      %select_n3A_1662 = arith.select %gt3A_1661, %get3A_1657, %select_n3A_1649 : vector<16xi1>, vector<16xf32>
      %select_n3A_1663 = arith.select %gt3A_1660, %select_n3A_1652, %select_n3A_1662 : vector<16xi1>, vector<16xf32>
      %select_n3A_1664 = arith.select %gt3A_1661, %broadcast_in_dim3A_1659, %select_n3A_1651 : vector<16xi1>, vector<16xi32>
      %select_n3A_1665 = arith.select %gt3A_1660, %select_n3A_1653, %select_n3A_1664 : vector<16xi1>, vector<16xi32>
      %select_n3A_1666 = arith.select %gt3A_1660, %get3A_1657, %select_n3A_1652 : vector<16xi1>, vector<16xf32>
      %select_n3A_1667 = arith.select %gt3A_1660, %broadcast_in_dim3A_1659, %select_n3A_1653 : vector<16xi1>, vector<16xi32>
      %get3A_1668 = arith.constant 55 : i32
      %get3A_1669 = arith.index_cast %get3A_1668 : i32 to index
      %get3A_1670 = arith.index_cast %add3A_16 : i32 to index
      %get3A_1671 = tpu.vector_load %arg5[%get3A_1669, %get3A_1670] {strides = array<i32>} : memref<64x256xf32, #tpu.memory_space<vmem>>, vector<16xf32>,
      %broadcast_in_dim3A_1672 = arith.constant 55 : i32
      %broadcast_in_dim3A_1673 = vector.broadcast %broadcast_in_dim3A_1672 : i32 to vector<16xi32>
      %gt3A_1674 = arith.cmpf ogt, %get3A_1671, %select_n3A_1666 : vector<16xf32>
      %gt3A_1675 = arith.cmpf ogt, %get3A_1671, %select_n3A_1663 : vector<16xf32>
      %select_n3A_1676 = arith.select %gt3A_1675, %get3A_1671, %select_n3A_1663 : vector<16xi1>, vector<16xf32>
      %select_n3A_1677 = arith.select %gt3A_1674, %select_n3A_1666, %select_n3A_1676 : vector<16xi1>, vector<16xf32>
      %select_n3A_1678 = arith.select %gt3A_1675, %broadcast_in_dim3A_1673, %select_n3A_1665 : vector<16xi1>, vector<16xi32>
      %select_n3A_1679 = arith.select %gt3A_1674, %select_n3A_1667, %select_n3A_1678 : vector<16xi1>, vector<16xi32>
      %select_n3A_1680 = arith.select %gt3A_1674, %get3A_1671, %select_n3A_1666 : vector<16xi1>, vector<16xf32>
      %select_n3A_1681 = arith.select %gt3A_1674, %broadcast_in_dim3A_1673, %select_n3A_1667 : vector<16xi1>, vector<16xi32>
      %get3A_1682 = arith.constant 56 : i32
      %get3A_1683 = arith.index_cast %get3A_1682 : i32 to index
      %get3A_1684 = arith.index_cast %add3A_16 : i32 to index
      %get3A_1685 = tpu.vector_load %arg5[%get3A_1683, %get3A_1684] {strides = array<i32>} : memref<64x256xf32, #tpu.memory_space<vmem>>, vector<16xf32>,
      %broadcast_in_dim3A_1686 = arith.constant 56 : i32
      %broadcast_in_dim3A_1687 = vector.broadcast %broadcast_in_dim3A_1686 : i32 to vector<16xi32>
      %gt3A_1688 = arith.cmpf ogt, %get3A_1685, %select_n3A_1680 : vector<16xf32>
      %gt3A_1689 = arith.cmpf ogt, %get3A_1685, %select_n3A_1677 : vector<16xf32>
      %select_n3A_1690 = arith.select %gt3A_1689, %get3A_1685, %select_n3A_1677 : vector<16xi1>, vector<16xf32>
      %select_n3A_1691 = arith.select %gt3A_1688, %select_n3A_1680, %select_n3A_1690 : vector<16xi1>, vector<16xf32>
      %select_n3A_1692 = arith.select %gt3A_1689, %broadcast_in_dim3A_1687, %select_n3A_1679 : vector<16xi1>, vector<16xi32>
      %select_n3A_1693 = arith.select %gt3A_1688, %select_n3A_1681, %select_n3A_1692 : vector<16xi1>, vector<16xi32>
      %select_n3A_1694 = arith.select %gt3A_1688, %get3A_1685, %select_n3A_1680 : vector<16xi1>, vector<16xf32>
      %select_n3A_1695 = arith.select %gt3A_1688, %broadcast_in_dim3A_1687, %select_n3A_1681 : vector<16xi1>, vector<16xi32>
      %get3A_1696 = arith.constant 57 : i32
      %get3A_1697 = arith.index_cast %get3A_1696 : i32 to index
      %get3A_1698 = arith.index_cast %add3A_16 : i32 to index
      %get3A_1699 = tpu.vector_load %arg5[%get3A_1697, %get3A_1698] {strides = array<i32>} : memref<64x256xf32, #tpu.memory_space<vmem>>, vector<16xf32>,
      %broadcast_in_dim3A_1700 = arith.constant 57 : i32
      %broadcast_in_dim3A_1701 = vector.broadcast %broadcast_in_dim3A_1700 : i32 to vector<16xi32>
      %gt3A_1702 = arith.cmpf ogt, %get3A_1699, %select_n3A_1694 : vector<16xf32>
      %gt3A_1703 = arith.cmpf ogt, %get3A_1699, %select_n3A_1691 : vector<16xf32>
      %select_n3A_1704 = arith.select %gt3A_1703, %get3A_1699, %select_n3A_1691 : vector<16xi1>, vector<16xf32>
      %select_n3A_1705 = arith.select %gt3A_1702, %select_n3A_1694, %select_n3A_1704 : vector<16xi1>, vector<16xf32>
      %select_n3A_1706 = arith.select %gt3A_1703, %broadcast_in_dim3A_1701, %select_n3A_1693 : vector<16xi1>, vector<16xi32>
      %select_n3A_1707 = arith.select %gt3A_1702, %select_n3A_1695, %select_n3A_1706 : vector<16xi1>, vector<16xi32>
      %select_n3A_1708 = arith.select %gt3A_1702, %get3A_1699, %select_n3A_1694 : vector<16xi1>, vector<16xf32>
      %select_n3A_1709 = arith.select %gt3A_1702, %broadcast_in_dim3A_1701, %select_n3A_1695 : vector<16xi1>, vector<16xi32>
      %get3A_1710 = arith.constant 58 : i32
      %get3A_1711 = arith.index_cast %get3A_1710 : i32 to index
      %get3A_1712 = arith.index_cast %add3A_16 : i32 to index
      %get3A_1713 = tpu.vector_load %arg5[%get3A_1711, %get3A_1712] {strides = array<i32>} : memref<64x256xf32, #tpu.memory_space<vmem>>, vector<16xf32>,
      %broadcast_in_dim3A_1714 = arith.constant 58 : i32
      %broadcast_in_dim3A_1715 = vector.broadcast %broadcast_in_dim3A_1714 : i32 to vector<16xi32>
      %gt3A_1716 = arith.cmpf ogt, %get3A_1713, %select_n3A_1708 : vector<16xf32>
      %gt3A_1717 = arith.cmpf ogt, %get3A_1713, %select_n3A_1705 : vector<16xf32>
      %select_n3A_1718 = arith.select %gt3A_1717, %get3A_1713, %select_n3A_1705 : vector<16xi1>, vector<16xf32>
      %select_n3A_1719 = arith.select %gt3A_1716, %select_n3A_1708, %select_n3A_1718 : vector<16xi1>, vector<16xf32>
      %select_n3A_1720 = arith.select %gt3A_1717, %broadcast_in_dim3A_1715, %select_n3A_1707 : vector<16xi1>, vector<16xi32>
      %select_n3A_1721 = arith.select %gt3A_1716, %select_n3A_1709, %select_n3A_1720 : vector<16xi1>, vector<16xi32>
      %select_n3A_1722 = arith.select %gt3A_1716, %get3A_1713, %select_n3A_1708 : vector<16xi1>, vector<16xf32>
      %select_n3A_1723 = arith.select %gt3A_1716, %broadcast_in_dim3A_1715, %select_n3A_1709 : vector<16xi1>, vector<16xi32>
      %get3A_1724 = arith.constant 59 : i32
      %get3A_1725 = arith.index_cast %get3A_1724 : i32 to index
      %get3A_1726 = arith.index_cast %add3A_16 : i32 to index
      %get3A_1727 = tpu.vector_load %arg5[%get3A_1725, %get3A_1726] {strides = array<i32>} : memref<64x256xf32, #tpu.memory_space<vmem>>, vector<16xf32>,
      %broadcast_in_dim3A_1728 = arith.constant 59 : i32
      %broadcast_in_dim3A_1729 = vector.broadcast %broadcast_in_dim3A_1728 : i32 to vector<16xi32>
      %gt3A_1730 = arith.cmpf ogt, %get3A_1727, %select_n3A_1722 : vector<16xf32>
      %gt3A_1731 = arith.cmpf ogt, %get3A_1727, %select_n3A_1719 : vector<16xf32>
      %select_n3A_1732 = arith.select %gt3A_1731, %get3A_1727, %select_n3A_1719 : vector<16xi1>, vector<16xf32>
      %select_n3A_1733 = arith.select %gt3A_1730, %select_n3A_1722, %select_n3A_1732 : vector<16xi1>, vector<16xf32>
      %select_n3A_1734 = arith.select %gt3A_1731, %broadcast_in_dim3A_1729, %select_n3A_1721 : vector<16xi1>, vector<16xi32>
      %select_n3A_1735 = arith.select %gt3A_1730, %select_n3A_1723, %select_n3A_1734 : vector<16xi1>, vector<16xi32>
      %select_n3A_1736 = arith.select %gt3A_1730, %get3A_1727, %select_n3A_1722 : vector<16xi1>, vector<16xf32>
      %select_n3A_1737 = arith.select %gt3A_1730, %broadcast_in_dim3A_1729, %select_n3A_1723 : vector<16xi1>, vector<16xi32>
      %get3A_1738 = arith.constant 60 : i32
      %get3A_1739 = arith.index_cast %get3A_1738 : i32 to index
      %get3A_1740 = arith.index_cast %add3A_16 : i32 to index
      %get3A_1741 = tpu.vector_load %arg5[%get3A_1739, %get3A_1740] {strides = array<i32>} : memref<64x256xf32, #tpu.memory_space<vmem>>, vector<16xf32>,
      %broadcast_in_dim3A_1742 = arith.constant 60 : i32
      %broadcast_in_dim3A_1743 = vector.broadcast %broadcast_in_dim3A_1742 : i32 to vector<16xi32>
      %gt3A_1744 = arith.cmpf ogt, %get3A_1741, %select_n3A_1736 : vector<16xf32>
      %gt3A_1745 = arith.cmpf ogt, %get3A_1741, %select_n3A_1733 : vector<16xf32>
      %select_n3A_1746 = arith.select %gt3A_1745, %get3A_1741, %select_n3A_1733 : vector<16xi1>, vector<16xf32>
      %select_n3A_1747 = arith.select %gt3A_1744, %select_n3A_1736, %select_n3A_1746 : vector<16xi1>, vector<16xf32>
      %select_n3A_1748 = arith.select %gt3A_1745, %broadcast_in_dim3A_1743, %select_n3A_1735 : vector<16xi1>, vector<16xi32>
      %select_n3A_1749 = arith.select %gt3A_1744, %select_n3A_1737, %select_n3A_1748 : vector<16xi1>, vector<16xi32>
      %select_n3A_1750 = arith.select %gt3A_1744, %get3A_1741, %select_n3A_1736 : vector<16xi1>, vector<16xf32>
      %select_n3A_1751 = arith.select %gt3A_1744, %broadcast_in_dim3A_1743, %select_n3A_1737 : vector<16xi1>, vector<16xi32>
      %get3A_1752 = arith.constant 61 : i32
      %get3A_1753 = arith.index_cast %get3A_1752 : i32 to index
      %get3A_1754 = arith.index_cast %add3A_16 : i32 to index
      %get3A_1755 = tpu.vector_load %arg5[%get3A_1753, %get3A_1754] {strides = array<i32>} : memref<64x256xf32, #tpu.memory_space<vmem>>, vector<16xf32>,
      %broadcast_in_dim3A_1756 = arith.constant 61 : i32
      %broadcast_in_dim3A_1757 = vector.broadcast %broadcast_in_dim3A_1756 : i32 to vector<16xi32>
      %gt3A_1758 = arith.cmpf ogt, %get3A_1755, %select_n3A_1750 : vector<16xf32>
      %gt3A_1759 = arith.cmpf ogt, %get3A_1755, %select_n3A_1747 : vector<16xf32>
      %select_n3A_1760 = arith.select %gt3A_1759, %get3A_1755, %select_n3A_1747 : vector<16xi1>, vector<16xf32>
      %select_n3A_1761 = arith.select %gt3A_1758, %select_n3A_1750, %select_n3A_1760 : vector<16xi1>, vector<16xf32>
      %select_n3A_1762 = arith.select %gt3A_1759, %broadcast_in_dim3A_1757, %select_n3A_1749 : vector<16xi1>, vector<16xi32>
      %select_n3A_1763 = arith.select %gt3A_1758, %select_n3A_1751, %select_n3A_1762 : vector<16xi1>, vector<16xi32>
      %select_n3A_1764 = arith.select %gt3A_1758, %get3A_1755, %select_n3A_1750 : vector<16xi1>, vector<16xf32>
      %select_n3A_1765 = arith.select %gt3A_1758, %broadcast_in_dim3A_1757, %select_n3A_1751 : vector<16xi1>, vector<16xi32>
      %get3A_1766 = arith.constant 62 : i32
      %get3A_1767 = arith.index_cast %get3A_1766 : i32 to index
      %get3A_1768 = arith.index_cast %add3A_16 : i32 to index
      %get3A_1769 = tpu.vector_load %arg5[%get3A_1767, %get3A_1768] {strides = array<i32>} : memref<64x256xf32, #tpu.memory_space<vmem>>, vector<16xf32>,
      %broadcast_in_dim3A_1770 = arith.constant 62 : i32
      %broadcast_in_dim3A_1771 = vector.broadcast %broadcast_in_dim3A_1770 : i32 to vector<16xi32>
      %gt3A_1772 = arith.cmpf ogt, %get3A_1769, %select_n3A_1764 : vector<16xf32>
      %gt3A_1773 = arith.cmpf ogt, %get3A_1769, %select_n3A_1761 : vector<16xf32>
      %select_n3A_1774 = arith.select %gt3A_1773, %get3A_1769, %select_n3A_1761 : vector<16xi1>, vector<16xf32>
      %select_n3A_1775 = arith.select %gt3A_1772, %select_n3A_1764, %select_n3A_1774 : vector<16xi1>, vector<16xf32>
      %select_n3A_1776 = arith.select %gt3A_1773, %broadcast_in_dim3A_1771, %select_n3A_1763 : vector<16xi1>, vector<16xi32>
      %select_n3A_1777 = arith.select %gt3A_1772, %select_n3A_1765, %select_n3A_1776 : vector<16xi1>, vector<16xi32>
      %select_n3A_1778 = arith.select %gt3A_1772, %get3A_1769, %select_n3A_1764 : vector<16xi1>, vector<16xf32>
      %select_n3A_1779 = arith.select %gt3A_1772, %broadcast_in_dim3A_1771, %select_n3A_1765 : vector<16xi1>, vector<16xi32>
      %get3A_1780 = arith.constant 63 : i32
      %get3A_1781 = arith.index_cast %get3A_1780 : i32 to index
      %get3A_1782 = arith.index_cast %add3A_16 : i32 to index
      %get3A_1783 = tpu.vector_load %arg5[%get3A_1781, %get3A_1782] {strides = array<i32>} : memref<64x256xf32, #tpu.memory_space<vmem>>, vector<16xf32>,
      %broadcast_in_dim3A_1784 = arith.constant 63 : i32
      %broadcast_in_dim3A_1785 = vector.broadcast %broadcast_in_dim3A_1784 : i32 to vector<16xi32>
      %gt3A_1786 = arith.cmpf ogt, %get3A_1783, %select_n3A_1778 : vector<16xf32>
      %gt3A_1787 = arith.cmpf ogt, %get3A_1783, %select_n3A_1775 : vector<16xf32>
      %select_n3A_1788 = arith.select %gt3A_1787, %get3A_1783, %select_n3A_1775 : vector<16xi1>, vector<16xf32>
      %select_n3A_1789 = arith.select %gt3A_1786, %select_n3A_1778, %select_n3A_1788 : vector<16xi1>, vector<16xf32>
      %select_n3A_1790 = arith.select %gt3A_1787, %broadcast_in_dim3A_1785, %select_n3A_1777 : vector<16xi1>, vector<16xi32>
      %select_n3A_1791 = arith.select %gt3A_1786, %select_n3A_1779, %select_n3A_1790 : vector<16xi1>, vector<16xi32>
      %select_n3A_1792 = arith.select %gt3A_1786, %get3A_1783, %select_n3A_1778 : vector<16xi1>, vector<16xf32>
      %select_n3A_1793 = arith.select %gt3A_1786, %broadcast_in_dim3A_1785, %select_n3A_1779 : vector<16xi1>, vector<16xi32>
      %add3A_1794 = vector.broadcast %mul3A_14 : i32 to vector<16xi32>
      %add3A_1795 = arith.addi %add3A_1794, %iota3A : vector<16xi32>
      %sub3A = arith.subf %select_n3A_899, %select_n3A_902 : vector<16xf32>
      %exp3A = math.exp %sub3A : vector<16xf32>
      %add3A_1796 = arith.constant 1.000000e+00 : f32
      %add3A_1797 = vector.broadcast %add3A_1796 : f32 to vector<16xf32>
      %add3A_1798 = arith.addf %exp3A, %add3A_1797 : vector<16xf32>
      tpu.vector_store_idx %arg6[%add3A_1795, %broadcast_in_dim3A_3], %select_n3A_903 : memref<256x2xi32, #tpu.memory_space<vmem>>[vector<16xi32>, vector<16xi32>], vector<16xi32>,
      tpu.vector_store_idx %arg6[%add3A_1795, %add3A_6], %select_n3A_901 : memref<256x2xi32, #tpu.memory_space<vmem>>[vector<16xi32>, vector<16xi32>], vector<16xi32>,
      %div3A = arith.constant 1.000000e+00 : f32
      %div3A_1799 = vector.broadcast %div3A : f32 to vector<16xf32>
      %div3A_1800 = arith.divf %div3A_1799, %add3A_1798 : vector<16xf32>
      tpu.vector_store_idx %arg7[%add3A_1795, %broadcast_in_dim3A_3], %div3A_1800 : memref<256x2xf32, #tpu.memory_space<vmem>>[vector<16xi32>, vector<16xi32>], vector<16xf32>,
      %div3A_1801 = arith.divf %exp3A, %add3A_1798 : vector<16xf32>
      tpu.vector_store_idx %arg7[%add3A_1795, %add3A_6], %div3A_1801 : memref<256x2xf32, #tpu.memory_space<vmem>>[vector<16xi32>, vector<16xi32>], vector<16xf32>,
      %add3A_1802 = vector.broadcast %add3A_16 : i32 to vector<16xi32>
      %add3A_1803 = arith.addi %add3A_1802, %iota3A : vector<16xi32>
      %sub3A_1804 = arith.subf %select_n3A_1789, %select_n3A_1792 : vector<16xf32>
      %exp3A_1805 = math.exp %sub3A_1804 : vector<16xf32>
      %add3A_1806 = arith.constant 1.000000e+00 : f32
      %add3A_1807 = vector.broadcast %add3A_1806 : f32 to vector<16xf32>
      %add3A_1808 = arith.addf %exp3A_1805, %add3A_1807 : vector<16xf32>
      tpu.vector_store_idx %arg6[%add3A_1803, %broadcast_in_dim3A_3], %select_n3A_1793 : memref<256x2xi32, #tpu.memory_space<vmem>>[vector<16xi32>, vector<16xi32>], vector<16xi32>,
      tpu.vector_store_idx %arg6[%add3A_1803, %add3A_6], %select_n3A_1791 : memref<256x2xi32, #tpu.memory_space<vmem>>[vector<16xi32>, vector<16xi32>], vector<16xi32>,
      %div3A_1809 = arith.constant 1.000000e+00 : f32
      %div3A_1810 = vector.broadcast %div3A_1809 : f32 to vector<16xf32>
      %div3A_1811 = arith.divf %div3A_1810, %add3A_1808 : vector<16xf32>
      tpu.vector_store_idx %arg7[%add3A_1803, %broadcast_in_dim3A_3], %div3A_1811 : memref<256x2xf32, #tpu.memory_space<vmem>>[vector<16xi32>, vector<16xi32>], vector<16xf32>,
      %div3A_1812 = arith.divf %exp3A_1805, %add3A_1808 : vector<16xf32>
      tpu.vector_store_idx %arg7[%add3A_1803, %add3A_6], %div3A_1812 : memref<256x2xf32, #tpu.memory_space<vmem>>[vector<16xi32>, vector<16xi32>], vector<16xf32>,
    }
    %scan3A_11 = arith.constant 8 : i32
    "tpu.region"() ({
      %run_scoped3A = tpu.sem_alloc : memref<!tpu.dma_semaphore, #tpu.memory_space<semaphore_mem>>
      %dma_start3A = arith.constant 0 : i32
      %dma_start3A_12 = tpu.memref_slice %arg3[%mul3A_2, %dma_start3A] : memref<8192x2xi32, #tpu.memory_space<hbm>> -> memref<256x2xi32, #tpu.memory_space<hbm>>
      %dma_start3A_13 = arith.constant 0 : i32
      %dma_start3A_14 = tpu.memref_slice %arg3[%mul3A_2, %dma_start3A_13] : memref<8192x2xi32, #tpu.memory_space<hbm>> -> memref<256x2xi32, #tpu.memory_space<hbm>>
      tpu.enqueue_dma source(%arg6 : memref<256x2xi32, #tpu.memory_space<vmem>>) target(%dma_start3A_14 : memref<256x2xi32, #tpu.memory_space<hbm>>) target_semaphore(%run_scoped3A : memref<!tpu.dma_semaphore, #tpu.memory_space<semaphore_mem>>)
      %dma_wait3A = arith.constant 0 : i32
      %dma_wait3A_15 = tpu.memref_slice %arg3[%mul3A_2, %dma_wait3A] : memref<8192x2xi32, #tpu.memory_space<hbm>> -> memref<256x2xi32, #tpu.memory_space<hbm>>
      %dma_wait3A_16 = arith.constant 0 : i32
      %dma_wait3A_17 = tpu.memref_slice %arg3[%mul3A_2, %dma_wait3A_16] : memref<8192x2xi32, #tpu.memory_space<hbm>> -> memref<256x2xi32, #tpu.memory_space<hbm>>
      tpu.wait_dma2 semaphore(%run_scoped3A : memref<!tpu.dma_semaphore, #tpu.memory_space<semaphore_mem>>) src(%arg6 : memref<256x2xi32, #tpu.memory_space<vmem>>) dst(%dma_wait3A_17 : memref<256x2xi32, #tpu.memory_space<hbm>>)
      tpu.yield
    }) : () -> ()
    "tpu.region"() ({
      %run_scoped3A = tpu.sem_alloc : memref<!tpu.dma_semaphore, #tpu.memory_space<semaphore_mem>>
      %dma_start3A = arith.constant 0 : i32
      %dma_start3A_12 = tpu.memref_slice %arg4[%mul3A_2, %dma_start3A] : memref<8192x2xf32, #tpu.memory_space<hbm>> -> memref<256x2xf32, #tpu.memory_space<hbm>>
      %dma_start3A_13 = arith.constant 0 : i32
      %dma_start3A_14 = tpu.memref_slice %arg4[%mul3A_2, %dma_start3A_13] : memref<8192x2xf32, #tpu.memory_space<hbm>> -> memref<256x2xf32, #tpu.memory_space<hbm>>
      tpu.enqueue_dma source(%arg7 : memref<256x2xf32, #tpu.memory_space<vmem>>) target(%dma_start3A_14 : memref<256x2xf32, #tpu.memory_space<hbm>>) target_semaphore(%run_scoped3A : memref<!tpu.dma_semaphore, #tpu.memory_space<semaphore_mem>>)
      %dma_wait3A = arith.constant 0 : i32
      %dma_wait3A_15 = tpu.memref_slice %arg4[%mul3A_2, %dma_wait3A] : memref<8192x2xf32, #tpu.memory_space<hbm>> -> memref<256x2xf32, #tpu.memory_space<hbm>>
      %dma_wait3A_16 = arith.constant 0 : i32
      %dma_wait3A_17 = tpu.memref_slice %arg4[%mul3A_2, %dma_wait3A_16] : memref<8192x2xf32, #tpu.memory_space<hbm>> -> memref<256x2xf32, #tpu.memory_space<hbm>>
      tpu.wait_dma2 semaphore(%run_scoped3A : memref<!tpu.dma_semaphore, #tpu.memory_space<semaphore_mem>>) src(%arg7 : memref<256x2xf32, #tpu.memory_space<vmem>>) dst(%dma_wait3A_17 : memref<256x2xf32, #tpu.memory_space<hbm>>)
      tpu.yield
    }) : () -> ()
    return
  }
}

module attributes {stable_mosaic.version = 14 : i64} {
  func.func @_logits_body(%arg0: i32, %arg1: memref<64x2048xf32, #tpu.memory_space<vmem>>, %arg2: memref<1024x2048xf32, #tpu.memory_space<vmem>>, %arg3: memref<64x1024xf32, #tpu.memory_space<vmem>>) attributes {dimension_semantics = [#tpu.dimension_semantics<arbitrary>], iteration_bounds = array<i64: 8>, scalar_prefetch = 0 : i64, scratch_operands = 0 : i64, tpu.core_type = #tpu.core_type<tc>, window_params = [{pipeline_mode = #tpu.pipeline_mode<synchronous>, transform_indices = @transform_0, window_bounds = array<i64: 64, 2048>}, {transform_indices = @transform_1, window_bounds = array<i64: 1024, 2048>}, {transform_indices = @transform_2, window_bounds = array<i64: 64, 1024>}]} {
    %get3A = arith.constant 0 : index
    %get3A_0 = arith.constant 0 : index
    %get3A_1 = vector.load %arg1[%get3A, %get3A_0] : memref<64x2048xf32, #tpu.memory_space<vmem>>, vector<64x2048xf32>
    %get3A_2 = arith.constant 0 : index
    %get3A_3 = arith.constant 0 : index
    %get3A_4 = vector.load %arg2[%get3A_2, %get3A_3] : memref<1024x2048xf32, #tpu.memory_space<vmem>>, vector<1024x2048xf32>
    %dot_general3A = arith.constant dense<0.000000e+00> : vector<64x1024xf32>
    %dot_general3A_5 = tpu.matmul %get3A_1, %get3A_4, %dot_general3A {dimension_numbers = #tpu.dot_dimension_numbers<[1], [1], [0], [0], [0, 0, 1, 0], [], []>, transpose_lhs_hint = false} : vector<64x2048xf32>, vector<1024x2048xf32>, vector<64x1024xf32> -> vector<64x1024xf32>
    %swap3A = arith.constant 0 : index
    %swap3A_6 = arith.constant 0 : index
    %swap3A_7 = vector.load %arg3[%swap3A, %swap3A_6] : memref<64x1024xf32, #tpu.memory_space<vmem>>, vector<64x1024xf32>
    tpu.vector_store %arg3[%swap3A, %swap3A_6], %dot_general3A_5 {strides = array<i32>} : memref<64x1024xf32, #tpu.memory_space<vmem>>, vector<64x1024xf32>,
    return
  }
  func.func @transform_0(%arg0: i32) -> (i32, i32) {
    %c0_i32 = arith.constant 0 : i32
    %c0_i32_0 = arith.constant 0 : i32
    %c0_i32_1 = arith.constant 0 : i32
    return %c0_i32, %c0_i32_0 : i32, i32
  }
  func.func @transform_1(%arg0: i32) -> (i32, i32) {
    %c0_i32 = arith.constant 0 : i32
    %c0_i32_0 = arith.constant 0 : i32
    return %arg0, %c0_i32 : i32, i32
  }
  func.func @transform_2(%arg0: i32) -> (i32, i32) {
    %c0_i32 = arith.constant 0 : i32
    %c0_i32_0 = arith.constant 0 : i32
    return %c0_i32, %arg0 : i32, i32
  }
}

</mosaic_0001>

<sc_bundles>
// kernel: kernel.4.cloned.1.call-start
scs
__scs_entry_jumppad:
0x0: {  	(pc) =	sbr.rel $0x88, $3  }
0x1: {  	(tag) =	ssettag $0x0;
	lr =	simm.s32 $0x1  }
0x2: {  	[smem:$0x3F9F] =	sst lr;
	_ =	strace $0xD0000000  }
0x3: {  	_ = 	snop  }
0x4: {  	_ = 	snop  }
0x5: {  	_ = 	snop  }
0x6: {  	_ = 	snop  }
0x7: {  	_ = 	snop  }
__scs_overlays_trampoline_lowered:
0x8: {  	[smem:$0x3FAE] =	sst s0  }
0x9: {  	[smem:$0x3FAF] =	sst s1  }
0xa: {  	[smem:$0x3FB0] =	sst s2  }
0xb: {  	[smem:$0x3FB1] =	sst s3  }
0xc: {  	[smem:$0x3FB2] =	sst s4  }
0xd: {  	[smem:$0x3FB3] =	sst s5  }
0xe: {  	[smem:$0x3FB4] =	sst s6  }
0xf: {  	[smem:$0x3FB5] =	sst s7  }
0x10: {  	[smem:$0x3FB6] =	sst s8  }
0x11: {  	[smem:$0x3FB7] =	sst s9;
	s0 =	simm.s32 @!p0 $0x0  }
0x12: {  	s1 =	sld [smem:$0x3F9D];
	s0 =	simm.s32 @p0 $0x1  }
0x13: {  	[smem:$0x3FB8] =	sst s0;
	s0 =	simm.s32 @!p1 $0x0  }
0x14: {  	s2 =	sld [smem:$0x3F9C];
	s0 =	simm.s32 @p1 $0x1  }
0x15: {  	[smem:$0x3FB9] =	sst s0;
	s0 =	simm.s32 @!p2 $0x0  }
0x16: {  	s3 =	sld [smem:$0x3FDB];
	s0 =	simm.s32 @p2 $0x1  }
0x17: {  	s4 =	simm.s32 $0x1BF5;
	[smem:$0x3FBB] =	sst s0  }
0x18: {  	s0 =	sld [smem:$0x3F9E];
	_ =	swait.ge [sflag:s4], $0x0  }
0x19: {  	s7 =	sld [smem:$0x3F9F]  }
0x1a: {  	s8 =	sadd.s32 $0xFFFFE003, lr  }
0x1b: {  	s9 =	sadd.s32 $0xFFFFFEF7, lr;
	s5 =	simm.s32 $0xFFFFFFFF;
	p2 =	slt.u32 s8, $0xFFFFF086  }
0x1c: {  	p1 =	slt.u32 s9, $0xF7A;
	s5 =	simm.s32 @!p2 $0x0  }
0x1d: {  	s5 =	simm.s32 @p1 $0x1;
	p0 =	seq.s32 s7, s2  }
0x1e: {  	s7 =	smul.u32 @!p0 $0xF7A, s2;
	p2 =	seq.s32 @!p0 s5, $0x0  }
0x1f: {  	s9 =	smul.u32 $0xF7A, s1;
	s8 =	simm.s32 @!p0 $0x1BF5;
	p2 =	por !p2, p0  }
0x20: {  	[sflag:s8] =	ssyncset.s32 @!p0 $0xFFFFF086;
	s6 =	sadd.s32 @!p0 s3, s7;
	s7 =	simm.s32 @!p0 $0x108  }
0x21: {  	s3 =	sadd.s32 s3, s9;
	s6 =	sadd.s32 @!p0 $0x88, s6;
	s7 =	simm.s32 @p2 $0x1082  }
0x22: {  	[simem:s7], [sflag:s8] =	dma.local @!p0 [hbm:s6], $0xF7A  }
0x23: {  	s9 =	sor.u32 $0xD0000000, s2;
	s6 =	simm.s32 $0x108;
	_ =	swait.ge @!p0 [sflag:s8], $0x0  }
0x24: {  	s3 =	sadd.s32 $0x88, s3;
	s6 =	simm.s32 @!p1 $0x1082;
	[sflag:s4] =	ssyncset.s32 $0xFFFFF086  }
0x25: {  	[simem:s6], [sflag:s4] =	dma.local [hbm:s3], $0xF7A  }
0x26: {  	[smem:$0x3F9F] =	sst s1;
	(tag) =	ssettag s2;
	_ =	strace s9  }
0x27: {  	s1 =	sld [smem:$0x3FAF]  }
0x28: {  	s2 =	sld [smem:$0x3FB0]  }
0x29: {  	s4 =	sld [smem:$0x3FB2]  }
0x2a: {  	p0 =	seq.s32 s5, $0x0;
	s5 =	sld [smem:$0x3FB3]  }
0x2b: {  	s6 =	sld [smem:$0x3FB4]  }
0x2c: {  	s7 =	sld [smem:$0x3FB5]  }
0x2d: {  	s3 =	simm.s32 $0x108;
	s8 =	sld [smem:$0x3FB6]  }
0x2e: {  	s3 =	simm.s32 @!p0 $0x1082;
	s9 =	sld [smem:$0x3FB7]  }
0x2f: {  	lr =	sadd.s32 s0, s3;
	s0 =	sld [smem:$0x3FAE]  }
0x30: {  	s3 =	sld [smem:$0x3FB1]  }
0x31: {  	[smem:$0x3FBA] =	sst s10  }
0x32: {  	s10 =	sld [smem:$0x3FB8];
	_ =	sdelay $0x3  }
0x33: {  	p0 =	seq.s32 s10, $0x1;
	s10 =	sld [smem:$0x3FBA];
	_ =	sdelay $0x3  }
0x34: {  	[smem:$0x3FBA] =	sst s10  }
0x35: {  	s10 =	sld [smem:$0x3FB9];
	_ =	sdelay $0x3  }
0x36: {  	p1 =	seq.s32 s10, $0x1;
	s10 =	sld [smem:$0x3FBA];
	_ =	sdelay $0x3  }
0x37: {  	[smem:$0x3FBA] =	sst s10  }
0x38: {  	s10 =	sld [smem:$0x3FBB]  }
0x39: {  	_ = 	snop;
	(pc) =	sbr.ind lr, $3  }
0x3a: {  	_ = 	snop  }
0x3b: {  	_ = 	snop  }
0x3c: {  	p2 =	seq.s32 s10, $0x1;
	s10 =	sld [smem:$0x3FBA]  }
0x3d: {  	_ =	shalt  }
0x3e: {  	_ =	shalt  }
0x3f: {  	_ =	shalt  }
0x40: {  	_ =	shalt  }
0x41: {  	_ =	shalt  }
0x42: {  	_ =	shalt  }
0x43: {  	_ =	shalt  }
0x44: {  	_ =	shalt  }
0x45: {  	_ =	shalt  }
0x46: {  	_ =	shalt  }
0x47: {  	_ =	shalt  }
0x48: {  	_ =	shalt  }
0x49: {  	_ =	shalt  }
0x4a: {  	_ =	shalt  }
0x4b: {  	_ =	shalt  }
0x4c: {  	_ =	shalt  }
0x4d: {  	_ =	shalt  }
0x4e: {  	_ =	shalt  }
0x4f: {  	_ =	shalt  }
0x50: {  	_ =	shalt  }
0x51: {  	_ =	shalt  }
0x52: {  	_ =	shalt  }
0x53: {  	_ =	shalt  }
0x54: {  	_ =	shalt  }
0x55: {  	_ =	shalt  }
0x56: {  	_ =	shalt  }
0x57: {  	_ =	shalt  }
0x58: {  	_ =	shalt  }
0x59: {  	_ =	shalt  }
0x5a: {  	_ =	shalt  }
0x5b: {  	_ =	shalt  }
0x5c: {  	_ =	shalt  }
0x5d: {  	_ =	shalt  }
0x5e: {  	_ =	shalt  }
0x5f: {  	_ =	shalt  }
0x60: {  	_ =	shalt  }
0x61: {  	_ =	shalt  }
0x62: {  	_ =	shalt  }
0x63: {  	_ =	shalt  }
0x64: {  	_ =	shalt  }
0x65: {  	_ =	shalt  }
0x66: {  	_ =	shalt  }
0x67: {  	_ =	shalt  }
0x68: {  	_ =	shalt  }
0x69: {  	_ =	shalt  }
0x6a: {  	_ =	shalt  }
0x6b: {  	_ =	shalt  }
0x6c: {  	_ =	shalt  }
0x6d: {  	_ =	shalt  }
0x6e: {  	_ =	shalt  }
0x6f: {  	_ =	shalt  }
0x70: {  	_ =	shalt  }
0x71: {  	_ =	shalt  }
0x72: {  	_ =	shalt  }
0x73: {  	_ =	shalt  }
0x74: {  	_ =	shalt  }
0x75: {  	_ =	shalt  }
0x76: {  	_ =	shalt  }
0x77: {  	_ =	shalt  }
0x78: {  	_ =	shalt  }
0x79: {  	_ =	shalt  }
0x7a: {  	_ =	shalt  }
0x7b: {  	_ =	shalt  }
0x7c: {  	_ =	shalt  }
0x7d: {  	_ =	shalt  }
0x7e: {  	_ =	shalt  }
0x7f: {  	_ =	shalt  }
0x80: {  	_ =	shalt  }
0x81: {  	_ =	shalt  }
0x82: {  	_ =	shalt  }
0x83: {  	_ =	shalt  }
0x84: {  	_ =	shalt  }
0x85: {  	_ =	shalt  }
0x86: {  	_ =	shalt  }
0x87: {  	_ =	shalt  }
.Lfunc_end0:
.L_simem_size_0:
called_computation_lowered:
.L_overlay_start_0:
0x88: {  	s2 =	sld [smem:$0x3FD9]  }
0x89: {  	s3 =	sld [smem:$0x3FFE];
	_ =	sdelay $0x1  }
0x8a: {  	s1 =	srdreg.scid  }
0x8b: {  	s0 =	sand.u32 $0x1, s1  }
0x8c: {  	s16 =	sshll.u32 s0, $0xA;
	s2 =	sadd.s32 s3, s2  }
0x8d: {  	s2 =	sadd.s32 s2, s16  }
0x8e: {  	[smem:$0x3FC6] =	sst s2  }
0x8f: {  	_ = 	snop  }
0x90: {  	(tm) =	ssettm $0x1  }
0x91: {  	s17 =	sld [smem:$0x3FFB];
	_ =	sdelay $0x3  }
0x92: {  	_ =	strace s17  }
0x93: {  	s2 =	sld [smem:$0x3FFC];
	_ =	sdelay $0x3  }
0x94: {  	_ =	strace s2  }
0x95: {  	s2 =	sld [smem:$0x3FFD];
	_ =	sdelay $0x3  }
0x96: {  	_ =	strace s2  }
0x97: {  	_ =	strace $0x8FFFFFFF  }
0x98: {  	s18 =	sld [smem:$0x3FDB];
	_ =	sdelay $0x1  }
0x99: {  	s19 =	simm.s32 $_scs_section_size  }
0x9a: {  	s4 =	simm.s32 $_size__tile_overlayer_lowered;
	s5 =	simm.s32 $_tile_overlayer_lowered  }
0x9b: {  	s22 =	simm.s32 $0x1BFF;
	s21 =	sshll.u32 s5, $0x1;
	s2 =	sadd.s32 s19, s18  }
0x9c: {  	s6 =	simm.s32 $0x0;
	s20 =	sshll.u32 s4, $0x1;
	s4 =	sadd.s32 s21, s2  }
0x9d: {  	[timem:s6], [sflag:s22] =	dma.local [hbm:s4], s20  }
0x9e: {  	_ =	swait.ge [sflag:s22], s20  }
0x9f: {  	s3 =	ssub.s32 $0x0, s20;
	[sflag:s22] =	ssyncset.done $0x0  }
0xa0: {  	[sflag:s22] =	ssyncadd.s32 s3;
	_ =	sdelay $0x1  }
0xa1: {  	s23 =	simm.s32 $0x1B8B  }
0xa2: {  	_ =	swait.ge [sflag:s23], $0x1  }
0xa3: {  	[sflag:s23] =	ssyncset.done $0x0  }
0xa4: {  	s25 =	simm.s32 $0x1B8E;
	s24 =	sld [smem:$0x3FFE];
	[sflag:s23] =	ssyncadd.s32 $0xFFFFFFFF  }
0xa5: {  	s26 =	simm.s32 $execute0_lowered;
	[smem:$0x3FD2] =	sst s25  }
0xa6: {  	s4 =	sshll.u32 s26, $0x1;
	_ =	strace $0x80000046;
	[dreg:$0x1] =	wrdreg $0xFFFFFFFF  }
0xa7: {  	s28 =	simm.s32 $_size_execute0_lowered;
	s2 =	sadd.s32 s2, s4;
	[dreg:$0x0] =	wrdreg $0x0  }
0xa8: {  	s4 =	sshll.u32 s28, $0x1;
	[dreg:$0x2] =	wrdreg s2  }
0xa9: {  	[dreg:$0x3] =	wrdreg s4  }
0xaa: {  	[dreg:$0x4] =	wrdreg $0xC0  }
0xab: {  	_ =	task [dreg:s6], $0x5FFFF  }
0xac: {  	[dreg:$0x1] =	wrdreg $0xFFFFFFFF  }
0xad: {  	[dreg:$0x0] =	wrdreg $0x60  }
0xae: {  	[dreg:$0x2] =	wrdreg s24  }
0xaf: {  	[dreg:$0x3] =	wrdreg $0x9  }
0xb0: {  	_ =	task.clear_ibuf [dreg:s6], $0x4FFFF;
	_ =	strace $0x90000046  }
0xb1: {  	s29 =	simm.s32 $0x9;
	_ =	strace $0x80000048  }
0xb2: {  	_ =	swait.ge [sflag:s29], $0x1  }
0xb3: {  	[sflag:s29] =	ssyncadd.s32 $0xFFFFFFFF  }
0xb4: {  	_ =	strace $0x90000048  }
0xb5: {  	_ =	sfence  }
0xb6: {  	s30 =	sld [smem:$0x0];
	_ =	sdelay $0x2  }
0xb7: {  	s31 =	sshll.u32 s1, $0xD;
	s1 =	sshrl.u32 s1, $0x2  }
0xb8: {  	s3 =	sand.u32 $0x4000, s31;
	s1 =	sadd.s32 s1, s30  }
0xb9: {  	s0 =	sor.u32 s3, s0;
	s1 =	sshll.u32 s1, $0x11  }
0xba: {  	s0 =	sor.u32 s1, s0  }
0xbb: {  	s0 =	sadd.s32 $0x8F2B, s0  }
0xbc: {  	[sflag:s0] =	ssyncadd.remote.s32 $0x1  }
0xbd: {  	_ =	sfence.sel $0xFFFF  }
0xbe: {  	[dreg:$0x0] =	wrdreg $0xFFFFFFFF;
	(pc) =	sbr.abs _section_cstart, $3  }
0xbf: {  	[dreg:$0x1] =	wrdreg $0xFFFFFFFF  }
0xc0: {  	_ =	task.clear_ibuf [dreg:s6], $0x2FFFF;
	_ =	strace $0x9FFFFFFF  }
0xc1: {  	(tm) =	ssettm $0x7FFFFFFF  }
tec
execute0_lowered:
.L_overlay_start_1:
0x0: {  	(tag) =	ssettag $0x1  }
0x1: {  	s1 =	srdreg.scid  }
0x2: {  	s0 =	rddreg [dreg:$0x0];
	s2 =	stileid.u32;
	s1 =	sand.u32 $0x1, s1  }
0x3: {  	s5 =	simm.s32 $0x0;
	s2 =	sshll.u32 s2, $0x9;
	s3 =	sshll.u32 s1, $0x8  }
0x4: {  	[smem:$0x7FF] =	sst s5;
	s1 =	ssub.s32 $0x2, s1;
	s2 =	sor.u32 s3, s2  }
0x5: {  	_ =	strace $0x80000047;
	s4 =	sshrl.u32 s1, $0x1;
	s3 =	sadd.s32 s2, s0  }
0x6: {  	s2 =	sshll.u32 s2, $0x4;
	s1 =	ssub.s32 s1, s4;
	s29 =	sadd.s32 $0xE00, s3  }
0x7: {  	s0 =	sadd.s32 s2, s0;
	s31 =	smax.u32 s1, $0x1;
	[dreg:$0x2] =	wrdreg s29  }
0x8: {  	s30 =	sadd.s32 $0x10E00, s0;
	[dreg:$0x5] =	wrdreg s31  }
0x9: {  	v1 =	vlaneseq.u32;
	s0 =	sadd.s32 $0x30E00, s0;
	[dreg:$0x3] =	wrdreg s30  }
0xa: {  	v0 =	vimm.s32 $0x0;
	v1 =	vmul.u32 $0x80, v1;
	s3 =	simm.s32 $0x1;
	s1 =	simm.s32 $0x0;
	[dreg:$0x4] =	wrdreg s0  }
.LBB2_1:
0xb: {  	[dreg:$0x6] =	wrdreg s1  }
0xc: {  	s0 =	rddreg [dreg:$0x2];
	s31 =	simm.s32 $0x800;
	s2 =	simm.s32 $0x10000  }
0xd: {  	[tilespmem:s5], [sflag:$0x1] =	stream.strided.gather [hbm4b:s0+s31], $0x4000, s2, s31, $0x38;
	[tilespmem:$0x14000] =	vst v63  }
0xe: {  	_ =	swait.ge [sflag:s3], $0x4000  }
0xf: {  	s9 =	simm.s32 $0x0;
	s15 =	simm.s32 $0x0;
	[sflag:s3] =	ssyncset.done $0x0  }
0x10: {  	s16 =	simm.s32 $0x0;
	[sflag:s3] =	ssyncadd.s32 $0xFFFFC000;
	s3 =	simm.s32 $0x0  }
.LBB2_2:
0x11: {  	s17 =	sand.u32 $0x60, s16;
	s18 =	sand.u32 $0x400, s15  }
0x12: {  	s0 =	sor.u32 s17, s18  }
0x13: {  	v3 =	vld [tilespmem:s0+$0x80]  }
0x14: {  	v2 =	vld [tilespmem:s0+$0x0];
	_ =	sdelay $0x2  }
0x15: {  	v4 =	vld [tilespmem:s0+$0x100]  }
0x16: {  	vm1 =	vlt.f32 v3, $-Inf;
	vm2 =	vgt.f32 v3, $-Inf  }
0x17: {  	vm0 =	vgt.f32 v3, v2;
	vm1 =	vmor vm2, vm1  }
0x18: {  	v6 =	vld [tilespmem:s0+$0x180];
	vm3 =	vmneg vm0;
	v5 =	vnsel vm1, $0xFF800000, v3  }
0x19: {  	v5 =	vsel vm3, v5, v2  }
0x1a: {  	v2 =	vsel vm3, v2, v3;
	vm11 =	vgt.f32 v4, v5  }
0x1b: {  	v8 =	vld [tilespmem:s0+$0x200];
	vm1 =	vmand vm3, vm1;
	vm12 =	vgt.f32 v4, v2;
	v5 =	vsel vm11, v4, v5  }
0x1c: {  	v7 =	vsel vm1, $0x1, v0;
	v5 =	vsel vm12, v2, v5  }
0x1d: {  	s1 =	sand.u32 $0x3, s3;
	v3 =	vsel vm0, $0x1, v0;
	v2 =	vsel vm12, v4, v2;
	vm13 =	vgt.f32 v6, v5  }
0x1e: {  	s1 =	sshll.u32 s1, $0x5;
	v40 =	vld [tilespmem:s0+$0x280];
	v7 =	vsel vm11, $0x2, v7;
	vm14 =	vgt.f32 v6, v2;
	v38 =	vsel vm13, v6, v5  }
0x1f: {  	s19 =	sadd.s32 s1, s15;
	v7 =	vsel vm12, v3, v7;
	v4 =	vsel vm14, v2, v38  }
0x20: {  	s0 =	sor.u32 $0x300, s19;
	v3 =	vsel vm12, $0x2, v3;
	v2 =	vsel vm14, v6, v2;
	vm15 =	vgt.f32 v8, v4  }
0x21: {  	v41 =	vld [tilespmem:s0+$0x0];
	v39 =	vsel vm13, $0x3, v7;
	vm4 =	vgt.f32 v8, v2;
	v4 =	vsel vm15, v8, v4  }
0x22: {  	s20 =	sor.u32 s16, s15;
	v5 =	vsel vm14, v3, v39;
	v4 =	vsel vm4, v2, v4  }
0x23: {  	s0 =	sor.u32 $0x380, s20;
	v3 =	vsel vm14, $0x3, v3;
	v2 =	vsel vm4, v8, v2;
	vm5 =	vgt.f32 v40, v4  }
0x24: {  	v42 =	vld [tilespmem:s0+$0x0];
	v5 =	vsel vm15, $0x4, v5;
	vm6 =	vgt.f32 v40, v2;
	v4 =	vsel vm5, v40, v4  }
0x25: {  	s4 =	sor.u32 $0x800, s18;
	v5 =	vsel vm4, v3, v5;
	v4 =	vsel vm6, v2, v4  }
0x26: {  	s21 =	sor.u32 s17, s4;
	v3 =	vsel vm4, $0x4, v3;
	v2 =	vsel vm6, v40, v2;
	vm7 =	vgt.f32 v41, v4  }
0x27: {  	v43 =	vld [tilespmem:s21+$0x0];
	v5 =	vsel vm5, $0x5, v5;
	vm8 =	vgt.f32 v41, v2;
	v4 =	vsel vm7, v41, v4  }
0x28: {  	s5 =	sor.u32 $0x880, s18;
	v5 =	vsel vm6, v3, v5;
	v4 =	vsel vm8, v2, v4  }
0x29: {  	s22 =	sor.u32 s17, s5;
	v3 =	vsel vm6, $0x5, v3;
	v2 =	vsel vm8, v41, v2;
	vm9 =	vgt.f32 v42, v4  }
0x2a: {  	v44 =	vld [tilespmem:s22+$0x0];
	v5 =	vsel vm7, $0x6, v5;
	vm10 =	vgt.f32 v42, v2;
	v4 =	vsel vm9, v42, v4  }
0x2b: {  	s6 =	sor.u32 $0x900, s18;
	v5 =	vsel vm8, v3, v5;
	v4 =	vsel vm10, v2, v4  }
0x2c: {  	s23 =	sor.u32 s17, s6;
	v3 =	vsel vm8, $0x6, v3;
	v2 =	vsel vm10, v42, v2;
	vm11 =	vgt.f32 v43, v4  }
0x2d: {  	v45 =	vld [tilespmem:s23+$0x0];
	v5 =	vsel vm9, $0x7, v5;
	vm12 =	vgt.f32 v43, v2;
	v4 =	vsel vm11, v43, v4  }
0x2e: {  	[dreg:$0x7] =	wrdreg s3;
	s3 =	sor.u32 $0x980, s18;
	v5 =	vsel vm10, v3, v5;
	v4 =	vsel vm12, v2, v4  }
0x2f: {  	s24 =	sor.u32 s17, s3;
	v3 =	vsel vm10, $0x7, v3;
	v2 =	vsel vm12, v43, v2;
	vm13 =	vgt.f32 v44, v4  }
0x30: {  	v46 =	vld [tilespmem:s24+$0x0];
	v5 =	vsel vm11, $0x8, v5;
	vm14 =	vgt.f32 v44, v2;
	v4 =	vsel vm13, v44, v4  }
0x31: {  	s8 =	sor.u32 $0xA00, s18;
	v5 =	vsel vm12, v3, v5;
	v4 =	vsel vm14, v2, v4  }
0x32: {  	s25 =	sor.u32 s17, s8;
	v3 =	vsel vm12, $0x8, v3;
	v2 =	vsel vm14, v44, v2;
	vm15 =	vgt.f32 v45, v4  }
0x33: {  	v47 =	vld [tilespmem:s25+$0x0];
	v5 =	vsel vm13, $0x9, v5;
	vm4 =	vgt.f32 v45, v2;
	v4 =	vsel vm15, v45, v4  }
0x34: {  	s14 =	sor.u32 $0xA80, s18;
	v5 =	vsel vm14, v3, v5;
	v4 =	vsel vm4, v2, v4  }
0x35: {  	s26 =	sor.u32 s17, s14;
	v3 =	vsel vm14, $0x9, v3;
	v2 =	vsel vm4, v45, v2;
	vm5 =	vgt.f32 v46, v4  }
0x36: {  	v48 =	vld [tilespmem:s26+$0x0];
	v5 =	vsel vm15, $0xA, v5;
	vm6 =	vgt.f32 v46, v2;
	v4 =	vsel vm5, v46, v4  }
0x37: {  	s10 =	sor.u32 $0xB00, s18;
	v5 =	vsel vm4, v3, v5;
	v4 =	vsel vm6, v2, v4  }
0x38: {  	s28 =	sor.u32 s17, s10;
	v3 =	vsel vm4, $0xA, v3;
	v2 =	vsel vm6, v46, v2;
	vm7 =	vgt.f32 v47, v4  }
0x39: {  	v49 =	vld [tilespmem:s28+$0x0];
	v5 =	vsel vm5, $0xB, v5;
	vm8 =	vgt.f32 v47, v2;
	v4 =	vsel vm7, v47, v4  }
0x3a: {  	s11 =	sor.u32 $0xB80, s18;
	v5 =	vsel vm6, v3, v5;
	v4 =	vsel vm8, v2, v4  }
0x3b: {  	s29 =	sor.u32 s17, s11;
	v3 =	vsel vm6, $0xB, v3;
	v2 =	vsel vm8, v47, v2;
	vm9 =	vgt.f32 v48, v4  }
0x3c: {  	v50 =	vld [tilespmem:s29+$0x0];
	v5 =	vsel vm7, $0xC, v5;
	vm10 =	vgt.f32 v48, v2;
	v4 =	vsel vm9, v48, v4  }
0x3d: {  	s12 =	sor.u32 $0x1000, s18;
	v5 =	vsel vm8, v3, v5;
	v4 =	vsel vm10, v2, v4  }
0x3e: {  	s30 =	sor.u32 s17, s12;
	v3 =	vsel vm8, $0xC, v3;
	v2 =	vsel vm10, v48, v2;
	vm11 =	vgt.f32 v49, v4  }
0x3f: {  	v51 =	vld [tilespmem:s30+$0x0];
	v5 =	vsel vm9, $0xD, v5;
	vm12 =	vgt.f32 v49, v2;
	v4 =	vsel vm11, v49, v4  }
0x40: {  	s13 =	sor.u32 $0x1080, s18;
	v5 =	vsel vm10, v3, v5;
	v4 =	vsel vm12, v2, v4  }
0x41: {  	s31 =	sor.u32 s17, s13;
	v3 =	vsel vm10, $0xD, v3;
	v2 =	vsel vm12, v49, v2;
	vm13 =	vgt.f32 v50, v4  }
0x42: {  	v52 =	vld [tilespmem:s31+$0x0];
	v5 =	vsel vm11, $0xE, v5;
	vm14 =	vgt.f32 v50, v2;
	v4 =	vsel vm13, v50, v4  }
0x43: {  	s19 =	sor.u32 $0x1100, s18;
	v5 =	vsel vm12, v3, v5;
	v4 =	vsel vm14, v2, v4  }
0x44: {  	s1 =	sor.u32 s17, s19;
	v3 =	vsel vm12, $0xE, v3;
	v2 =	vsel vm14, v50, v2;
	vm15 =	vgt.f32 v51, v4  }
0x45: {  	v53 =	vld [tilespmem:s1+$0x0];
	v5 =	vsel vm13, $0xF, v5;
	vm4 =	vgt.f32 v51, v2;
	v4 =	vsel vm15, v51, v4  }
0x46: {  	s7 =	sor.u32 $0x1180, s18;
	v5 =	vsel vm14, v3, v5;
	v4 =	vsel vm4, v2, v4  }
0x47: {  	s2 =	sor.u32 s17, s7;
	v3 =	vsel vm14, $0xF, v3;
	v2 =	vsel vm4, v51, v2;
	vm5 =	vgt.f32 v52, v4  }
0x48: {  	v54 =	vld [tilespmem:s2+$0x0];
	v5 =	vsel vm15, $0x10, v5;
	vm6 =	vgt.f32 v52, v2;
	v4 =	vsel vm5, v52, v4  }
0x49: {  	s24 =	sor.u32 $0x1200, s18;
	v5 =	vsel vm4, v3, v5;
	v4 =	vsel vm6, v2, v4  }
0x4a: {  	s20 =	sor.u32 s17, s24;
	v3 =	vsel vm4, $0x10, v3;
	v2 =	vsel vm6, v52, v2;
	vm7 =	vgt.f32 v53, v4  }
0x4b: {  	v55 =	vld [tilespmem:s20+$0x0];
	v5 =	vsel vm5, $0x11, v5;
	vm8 =	vgt.f32 v53, v2;
	v4 =	vsel vm7, v53, v4  }
0x4c: {  	s26 =	sor.u32 $0x1280, s18;
	v5 =	vsel vm6, v3, v5;
	v4 =	vsel vm8, v2, v4  }
0x4d: {  	s21 =	sor.u32 s17, s26;
	v3 =	vsel vm6, $0x11, v3;
	v2 =	vsel vm8, v53, v2;
	vm9 =	vgt.f32 v54, v4  }
0x4e: {  	v56 =	vld [tilespmem:s21+$0x0];
	v5 =	vsel vm7, $0x12, v5;
	vm10 =	vgt.f32 v54, v2;
	v4 =	vsel vm9, v54, v4  }
0x4f: {  	s30 =	sor.u32 $0x1300, s18;
	v5 =	vsel vm8, v3, v5;
	v4 =	vsel vm10, v2, v4  }
0x50: {  	s22 =	sor.u32 s17, s30;
	v3 =	vsel vm8, $0x12, v3;
	v2 =	vsel vm10, v54, v2;
	vm11 =	vgt.f32 v55, v4  }
0x51: {  	v57 =	vld [tilespmem:s22+$0x0];
	v5 =	vsel vm9, $0x13, v5;
	vm12 =	vgt.f32 v55, v2;
	v4 =	vsel vm11, v55, v4  }
0x52: {  	s28 =	sor.u32 $0x1380, s18;
	v5 =	vsel vm10, v3, v5;
	v4 =	vsel vm12, v2, v4  }
0x53: {  	s23 =	sor.u32 s17, s28;
	v3 =	vsel vm10, $0x13, v3;
	v2 =	vsel vm12, v55, v2;
	vm13 =	vgt.f32 v56, v4  }
0x54: {  	v58 =	vld [tilespmem:s23+$0x0];
	v5 =	vsel vm11, $0x14, v5;
	vm14 =	vgt.f32 v56, v2;
	v4 =	vsel vm13, v56, v4  }
0x55: {  	s31 =	sor.u32 $0x1800, s18;
	v5 =	vsel vm12, v3, v5;
	v4 =	vsel vm14, v2, v4  }
0x56: {  	s25 =	sor.u32 s17, s31;
	v3 =	vsel vm12, $0x14, v3;
	v2 =	vsel vm14, v56, v2;
	vm15 =	vgt.f32 v57, v4  }
0x57: {  	v59 =	vld [tilespmem:s25+$0x0];
	v5 =	vsel vm13, $0x15, v5;
	vm4 =	vgt.f32 v57, v2;
	v4 =	vsel vm15, v57, v4  }
0x58: {  	s22 =	sor.u32 $0x1880, s18;
	v5 =	vsel vm14, v3, v5;
	v4 =	vsel vm4, v2, v4  }
0x59: {  	s29 =	sor.u32 s17, s22;
	v3 =	vsel vm14, $0x15, v3;
	v2 =	vsel vm4, v57, v2;
	vm5 =	vgt.f32 v58, v4  }
0x5a: {  	v60 =	vld [tilespmem:s29+$0x0];
	v5 =	vsel vm15, $0x16, v5;
	vm6 =	vgt.f32 v58, v2;
	v4 =	vsel vm5, v58, v4  }
0x5b: {  	s23 =	sor.u32 $0x1900, s18;
	v5 =	vsel vm4, v3, v5;
	v4 =	vsel vm6, v2, v4  }
0x5c: {  	s1 =	sor.u32 s17, s23;
	v3 =	vsel vm4, $0x16, v3;
	v2 =	vsel vm6, v58, v2;
	vm7 =	vgt.f32 v59, v4  }
0x5d: {  	v61 =	vld [tilespmem:s1+$0x0];
	v5 =	vsel vm5, $0x17, v5;
	vm8 =	vgt.f32 v59, v2;
	v4 =	vsel vm7, v59, v4  }
0x5e: {  	s25 =	sor.u32 $0x1980, s18;
	v5 =	vsel vm6, v3, v5;
	v4 =	vsel vm8, v2, v4  }
0x5f: {  	s2 =	sor.u32 s17, s25;
	v3 =	vsel vm6, $0x17, v3;
	v2 =	vsel vm8, v59, v2;
	vm9 =	vgt.f32 v60, v4  }
0x60: {  	v62 =	vld [tilespmem:s2+$0x0];
	v5 =	vsel vm7, $0x18, v5;
	vm10 =	vgt.f32 v60, v2;
	v4 =	vsel vm9, v60, v4  }
0x61: {  	s20 =	sor.u32 $0x1A00, s18;
	v5 =	vsel vm8, v3, v5;
	v4 =	vsel vm10, v2, v4  }
0x62: {  	s0 =	sor.u32 s17, s20;
	v3 =	vsel vm8, $0x18, v3;
	v2 =	vsel vm10, v60, v2;
	vm11 =	vgt.f32 v61, v4  }
0x63: {  	v63 =	vld [tilespmem:s0+$0x0];
	v5 =	vsel vm9, $0x19, v5;
	vm12 =	vgt.f32 v61, v2;
	v4 =	vsel vm11, v61, v4  }
0x64: {  	s21 =	sor.u32 $0x1A80, s18;
	v5 =	vsel vm10, v3, v5;
	v4 =	vsel vm12, v2, v4  }
0x65: {  	s0 =	sor.u32 s17, s21;
	v3 =	vsel vm10, $0x19, v3;
	v2 =	vsel vm12, v61, v2;
	vm13 =	vgt.f32 v62, v4  }
0x66: {  	v12 =	vld [tilespmem:s0+$0x0];
	v5 =	vsel vm11, $0x1A, v5;
	vm14 =	vgt.f32 v62, v2;
	v4 =	vsel vm13, v62, v4  }
0x67: {  	s29 =	sor.u32 $0x1B00, s18;
	v5 =	vsel vm12, v3, v5;
	v4 =	vsel vm14, v2, v4  }
0x68: {  	s0 =	sor.u32 s17, s29;
	v3 =	vsel vm12, $0x1A, v3;
	v2 =	vsel vm14, v62, v2;
	vm15 =	vgt.f32 v63, v4  }
0x69: {  	v13 =	vld [tilespmem:s0+$0x0];
	v5 =	vsel vm13, $0x1B, v5;
	vm4 =	vgt.f32 v63, v2;
	v4 =	vsel vm15, v63, v4  }
0x6a: {  	s1 =	sor.u32 $0x1B80, s18;
	v5 =	vsel vm14, v3, v5;
	v4 =	vsel vm4, v2, v4  }
0x6b: {  	s0 =	sor.u32 s17, s1;
	v3 =	vsel vm14, $0x1B, v3;
	v2 =	vsel vm4, v63, v2;
	vm5 =	vgt.f32 v12, v4  }
0x6c: {  	v14 =	vld [tilespmem:s0+$0x0];
	v5 =	vsel vm15, $0x1C, v5;
	vm6 =	vgt.f32 v12, v2;
	v4 =	vsel vm5, v12, v4  }
0x6d: {  	s2 =	sor.u32 $0x2000, s18;
	v5 =	vsel vm4, v3, v5;
	v4 =	vsel vm6, v2, v4  }
0x6e: {  	s0 =	sor.u32 s17, s2;
	v3 =	vsel vm4, $0x1C, v3;
	v2 =	vsel vm6, v12, v2;
	vm7 =	vgt.f32 v13, v4  }
0x6f: {  	v15 =	vld [tilespmem:s0+$0x0];
	v5 =	vsel vm5, $0x1D, v5;
	vm8 =	vgt.f32 v13, v2;
	v4 =	vsel vm7, v13, v4  }
0x70: {  	[dreg:$0x17] =	wrdreg s20;
	s20 =	sor.u32 $0x2080, s18;
	v5 =	vsel vm6, v3, v5;
	v4 =	vsel vm8, v2, v4  }
0x71: {  	s0 =	sor.u32 s17, s20;
	v3 =	vsel vm6, $0x1D, v3;
	v2 =	vsel vm8, v13, v2;
	vm9 =	vgt.f32 v14, v4  }
0x72: {  	v16 =	vld [tilespmem:s0+$0x0];
	v5 =	vsel vm7, $0x1E, v5;
	vm10 =	vgt.f32 v14, v2;
	v4 =	vsel vm9, v14, v4  }
0x73: {  	[dreg:$0x18] =	wrdreg s21;
	s21 =	sor.u32 $0x2100, s18;
	v5 =	vsel vm8, v3, v5;
	v4 =	vsel vm10, v2, v4  }
0x74: {  	s0 =	sor.u32 s17, s21;
	v3 =	vsel vm8, $0x1E, v3;
	v2 =	vsel vm10, v14, v2;
	vm11 =	vgt.f32 v15, v4  }
0x75: {  	v17 =	vld [tilespmem:s0+$0x0];
	v5 =	vsel vm9, $0x1F, v5;
	vm12 =	vgt.f32 v15, v2;
	v4 =	vsel vm11, v15, v4  }
0x76: {  	[dreg:$0x19] =	wrdreg s29;
	s29 =	sor.u32 $0x2180, s18;
	v5 =	vsel vm10, v3, v5;
	v4 =	vsel vm12, v2, v4  }
0x77: {  	s0 =	sor.u32 s17, s29;
	v3 =	vsel vm10, $0x1F, v3;
	v2 =	vsel vm12, v15, v2;
	vm13 =	vgt.f32 v16, v4  }
0x78: {  	v18 =	vld [tilespmem:s0+$0x0];
	v5 =	vsel vm11, $0x20, v5;
	vm14 =	vgt.f32 v16, v2;
	v4 =	vsel vm13, v16, v4  }
0x79: {  	[dreg:$0x1a] =	wrdreg s1;
	s1 =	sor.u32 $0x2200, s18;
	v5 =	vsel vm12, v3, v5;
	v4 =	vsel vm14, v2, v4  }
0x7a: {  	s0 =	sor.u32 s17, s1;
	v3 =	vsel vm12, $0x20, v3;
	v2 =	vsel vm14, v16, v2;
	vm15 =	vgt.f32 v17, v4  }
0x7b: {  	v19 =	vld [tilespmem:s0+$0x0];
	v5 =	vsel vm13, $0x21, v5;
	vm4 =	vgt.f32 v17, v2;
	v4 =	vsel vm15, v17, v4  }
0x7c: {  	[dreg:$0x1b] =	wrdreg s2;
	s2 =	sor.u32 $0x2280, s18;
	v5 =	vsel vm14, v3, v5;
	v4 =	vsel vm4, v2, v4  }
0x7d: {  	s0 =	sor.u32 s17, s2;
	v3 =	vsel vm14, $0x21, v3;
	v2 =	vsel vm4, v17, v2;
	vm5 =	vgt.f32 v18, v4  }
0x7e: {  	v20 =	vld [tilespmem:s0+$0x0];
	v5 =	vsel vm15, $0x22, v5;
	vm6 =	vgt.f32 v18, v2;
	v4 =	vsel vm5, v18, v4  }
0x7f: {  	[dreg:$0x1c] =	wrdreg s20;
	s20 =	sor.u32 $0x2300, s18;
	v5 =	vsel vm4, v3, v5;
	v4 =	vsel vm6, v2, v4  }
0x80: {  	s0 =	sor.u32 s17, s20;
	v3 =	vsel vm4, $0x22, v3;
	v2 =	vsel vm6, v18, v2;
	vm7 =	vgt.f32 v19, v4  }
0x81: {  	v21 =	vld [tilespmem:s0+$0x0];
	v5 =	vsel vm5, $0x23, v5;
	vm8 =	vgt.f32 v19, v2;
	v4 =	vsel vm7, v19, v4  }
0x82: {  	[dreg:$0x1d] =	wrdreg s21;
	s21 =	sor.u32 $0x2380, s18;
	v5 =	vsel vm6, v3, v5;
	v4 =	vsel vm8, v2, v4  }
0x83: {  	s0 =	sor.u32 s17, s21;
	v3 =	vsel vm6, $0x23, v3;
	v2 =	vsel vm8, v19, v2;
	vm9 =	vgt.f32 v20, v4  }
0x84: {  	v22 =	vld [tilespmem:s0+$0x0];
	v5 =	vsel vm7, $0x24, v5;
	vm10 =	vgt.f32 v20, v2;
	v4 =	vsel vm9, v20, v4  }
0x85: {  	[dreg:$0x1e] =	wrdreg s29;
	s29 =	sor.u32 $0x2800, s18;
	v5 =	vsel vm8, v3, v5;
	v4 =	vsel vm10, v2, v4  }
0x86: {  	s0 =	sor.u32 s17, s29;
	v3 =	vsel vm8, $0x24, v3;
	v2 =	vsel vm10, v20, v2;
	vm11 =	vgt.f32 v21, v4  }
0x87: {  	[dreg:$0xf] =	wrdreg s1;
	v23 =	vld [tilespmem:s0+$0x0];
	v5 =	vsel vm9, $0x25, v5;
	vm12 =	vgt.f32 v21, v2;
	v4 =	vsel vm11, v21, v4  }
0x88: {  	[dreg:$0x10] =	wrdreg s2;
	s1 =	sor.u32 $0x2880, s18;
	v45 =	vimm.s32 $0x0;
	v5 =	vsel vm10, v3, v5;
	v4 =	vsel vm12, v2, v4  }
0x89: {  	[dreg:$0x11] =	wrdreg s20;
	s0 =	sor.u32 s17, s1;
	v3 =	vsel vm10, $0x25, v3;
	v2 =	vsel vm12, v21, v2;
	vm13 =	vgt.f32 v22, v4  }
0x8a: {  	[dreg:$0x12] =	wrdreg s21;
	s2 =	sor.u32 $0x2900, s18;
	v24 =	vld [tilespmem:s0+$0x0];
	v5 =	vsel vm11, $0x26, v5;
	vm14 =	vgt.f32 v22, v2;
	v4 =	vsel vm13, v22, v4  }
0x8b: {  	[dreg:$0x13] =	wrdreg s29;
	s20 =	sor.u32 $0x2980, s18;
	s0 =	sor.u32 s17, s2;
	v51 =	vimm.s32 $0x0;
	v5 =	vsel vm12, v3, v5;
	v4 =	vsel vm14, v2, v4  }
0x8c: {  	[dreg:$0x14] =	wrdreg s1;
	s21 =	sor.u32 $0x2A00, s18;
	v25 =	vld [tilespmem:s0+$0x0];
	s0 =	sor.u32 s17, s20;
	v3 =	vsel vm12, $0x26, v3;
	v2 =	vsel vm14, v22, v2;
	vm15 =	vgt.f32 v23, v4  }
0x8d: {  	[dreg:$0x15] =	wrdreg s2;
	s29 =	sor.u32 $0x2A80, s18;
	v26 =	vld [tilespmem:s0+$0x0];
	s0 =	sor.u32 s17, s21;
	v5 =	vsel vm13, $0x27, v5;
	vm4 =	vgt.f32 v23, v2;
	v4 =	vsel vm15, v23, v4  }
0x8e: {  	[dreg:$0x16] =	wrdreg s20;
	s1 =	sor.u32 $0x2B00, s18;
	v27 =	vld [tilespmem:s0+$0x0];
	s0 =	sor.u32 s17, s29;
	v62 =	vimm.s32 $0x0;
	v5 =	vsel vm14, v3, v5;
	v4 =	vsel vm4, v2, v4  }
0x8f: {  	[dreg:$0x9] =	wrdreg s21;
	s2 =	sor.u32 $0x2B80, s18;
	v28 =	vld [tilespmem:s0+$0x0];
	s0 =	sor.u32 s17, s1;
	v3 =	vsel vm14, $0x27, v3;
	v2 =	vsel vm4, v23, v2;
	vm5 =	vgt.f32 v24, v4  }
0x90: {  	[dreg:$0xc] =	wrdreg s2;
	s20 =	sor.u32 $0x3000, s18;
	v29 =	vld [tilespmem:s0+$0x0];
	s0 =	sor.u32 s17, s2;
	v5 =	vsel vm15, $0x28, v5;
	vm6 =	vgt.f32 v24, v2;
	v4 =	vsel vm5, v24, v4  }
0x91: {  	s21 =	sor.u32 $0x3080, s18;
	s2 =	sadd.s32 $0x10, s16;
	v30 =	vld [tilespmem:s0+$0x0];
	s0 =	sor.u32 s17, s20;
	v15 =	vimm.s32 $0x0;
	v5 =	vsel vm4, v3, v5;
	v4 =	vsel vm6, v2, v4  }
0x92: {  	[dreg:$0xd] =	wrdreg s20;
	s20 =	sand.u32 $0x70, s2;
	v31 =	vld [tilespmem:s0+$0x0];
	s0 =	sor.u32 s17, s21;
	v3 =	vsel vm4, $0x28, v3;
	v2 =	vsel vm6, v24, v2;
	vm7 =	vgt.f32 v25, v4  }
0x93: {  	v32 =	vld [tilespmem:s0+$0x0];
	s0 =	sor.u32 s20, s18;
	v5 =	vsel vm5, $0x29, v5;
	vm8 =	vgt.f32 v25, v2;
	v4 =	vsel vm7, v25, v4  }
0x94: {  	v9 =	vld [tilespmem:s0+$0x80];
	v5 =	vsel vm6, v3, v5;
	v3 =	vsel vm6, $0x29, v3;
	v4 =	vsel vm8, v2, v4  }
0x95: {  	v5 =	vsel vm7, $0x2A, v5;
	v2 =	vsel vm8, v25, v2;
	vm9 =	vgt.f32 v26, v4  }
0x96: {  	v5 =	vsel vm8, v3, v5;
	vm10 =	vgt.f32 v26, v2;
	v4 =	vsel vm9, v26, v4  }
0x97: {  	v3 =	vsel vm8, $0x2A, v3;
	v5 =	vsel vm9, $0x2B, v5;
	v4 =	vsel vm10, v2, v4  }
0x98: {  	v5 =	vsel vm10, v3, v5;
	v2 =	vsel vm10, v26, v2;
	v3 =	vsel vm10, $0x2B, v3  }
0x99: {  	vm10 =	vlt.f32 v9, $-Inf;
	v26 =	vimm.s32 $0x0;
	vm11 =	vgt.f32 v27, v4  }
0x9a: {  	v33 =	vld [tilespmem:s0+$0x0];
	vm12 =	vgt.f32 v27, v2;
	v4 =	vsel vm11, v27, v4;
	v5 =	vsel vm11, $0x2C, v5  }
0x9b: {  	vm11 =	vgt.f32 v9, $-Inf;
	v4 =	vsel vm12, v2, v4;
	v5 =	vsel vm12, v3, v5  }
0x9c: {  	v2 =	vsel vm12, v27, v2;
	v3 =	vsel vm12, $0x2C, v3;
	vm13 =	vgt.f32 v28, v4  }
0x9d: {  	vm14 =	vgt.f32 v28, v2;
	v4 =	vsel vm13, v28, v4;
	v5 =	vsel vm13, $0x2D, v5  }
0x9e: {  	v4 =	vsel vm14, v2, v4;
	v5 =	vsel vm14, v3, v5;
	v2 =	vsel vm14, v28, v2  }
0x9f: {  	v3 =	vsel vm14, $0x2D, v3;
	vm14 =	vgt.f32 v9, v33;
	vm15 =	vgt.f32 v29, v4  }
0xa0: {  	v28 =	vimm.s32 $0x0;
	vm4 =	vgt.f32 v29, v2;
	v4 =	vsel vm15, v29, v4  }
0xa1: {  	v13 =	vsel vm14, $0x1, v0;
	v5 =	vsel vm15, $0x2E, v5;
	v4 =	vsel vm4, v2, v4  }
0xa2: {  	v5 =	vsel vm4, v3, v5;
	v2 =	vsel vm4, v29, v2;
	v3 =	vsel vm4, $0x2E, v3  }
0xa3: {  	vm4 =	vmor vm11, vm10;
	vm5 =	vgt.f32 v30, v4;
	vm6 =	vgt.f32 v30, v2  }
0xa4: {  	v11 =	vnsel vm4, $0xFF800000, v9;
	v4 =	vsel vm5, v30, v4;
	v5 =	vsel vm5, $0x2F, v5  }
0xa5: {  	v4 =	vsel vm6, v2, v4;
	v5 =	vsel vm6, v3, v5;
	v2 =	vsel vm6, v30, v2  }
0xa6: {  	v34 =	vld [tilespmem:s0+$0x100];
	v3 =	vsel vm6, $0x2F, v3;
	vm7 =	vgt.f32 v31, v4;
	vm8 =	vgt.f32 v31, v2  }
0xa7: {  	v4 =	vsel vm7, v31, v4;
	v5 =	vsel vm7, $0x30, v5;
	vm7 =	vmneg vm14  }
0xa8: {  	v4 =	vsel vm8, v2, v4;
	v5 =	vsel vm8, v3, v5;
	v2 =	vsel vm8, v31, v2  }
0xa9: {  	v3 =	vsel vm8, $0x30, v3;
	v35 =	vsel vm7, v11, v33;
	v7 =	vsel vm7, v33, v9  }
0xaa: {  	[dreg:$0xe] =	wrdreg s21;
	s21 =	sor.u32 $0x3100, s18;
	vm7 =	vmand vm7, vm4;
	v31 =	vimm.s32 $0x0;
	v33 =	vimm.s32 $0x0  }
0xab: {  	[dreg:$0xa] =	wrdreg s29;
	s29 =	sor.u32 s17, s21;
	v12 =	vld [tilespmem:s0+$0x180];
	vm0 =	vgt.f32 v32, v2;
	vm9 =	vgt.f32 v32, v4;
	vm3 =	vgt.f32 v34, v35  }
0xac: {  	v10 =	vld [tilespmem:s29+$0x0];
	vm1 =	vgt.f32 v34, v7;
	v44 =	vsel vm7, $0x1, v0;
	v4 =	vsel vm9, v32, v4  }
0xad: {  	v5 =	vsel vm9, $0x31, v5;
	v8 =	vsel vm3, v34, v35;
	v6 =	vsel vm1, v34, v7  }
0xae: {  	v11 =	vsel vm3, $0x2, v44;
	v4 =	vsel vm0, v2, v4;
	v5 =	vsel vm0, v3, v5  }
0xaf: {  	[dreg:$0xb] =	wrdreg s1;
	s1 =	sor.u32 $0x3180, s18;
	v2 =	vsel vm0, v32, v2;
	v3 =	vsel vm0, $0x31, v3;
	v8 =	vsel vm1, v7, v8  }
0xb0: {  	v36 =	vld [tilespmem:s0+$0x200];
	s29 =	sor.u32 s17, s1;
	vm2 =	vgt.f32 v12, v6;
	v11 =	vsel vm1, v13, v11;
	v13 =	vsel vm1, $0x2, v13  }
0xb1: {  	v37 =	vld [tilespmem:s29+$0x0];
	s29 =	sand.u32 $0x7, s9;
	vm12 =	vgt.f32 v10, v4;
	vm5 =	vgt.f32 v10, v2;
	vm8 =	vgt.f32 v12, v8  }
0xb2: {  	s29 =	sshll.u32 s29, $0x4;
	v4 =	vsel vm12, v10, v4;
	v5 =	vsel vm12, $0x32, v5;
	v8 =	vsel vm8, v12, v8  }
0xb3: {  	s29 =	sadd.s32 s15, s29;
	v11 =	vsel vm8, $0x3, v11;
	v4 =	vsel vm5, v2, v4;
	v5 =	vsel vm5, v3, v5  }
0xb4: {  	v38 =	vld [tilespmem:s0+$0x280];
	s0 =	sadd.s32 $0x10, s29;
	v2 =	vsel vm5, v10, v2;
	v8 =	vsel vm2, v6, v8;
	v3 =	vsel vm5, $0x32, v3  }
0xb5: {  	s29 =	sor.u32 $0x300, s0;
	s0 =	sor.u32 $0x3200, s18;
	v6 =	vsel vm2, v12, v6;
	v11 =	vsel vm2, v13, v11;
	v13 =	vsel vm2, $0x3, v13  }
0xb6: {  	v39 =	vld [tilespmem:s29+$0x0];
	s29 =	sor.u32 s17, s0;
	vm6 =	vgt.f32 v36, v8;
	vm13 =	vgt.f32 v37, v4;
	vm5 =	vgt.f32 v36, v6  }
0xb7: {  	v40 =	vld [tilespmem:s29+$0x0];
	vm10 =	vgt.f32 v37, v2;
	v8 =	vsel vm6, v36, v8;
	v4 =	vsel vm13, v37, v4  }
0xb8: {  	v5 =	vsel vm13, $0x33, v5;
	v11 =	vsel vm6, $0x4, v11;
	v8 =	vsel vm5, v6, v8  }
0xb9: {  	[dreg:$0x8] =	wrdreg s2;
	s2 =	sor.u32 s2, s15;
	v4 =	vsel vm10, v2, v4;
	v6 =	vsel vm5, v36, v6;
	v5 =	vsel vm10, v3, v5  }
0xba: {  	s29 =	sor.u32 $0x380, s2;
	s2 =	sor.u32 s20, s5;
	v2 =	vsel vm10, v37, v2;
	v3 =	vsel vm10, $0x33, v3;
	v11 =	vsel vm5, v13, v11  }
0xbb: {  	v43 =	vld [tilespmem:s2+$0x0];
	s2 =	sor.u32 $0x3280, s18;
	v13 =	vsel vm5, $0x4, v13;
	vm11 =	vgt.f32 v38, v8;
	vm9 =	vgt.f32 v38, v6  }
0xbc: {  	v41 =	vld [tilespmem:s29+$0x0];
	s29 =	sor.u32 s17, s2;
	vm15 =	vgt.f32 v40, v4;
	vm0 =	vgt.f32 v40, v2;
	v8 =	vsel vm11, v38, v8  }
0xbd: {  	v48 =	vld [tilespmem:s29+$0x0];
	v4 =	vsel vm15, v40, v4;
	v5 =	vsel vm15, $0x34, v5;
	v11 =	vsel vm11, $0x5, v11  }
0xbe: {  	v8 =	vsel vm9, v6, v8;
	v6 =	vsel vm9, v38, v6;
	v4 =	vsel vm0, v2, v4  }
0xbf: {  	s4 =	sor.u32 s20, s4;
	v5 =	vsel vm0, v3, v5;
	v2 =	vsel vm0, v40, v2;
	vm12 =	vgt.f32 v39, v8  }
0xc0: {  	v42 =	vld [tilespmem:s4+$0x0];
	v3 =	vsel vm0, $0x34, v3;
	vm10 =	vgt.f32 v39, v6;
	v8 =	vsel vm12, v39, v8  }
0xc1: {  	v11 =	vsel vm9, v13, v11;
	v13 =	vsel vm9, $0x5, v13;
	v8 =	vsel vm10, v6, v8  }
0xc2: {  	vm0 =	vgt.f32 v48, v2;
	v6 =	vsel vm10, v39, v6;
	vm13 =	vgt.f32 v41, v8  }
0xc3: {  	v11 =	vsel vm12, $0x6, v11;
	vm4 =	vgt.f32 v41, v6;
	v8 =	vsel vm13, v41, v8  }
0xc4: {  	vm12 =	vgt.f32 v48, v4;
	v11 =	vsel vm10, v13, v11;
	v8 =	vsel vm4, v6, v8  }
0xc5: {  	s5 =	sor.u32 s20, s6;
	s6 =	sor.u32 s20, s3;
	s3 =	sor.u32 $0x3300, s18;
	v13 =	vsel vm10, $0x6, v13;
	v6 =	vsel vm4, v41, v6;
	vm15 =	vgt.f32 v42, v8  }
0xc6: {  	v46 =	vld [tilespmem:s5+$0x0];
	s5 =	sor.u32 s20, s14;
	s14 =	sor.u32 s17, s3;
	v4 =	vsel vm12, v48, v4;
	vm3 =	vgt.f32 v42, v6;
	v8 =	vsel vm15, v42, v8  }
0xc7: {  	v58 =	vld [tilespmem:s14+$0x0];
	v5 =	vsel vm12, $0x35, v5;
	v9 =	vsel vm15, $0xFFFFFFFF, v45;
	v8 =	vsel vm3, v6, v8  }
0xc8: {  	v47 =	vld [tilespmem:s6+$0x0];
	v4 =	vsel vm0, v2, v4;
	[tilespmem:$0x1FD50] =	vst v9;
	v6 =	vsel vm3, v42, v6;
	vm14 =	vgt.f32 v43, v8  }
0xc9: {  	v5 =	vsel vm0, v3, v5;
	vm1 =	vgt.f32 v43, v6;
	v14 =	vld [tilespmem:$0x1FD50];
	v8 =	vsel vm14, v43, v8  }
0xca: {  	v2 =	vsel vm0, v48, v2;
	v3 =	vsel vm0, $0x35, v3;
	v8 =	vsel vm1, v6, v8  }
0xcb: {  	s4 =	sor.u32 s20, s8;
	v11 =	vsel vm13, $0x7, v11;
	v6 =	vsel vm1, v43, v6;
	vm7 =	vgt.f32 v46, v8  }
0xcc: {  	v49 =	vld [tilespmem:s4+$0x0];
	vm0 =	vgt.f32 v58, v2;
	vm15 =	vgt.f32 v46, v6;
	v8 =	vsel vm7, v46, v8  }
0xcd: {  	v11 =	vsel vm4, v13, v11;
	v13 =	vsel vm4, $0x7, v13;
	v8 =	vsel vm15, v6, v8  }
0xce: {  	v6 =	vsel vm15, v46, v6;
	vm13 =	vnez.u8 v14;
	vm8 =	vgt.f32 v47, v8  }
0xcf: {  	v50 =	vld [tilespmem:s5+$0x0];
	vm2 =	vgt.f32 v47, v6;
	v11 =	vsel vm13, $0x8, v11;
	v8 =	vsel vm8, v47, v8  }
0xd0: {  	v46 =	vimm.s32 $0x0;
	v11 =	vsel vm3, v13, v11;
	v8 =	vsel vm2, v6, v8  }
0xd1: {  	s6 =	sor.u32 s20, s10;
	v13 =	vsel vm3, $0x8, v13;
	v6 =	vsel vm2, v47, v6;
	vm11 =	vgt.f32 v49, v8  }
0xd2: {  	v52 =	vld [tilespmem:s6+$0x0];
	v11 =	vsel vm14, $0x9, v11;
	vm5 =	vgt.f32 v49, v6;
	v8 =	vsel vm11, v49, v8  }
0xd3: {  	s8 =	sor.u32 s20, s11;
	v11 =	vsel vm1, v13, v11;
	v7 =	vsel vm11, $0xFFFFFFFF, v51;
	v8 =	vsel vm5, v6, v8  }
0xd4: {  	v53 =	vld [tilespmem:s8+$0x0];
	v13 =	vsel vm1, $0x9, v13;
	[tilespmem:$0x1FD60] =	vst v7;
	v6 =	vsel vm5, v49, v6;
	vm9 =	vgt.f32 v50, v8  }
0xd5: {  	v11 =	vsel vm7, $0xA, v11;
	vm6 =	vgt.f32 v50, v6;
	v60 =	vld [tilespmem:$0x1FD60];
	v8 =	vsel vm9, v50, v8  }
0xd6: {  	v11 =	vsel vm15, v13, v11;
	v13 =	vsel vm15, $0xA, v13;
	v8 =	vsel vm6, v6, v8  }
0xd7: {  	s10 =	sor.u32 s20, s12;
	v49 =	vimm.s32 $0x0;
	v6 =	vsel vm6, v50, v6;
	vm10 =	vgt.f32 v52, v8  }
0xd8: {  	v54 =	vld [tilespmem:s10+$0x0];
	v11 =	vsel vm8, $0xB, v11;
	vm4 =	vgt.f32 v52, v6;
	v8 =	vsel vm10, v52, v8  }
0xd9: {  	v11 =	vsel vm2, v13, v11;
	v13 =	vsel vm2, $0xB, v13;
	v8 =	vsel vm4, v6, v8  }
0xda: {  	v6 =	vsel vm4, v52, v6;
	vm8 =	vnez.u8 v60;
	vm11 =	vgt.f32 v53, v8  }
0xdb: {  	vm3 =	vgt.f32 v53, v6;
	v11 =	vsel vm8, $0xC, v11;
	v8 =	vsel vm11, v53, v8  }
0xdc: {  	s11 =	sor.u32 s20, s13;
	v11 =	vsel vm5, v13, v11;
	v13 =	vsel vm5, $0xC, v13;
	v8 =	vsel vm3, v6, v8  }
0xdd: {  	v55 =	vld [tilespmem:s11+$0x0];
	v6 =	vsel vm3, v53, v6;
	v11 =	vsel vm9, $0xD, v11;
	vm12 =	vgt.f32 v54, v8  }
0xde: {  	vm1 =	vgt.f32 v54, v6;
	v11 =	vsel vm6, v13, v11;
	v13 =	vsel vm6, $0xD, v13  }
0xdf: {  	s12 =	sor.u32 s20, s19;
	vm6 =	vgt.f32 v58, v4;
	v8 =	vsel vm12, v54, v8;
	v11 =	vsel vm10, $0xE, v11  }
0xe0: {  	v56 =	vld [tilespmem:s12+$0x0];
	v4 =	vsel vm6, v58, v4;
	v5 =	vsel vm6, $0x36, v5;
	v8 =	vsel vm1, v6, v8  }
0xe1: {  	v6 =	vsel vm1, v54, v6;
	v11 =	vsel vm4, v13, v11;
	v13 =	vsel vm4, $0xE, v13  }
0xe2: {  	s13 =	sor.u32 s20, s7;
	v4 =	vsel vm0, v2, v4;
	v5 =	vsel vm0, v3, v5;
	vm13 =	vgt.f32 v55, v8  }
0xe3: {  	v57 =	vld [tilespmem:s13+$0x0];
	vm7 =	vgt.f32 v55, v6;
	v11 =	vsel vm11, $0xF, v11;
	v8 =	vsel vm13, v55, v8  }
0xe4: {  	v2 =	vsel vm0, v58, v2;
	v11 =	vsel vm3, v13, v11;
	v8 =	vsel vm7, v6, v8  }
0xe5: {  	s19 =	sor.u32 s20, s24;
	v13 =	vsel vm3, $0xF, v13;
	v6 =	vsel vm7, v55, v6;
	vm15 =	vgt.f32 v56, v8  }
0xe6: {  	v59 =	vld [tilespmem:s19+$0x0];
	v11 =	vsel vm12, $0x10, v11;
	vm14 =	vgt.f32 v56, v6;
	v8 =	vsel vm15, v56, v8  }
0xe7: {  	v3 =	vsel vm0, $0x36, v3;
	v11 =	vsel vm1, v13, v11;
	v8 =	vsel vm14, v6, v8  }
0xe8: {  	s24 =	sor.u32 s20, s26;
	v13 =	vsel vm1, $0x10, v13;
	v6 =	vsel vm14, v56, v6;
	vm8 =	vgt.f32 v57, v8  }
0xe9: {  	v61 =	vld [tilespmem:s24+$0x0];
	v11 =	vsel vm13, $0x11, v11;
	vm2 =	vgt.f32 v57, v6;
	v8 =	vsel vm8, v57, v8  }
0xea: {  	v11 =	vsel vm7, v13, v11;
	v13 =	vsel vm7, $0x11, v13;
	v8 =	vsel vm2, v6, v8  }
0xeb: {  	s26 =	sor.u32 s20, s30;
	v11 =	vsel vm15, $0x12, v11;
	v6 =	vsel vm2, v57, v6;
	vm9 =	vgt.f32 v59, v8  }
0xec: {  	v63 =	vld [tilespmem:s26+$0x0];
	vm5 =	vgt.f32 v59, v6;
	v9 =	vsel vm9, $0xFFFFFFFF, v62;
	v8 =	vsel vm9, v59, v8  }
0xed: {  	v11 =	vsel vm14, v13, v11;
	v13 =	vsel vm14, $0x12, v13;
	[tilespmem:$0x1FD70] =	vst v9;
	v8 =	vsel vm5, v6, v8  }
0xee: {  	s29 =	sor.u32 s20, s28;
	v11 =	vsel vm8, $0x13, v11;
	v6 =	vsel vm5, v59, v6;
	vm9 =	vgt.f32 v61, v8;
	v23 =	vld [tilespmem:$0x1FD70]  }
0xef: {  	v16 =	vld [tilespmem:s29+$0x0];
	vm4 =	vgt.f32 v61, v6;
	v7 =	vsel vm9, $0xFFFFFFFF, v15;
	v8 =	vsel vm9, v61, v8  }
0xf0: {  	v11 =	vsel vm2, v13, v11;
	v13 =	vsel vm2, $0x13, v13;
	[tilespmem:$0x1FD80] =	vst v7;
	v8 =	vsel vm4, v6, v8  }
0xf1: {  	s4 =	sor.u32 $0x3380, s18;
	s30 =	sor.u32 s20, s31;
	v62 =	vimm.s32 $0x0;
	v6 =	vsel vm4, v61, v6;
	vm10 =	vgt.f32 v63, v8;
	v25 =	vld [tilespmem:$0x1FD80]  }
0xf2: {  	s7 =	sor.u32 s17, s4;
	v17 =	vld [tilespmem:s30+$0x0];
	v15 =	vimm.s32 $0x0;
	vm3 =	vgt.f32 v63, v6;
	v8 =	vsel vm10, v63, v8  }
0xf3: {  	v21 =	vld [tilespmem:s7+$0x0];
	v8 =	vsel vm3, v6, v8;
	v6 =	vsel vm3, v63, v6;
	vm15 =	vnez.u8 v23  }
0xf4: {  	vm11 =	vgt.f32 v16, v8;
	vm1 =	vgt.f32 v16, v6;
	v11 =	vsel vm15, $0x14, v11  }
0xf5: {  	s31 =	sor.u32 s20, s22;
	v8 =	vsel vm11, v16, v8;
	v11 =	vsel vm5, v13, v11;
	v13 =	vsel vm5, $0x14, v13  }
0xf6: {  	v18 =	vld [tilespmem:s31+$0x0];
	v8 =	vsel vm1, v6, v8;
	v6 =	vsel vm1, v16, v6;
	vm8 =	vnez.u8 v25  }
0xf7: {  	v16 =	vimm.s32 $0x0;
	v25 =	vimm.s32 $0x0;
	vm12 =	vgt.f32 v17, v8  }
0xf8: {  	s5 =	sor.u32 s20, s23;
	vm6 =	vgt.f32 v17, v6;
	v11 =	vsel vm8, $0x15, v11;
	vm8 =	vgt.f32 v21, v2  }
0xf9: {  	v19 =	vld [tilespmem:s5+$0x0];
	v8 =	vsel vm12, v17, v8;
	v11 =	vsel vm4, v13, v11;
	v13 =	vsel vm4, $0x15, v13  }
0xfa: {  	v8 =	vsel vm6, v6, v8;
	v6 =	vsel vm6, v17, v6;
	v11 =	vsel vm10, $0x16, v11  }
0xfb: {  	s6 =	sor.u32 s20, s25;
	v17 =	vimm.s32 $0x0;
	vm13 =	vgt.f32 v18, v8;
	vm7 =	vgt.f32 v18, v6  }
0xfc: {  	v20 =	vld [tilespmem:s6+$0x0];
	v11 =	vsel vm3, v13, v11;
	v13 =	vsel vm3, $0x16, v13;
	v8 =	vsel vm13, v18, v8  }
0xfd: {  	s8 =	rddreg [dreg:$0x17];
	v11 =	vsel vm11, $0x17, v11;
	v8 =	vsel vm7, v6, v8;
	v6 =	vsel vm7, v18, v6  }
0xfe: {  	s10 =	rddreg [dreg:$0x18];
	s5 =	sor.u32 s20, s8;
	v11 =	vsel vm1, v13, v11;
	v13 =	vsel vm1, $0x17, v13;
	vm9 =	vgt.f32 v19, v8  }
0xff: {  	s11 =	rddreg [dreg:$0x19];
	v22 =	vld [tilespmem:s5+$0x0];
	s5 =	sor.u32 s20, s10;
	vm14 =	vgt.f32 v19, v6;
	v11 =	vsel vm12, $0x18, v11;
	v8 =	vsel vm9, v19, v8  }
0x100: {  	s12 =	rddreg [dreg:$0x1a];
	v24 =	vld [tilespmem:s5+$0x0];
	s5 =	sor.u32 s20, s11;
	v11 =	vsel vm6, v13, v11;
	v13 =	vsel vm6, $0x18, v13;
	v8 =	vsel vm14, v6, v8  }
0x101: {  	s13 =	rddreg [dreg:$0x1b];
	v27 =	vld [tilespmem:s5+$0x0];
	s5 =	sor.u32 s20, s12;
	v6 =	vsel vm14, v19, v6;
	v11 =	vsel vm13, $0x19, v11;
	vm15 =	vgt.f32 v20, v8  }
0x102: {  	s14 =	rddreg [dreg:$0x1c];
	v29 =	vld [tilespmem:s5+$0x0];
	s5 =	sor.u32 s20, s13;
	vm2 =	vgt.f32 v20, v6;
	v11 =	vsel vm7, v13, v11;
	v8 =	vsel vm15, v20, v8  }
0x103: {  	s19 =	rddreg [dreg:$0x1d];
	v30 =	vld [tilespmem:s5+$0x0];
	s5 =	sor.u32 s20, s14;
	v13 =	vsel vm7, $0x19, v13;
	v8 =	vsel vm2, v6, v8;
	v6 =	vsel vm2, v20, v6  }
0x104: {  	v32 =	vld [tilespmem:s5+$0x0];
	s5 =	sor.u32 s20, s19;
	v34 =	vsel vm9, $0x1A, v11;
	vm0 =	vgt.f32 v22, v8;
	vm4 =	vgt.f32 v22, v6  }
0x105: {  	v35 =	vld [tilespmem:s5+$0x0];
	s5 =	sor.u32 $0x3800, s18;
	v10 =	vsel vm0, $0xFFFFFFFF, v26;
	v8 =	vsel vm0, v22, v8;
	vm0 =	vgt.f32 v21, v4  }
0x106: {  	s24 =	sor.u32 s17, s5;
	v26 =	vimm.s32 $0x0;
	v8 =	vsel vm4, v6, v8;
	v6 =	vsel vm4, v22, v6  }
0x107: {  	v38 =	vld [tilespmem:s24+$0x0];
	v4 =	vsel vm0, v21, v4;
	v5 =	vsel vm0, $0x37, v5;
	vm10 =	vgt.f32 v24, v8  }
0x108: {  	v22 =	vimm.s32 $0x0;
	vm3 =	vgt.f32 v24, v6;
	v8 =	vsel vm10, v24, v8  }
0x109: {  	v4 =	vsel vm8, v2, v4;
	v9 =	vsel vm10, $0xFFFFFFFF, v28;
	v8 =	vsel vm3, v6, v8  }
0x10a: {  	v5 =	vsel vm8, v3, v5;
	[tilespmem:$0x1FDA0] =	vst v9;
	v6 =	vsel vm3, v24, v6;
	vm10 =	vgt.f32 v27, v8  }
0x10b: {  	v2 =	vsel vm8, v21, v2;
	vm5 =	vgt.f32 v27, v6;
	v42 =	vld [tilespmem:$0x1FDA0];
	v8 =	vsel vm10, v27, v8  }
0x10c: {  	v3 =	vsel vm8, $0x37, v3;
	vm0 =	vgt.f32 v38, v2;
	v8 =	vsel vm5, v6, v8  }
0x10d: {  	v28 =	vimm.s32 $0x0;
	v6 =	vsel vm5, v27, v6;
	vm12 =	vgt.f32 v29, v8  }
0x10e: {  	v12 =	vsel vm0, v38, v2;
	vm6 =	vgt.f32 v29, v6;
	v8 =	vsel vm12, v29, v8  }
0x10f: {  	[tilespmem:$0x1FD90] =	vst v10;
	v10 =	vsel vm12, $0xFFFFFFFF, v31;
	v31 =	vimm.s32 $0x0;
	v8 =	vsel vm6, v6, v8  }
0x110: {  	v40 =	vld [tilespmem:$0x1FD90];
	v6 =	vsel vm6, v29, v6;
	vm8 =	vnez.u8 v42;
	vm13 =	vgt.f32 v30, v8  }
0x111: {  	[tilespmem:$0x1FDB0] =	vst v10;
	v29 =	vimm.s32 $0x0;
	v42 =	vimm.s32 $0x0;
	v9 =	vsel vm13, $0xFFFFFFFF, v33  }
0x112: {  	vm1 =	vgt.f32 v30, v6;
	v8 =	vsel vm13, v30, v8;
	[tilespmem:$0x1FDC0] =	vst v9;
	v9 =	vsel vm14, v13, v34  }
0x113: {  	v45 =	vld [tilespmem:$0x1FDB0];
	v8 =	vsel vm1, v6, v8;
	v13 =	vsel vm14, $0x1A, v13;
	v6 =	vsel vm1, v30, v6  }
0x114: {  	v34 =	vimm.s32 $0x0;
	vm13 =	vgt.f32 v32, v8;
	v36 =	vsel vm15, $0x1B, v9  }
0x115: {  	vm7 =	vgt.f32 v32, v6;
	vm15 =	vnez.u8 v40;
	v40 =	vimm.s32 $0x0  }
0x116: {  	s22 =	rddreg [dreg:$0x1e];
	v8 =	vsel vm13, v32, v8;
	v7 =	vsel vm2, v13, v36;
	v13 =	vsel vm2, $0x1B, v13  }
0x117: {  	s23 =	sor.u32 s20, s22;
	v36 =	vimm.s32 $0x0;
	v8 =	vsel vm7, v6, v8;
	v6 =	vsel vm7, v32, v6  }
0x118: {  	v37 =	vld [tilespmem:s23+$0x0];
	v7 =	vsel vm15, $0x1C, v7;
	vm9 =	vnez.u8 v45;
	v32 =	vimm.s32 $0x0  }
0x119: {  	s25 =	rddreg [dreg:$0xf];
	v48 =	vld [tilespmem:$0x1FDC0];
	v45 =	vimm.s32 $0x0;
	vm11 =	vgt.f32 v35, v8;
	vm15 =	vgt.f32 v35, v6  }
0x11a: {  	s26 =	rddreg [dreg:$0x10];
	s6 =	sor.u32 s20, s25;
	v7 =	vsel vm4, v13, v7;
	v13 =	vsel vm4, $0x1C, v13;
	v8 =	vsel vm11, v35, v8  }
0x11b: {  	s28 =	rddreg [dreg:$0x11];
	v39 =	vld [tilespmem:s6+$0x0];
	s6 =	sor.u32 s20, s26;
	v7 =	vsel vm8, $0x1D, v7;
	v8 =	vsel vm15, v6, v8;
	v6 =	vsel vm15, v35, v6  }
0x11c: {  	s29 =	rddreg [dreg:$0x12];
	v41 =	vld [tilespmem:s6+$0x0];
	s6 =	sor.u32 s20, s28;
	v7 =	vsel vm3, v13, v7;
	v13 =	vsel vm3, $0x1D, v13;
	vm3 =	vgt.f32 v38, v4  }
0x11d: {  	s30 =	rddreg [dreg:$0x13];
	v43 =	vld [tilespmem:s6+$0x0];
	s6 =	sor.u32 s20, s29;
	vm12 =	vgt.f32 v37, v8;
	vm2 =	vgt.f32 v37, v6;
	v7 =	vsel vm10, $0x1E, v7  }
0x11e: {  	s31 =	rddreg [dreg:$0x14];
	v44 =	vld [tilespmem:s6+$0x0];
	s6 =	sor.u32 s20, s30;
	v4 =	vsel vm3, v38, v4;
	vm10 =	vnez.u8 v48;
	v5 =	vsel vm3, $0x38, v5  }
0x11f: {  	s7 =	rddreg [dreg:$0x15];
	v47 =	vld [tilespmem:s6+$0x0];
	s6 =	sor.u32 s20, s31;
	v38 =	vimm.s32 $0x0;
	v8 =	vsel vm12, v37, v8;
	v7 =	vsel vm5, v13, v7  }
0x120: {  	v50 =	vld [tilespmem:s6+$0x0];
	s6 =	sor.u32 s20, s7;
	v13 =	vsel vm5, $0x1E, v13;
	v4 =	vsel vm0, v2, v4;
	v5 =	vsel vm0, v3, v5  }
0x121: {  	v51 =	vld [tilespmem:s6+$0x0];
	s6 =	sor.u32 $0x3880, s18;
	v8 =	vsel vm2, v6, v8;
	v6 =	vsel vm2, v37, v6;
	v7 =	vsel vm9, $0x1F, v7  }
0x122: {  	s11 =	sor.u32 s17, s6;
	vm14 =	vgt.f32 v39, v8;
	vm8 =	vgt.f32 v39, v6;
	v7 =	vsel vm6, v13, v7  }
0x123: {  	v54 =	vld [tilespmem:s11+$0x0];
	v13 =	vsel vm6, $0x1F, v13;
	v8 =	vsel vm14, v39, v8;
	v7 =	vsel vm10, $0x20, v7  }
0x124: {  	v8 =	vsel vm8, v6, v8;
	v6 =	vsel vm8, v39, v6;
	v7 =	vsel vm1, v13, v7  }
0x125: {  	v13 =	vsel vm1, $0x20, v13;
	vm5 =	vgt.f32 v41, v8;
	v7 =	vsel vm13, $0x21, v7  }
0x126: {  	vm9 =	vgt.f32 v41, v6;
	v8 =	vsel vm5, v41, v8;
	v7 =	vsel vm7, v13, v7  }
0x127: {  	v13 =	vsel vm7, $0x21, v13;
	v8 =	vsel vm9, v6, v8;
	v6 =	vsel vm9, v41, v6  }
0x128: {  	v7 =	vsel vm11, $0x22, v7;
	vm11 =	vgt.f32 v54, v12;
	v41 =	vimm.s32 $0x0  }
0x129: {  	vm4 =	vgt.f32 v43, v8;
	vm6 =	vgt.f32 v43, v6;
	v7 =	vsel vm15, v13, v7  }
0x12a: {  	v13 =	vsel vm15, $0x22, v13;
	v14 =	vsel vm11, $0xFFFFFFFF, v16;
	v16 =	vimm.s32 $0x0  }
0x12b: {  	v11 =	vsel vm4, $0xFFFFFFFF, v46;
	v8 =	vsel vm4, v43, v8;
	v7 =	vsel vm12, $0x23, v7  }
0x12c: {  	v8 =	vsel vm6, v6, v8;
	v6 =	vsel vm6, v43, v6;
	v2 =	vsel vm2, v13, v7  }
0x12d: {  	v13 =	vsel vm2, $0x23, v13;
	v43 =	vimm.s32 $0x0;
	vm4 =	vgt.f32 v44, v8  }
0x12e: {  	[tilespmem:$0x1FDD0] =	vst v11;
	vm10 =	vgt.f32 v44, v6;
	v56 =	vsel vm14, $0x24, v2;
	v2 =	vsel vm0, $0x38, v3  }
0x12f: {  	v59 =	vld [tilespmem:$0x1FDD0];
	v9 =	vsel vm4, $0xFFFFFFFF, v49;
	v8 =	vsel vm4, v44, v8;
	v3 =	vsel vm8, v13, v56  }
0x130: {  	v13 =	vsel vm8, $0x24, v13;
	v56 =	vimm.s32 $0x0;
	v8 =	vsel vm10, v6, v8  }
0x131: {  	v6 =	vsel vm10, v44, v6;
	v3 =	vsel vm5, $0x25, v3;
	vm1 =	vgt.f32 v47, v8  }
0x132: {  	[tilespmem:$0x1FDE0] =	vst v9;
	vm4 =	vgt.f32 v47, v6;
	v3 =	vsel vm9, v13, v3;
	v8 =	vsel vm1, v47, v8  }
0x133: {  	v13 =	vsel vm9, $0x25, v13;
	v61 =	vld [tilespmem:$0x1FDE0];
	v8 =	vsel vm4, v6, v8;
	v6 =	vsel vm4, v47, v6  }
0x134: {  	vm9 =	vnez.u8 v59;
	v47 =	vimm.s32 $0x0;
	v59 =	vimm.s32 $0x0  }
0x135: {  	s8 =	rddreg [dreg:$0x16];
	vm13 =	vgt.f32 v50, v8;
	vm3 =	vgt.f32 v50, v6;
	v3 =	vsel vm9, $0x26, v3  }
0x136: {  	s10 =	sor.u32 s20, s8;
	vm9 =	vgt.f32 v54, v4;
	v8 =	vsel vm13, v50, v8;
	v3 =	vsel vm6, v13, v3  }
0x137: {  	s25 =	sor.u32 $0x3900, s18;
	v52 =	vld [tilespmem:s10+$0x0];
	v13 =	vsel vm6, $0x26, v13;
	v4 =	vsel vm9, v54, v4;
	v53 =	vsel vm3, v6, v8  }
0x138: {  	s12 =	rddreg [dreg:$0x9];
	s26 =	sor.u32 s17, s25;
	v6 =	vsel vm3, v50, v6;
	vm12 =	vnez.u8 v61;
	v4 =	vsel vm11, v12, v4  }
0x139: {  	s7 =	sor.u32 s20, s12;
	v21 =	vld [tilespmem:s26+$0x0];
	v8 =	vsel vm11, v54, v12;
	v50 =	vimm.s32 $0x0;
	vm15 =	vgt.f32 v51, v53  }
0x13a: {  	v55 =	vld [tilespmem:s7+$0x0];
	vm7 =	vgt.f32 v51, v6;
	v3 =	vsel vm12, $0x27, v3;
	v7 =	vsel vm15, v51, v53  }
0x13b: {  	s13 =	rddreg [dreg:$0xa];
	v54 =	vimm.s32 $0x0;
	v3 =	vsel vm10, v13, v3;
	v7 =	vsel vm7, v6, v7  }
0x13c: {  	s7 =	sor.u32 s20, s13;
	v13 =	vsel vm10, $0x27, v13;
	v6 =	vsel vm7, v51, v6;
	vm14 =	vgt.f32 v52, v7  }
0x13d: {  	v57 =	vld [tilespmem:s7+$0x0];
	v3 =	vsel vm1, $0x28, v3;
	vm5 =	vgt.f32 v52, v6;
	v7 =	vsel vm14, v52, v7  }
0x13e: {  	s14 =	rddreg [dreg:$0xb];
	vm11 =	vgt.f32 v21, v8;
	v3 =	vsel vm4, v13, v3;
	v7 =	vsel vm5, v6, v7  }
0x13f: {  	s7 =	sor.u32 s20, s14;
	v13 =	vsel vm4, $0x28, v13;
	v6 =	vsel vm5, v52, v6;
	vm8 =	vgt.f32 v55, v7  }
0x140: {  	v58 =	vld [tilespmem:s7+$0x0];
	v18 =	vsel vm13, $0x29, v3;
	vm2 =	vgt.f32 v55, v6;
	v7 =	vsel vm8, v55, v7  }
0x141: {  	s19 =	rddreg [dreg:$0xc];
	v3 =	vimm.s32 $0x0;
	v20 =	vsel vm3, v13, v18;
	v7 =	vsel vm2, v6, v7  }
0x142: {  	s7 =	sor.u32 s20, s19;
	v13 =	vsel vm3, $0x29, v13;
	v6 =	vsel vm2, v55, v6;
	vm6 =	vgt.f32 v57, v7  }
0x143: {  	v60 =	vld [tilespmem:s7+$0x0];
	v52 =	vimm.s32 $0x0;
	vm0 =	vgt.f32 v57, v6;
	v7 =	vsel vm6, v57, v7  }
0x144: {  	s22 =	rddreg [dreg:$0xd];
	v18 =	vimm.s32 $0x0;
	v24 =	vsel vm7, $0x2A, v13;
	v7 =	vsel vm0, v6, v7  }
0x145: {  	s7 =	sor.u32 s20, s22;
	v12 =	vsel vm5, $0x2B, v24;
	v6 =	vsel vm0, v57, v6;
	vm10 =	vgt.f32 v58, v7  }
0x146: {  	v63 =	vld [tilespmem:s7+$0x0];
	vm12 =	vgt.f32 v58, v6;
	v10 =	vsel vm10, $0xFFFFFFFF, v62;
	v7 =	vsel vm10, v58, v7  }
0x147: {  	vm4 =	vmmov vm12;
	v7 =	vsel vm12, v6, v7;
	v6 =	vsel vm12, v58, v6  }
0x148: {  	v62 =	vimm.s32 $0x0;
	vm10 =	vgt.f32 v60, v7;
	vm12 =	vgt.f32 v60, v6  }
0x149: {  	s23 =	rddreg [dreg:$0xe];
	v58 =	vimm.s32 $0x0;
	v3 =	vsel vm12, $0xFFFFFFFF, v3;
	v7 =	vsel vm10, v60, v7  }
0x14a: {  	s24 =	sor.u32 s20, s23;
	v11 =	vsel vm10, $0xFFFFFFFF, v17;
	[tilespmem:$0x1FE10] =	vst v3;
	v3 =	vsel vm9, $0x39, v5;
	v7 =	vsel vm12, v6, v7  }
0x14b: {  	v19 =	vld [tilespmem:s24+$0x0];
	v6 =	vsel vm12, v60, v6;
	v5 =	vsel vm15, $0x2A, v20;
	vm13 =	vgt.f32 v63, v7  }
0x14c: {  	s29 =	sor.u32 $0x3980, s18;
	vm1 =	vgt.f32 v63, v6;
	v5 =	vsel vm7, v13, v5;
	v13 =	vsel vm11, $0xFFFFFFFF, v28  }
0x14d: {  	s30 =	sor.u32 s17, s29;
	v9 =	vsel vm13, $0xFFFFFFFF, v22;
	v15 =	vsel vm1, $0xFFFFFFFF, v15;
	v7 =	vsel vm13, v63, v7  }
0x14e: {  	v33 =	vld [tilespmem:s30+$0x0];
	v5 =	vsel vm14, $0x2B, v5;
	vm14 =	vgt.f32 v21, v4;
	v7 =	vsel vm1, v6, v7  }
0x14f: {  	s28 =	sor.u32 s20, s21;
	v6 =	vsel vm1, v63, v6;
	v5 =	vsel vm5, v24, v5;
	v4 =	vsel vm14, v21, v4  }
0x150: {  	v23 =	vld [tilespmem:s28+$0x0];
	vm9 =	vgt.f32 v19, v7;
	vm10 =	vgt.f32 v19, v6;
	v5 =	vsel vm8, $0x2C, v5  }
0x151: {  	[tilespmem:$0x1FDF0] =	vst v10;
	v4 =	vsel vm11, v8, v4;
	v8 =	vsel vm11, v21, v8;
	v10 =	vsel vm9, $0xFFFFFFFF, v25  }
0x152: {  	s31 =	sor.u32 $0x3A00, s18;
	v17 =	vld [tilespmem:$0x1FE10];
	v7 =	vsel vm9, v19, v7;
	v5 =	vsel vm2, v12, v5;
	v12 =	vsel vm2, $0x2C, v12  }
0x153: {  	s8 =	sor.u32 s17, s31;
	vm8 =	vgt.f32 v33, v4;
	vm9 =	vgt.f32 v33, v8;
	[tilespmem:$0x1FE40] =	vst v10;
	v10 =	vsel vm10, $0xFFFFFFFF, v26  }
0x154: {  	v37 =	vld [tilespmem:s8+$0x0];
	v7 =	vsel vm10, v6, v7;
	v6 =	vsel vm10, v19, v6;
	v5 =	vsel vm6, $0x2D, v5  }
0x155: {  	s1 =	sor.u32 s20, s1;
	[tilespmem:$0x1FE00] =	vst v11;
	v11 =	vsel vm8, $0xFFFFFFFF, v40;
	v4 =	vsel vm8, v33, v4;
	vm12 =	vgt.f32 v23, v7  }
0x156: {  	v27 =	vld [tilespmem:s1+$0x0];
	vm13 =	vgt.f32 v23, v6;
	v4 =	vsel vm9, v8, v4;
	v8 =	vsel vm9, v33, v8  }
0x157: {  	[tilespmem:$0x1FEB0] =	vst v14;
	v5 =	vsel vm0, v12, v5;
	v12 =	vsel vm0, $0x2D, v12;
	vm0 =	vnez.u8 v17  }
0x158: {  	s0 =	sor.u32 s20, s0;
	s11 =	sor.u32 $0x3A80, s18;
	[tilespmem:$0x1FF00] =	vst v13;
	v13 =	vsel vm12, $0xFFFFFFFF, v29;
	v14 =	vsel vm13, $0xFFFFFFFF, v31;
	v7 =	vsel vm12, v23, v7  }
0x159: {  	s13 =	sor.u32 s17, s11;
	v30 =	vld [tilespmem:s0+$0x0];
	vm11 =	vgt.f32 v37, v4;
	[tilespmem:$0x1FE70] =	vst v14;
	v14 =	vsel vm14, $0xFFFFFFFF, v32;
	v7 =	vsel vm13, v6, v7  }
0x15a: {  	v46 =	vld [tilespmem:s13+$0x0];
	[tilespmem:$0x1FE60] =	vst v13;
	v6 =	vsel vm13, v23, v6;
	v13 =	vsel vm11, $0xFFFFFFFF, v45;
	v4 =	vsel vm11, v37, v4  }
0x15b: {  	[tilespmem:$0x1FE20] =	vst v9;
	v23 =	vimm.s32 $0x0;
	vm15 =	vgt.f32 v27, v7;
	vm5 =	vgt.f32 v27, v6  }
0x15c: {  	s2 =	sor.u32 s20, s2;
	[tilespmem:$0x1FE30] =	vst v15;
	v9 =	vsel vm15, $0xFFFFFFFF, v34;
	v7 =	vsel vm15, v27, v7;
	v15 =	vsel vm5, $0xFFFFFFFF, v36  }
0x15d: {  	v35 =	vld [tilespmem:s2+$0x0];
	vm15 =	vgt.f32 v37, v8;
	v7 =	vsel vm5, v6, v7;
	v6 =	vsel vm5, v27, v6  }
0x15e: {  	v4 =	vsel vm15, v8, v4;
	v8 =	vsel vm15, v37, v8;
	v27 =	vimm.s32 $0x0  }
0x15f: {  	s10 =	sor.u32 s20, s3;
	s14 =	sor.u32 $0x3B00, s18;
	[tilespmem:$0x1FE50] =	vst v10;
	vm7 =	vgt.f32 v30, v7;
	vm2 =	vgt.f32 v30, v6;
	vm11 =	vgt.f32 v46, v8  }
0x160: {  	s21 =	sor.u32 s17, s14;
	v39 =	vld [tilespmem:s10+$0x0];
	[tilespmem:$0x1FF10] =	vst v11;
	v10 =	vsel vm7, $0xFFFFFFFF, v38;
	v7 =	vsel vm7, v30, v7;
	v11 =	vsel vm2, $0xFFFFFFFF, v41  }
0x161: {  	v49 =	vld [tilespmem:s21+$0x0];
	vm7 =	vgt.f32 v46, v4;
	[tilespmem:$0x1FEC0] =	vst v11;
	v7 =	vsel vm2, v6, v7;
	v11 =	vsel vm9, $0xFFFFFFFF, v42  }
0x162: {  	s12 =	sor.u32 s20, s4;
	[tilespmem:$0x1FE90] =	vst v15;
	v6 =	vsel vm2, v30, v6;
	v15 =	vsel vm7, $0xFFFFFFFF, v52;
	vm10 =	vgt.f32 v35, v7  }
0x163: {  	v44 =	vld [tilespmem:s12+$0x0];
	v4 =	vsel vm7, v46, v4;
	vm14 =	vgt.f32 v35, v6;
	v7 =	vsel vm10, v35, v7  }
0x164: {  	v4 =	vsel vm11, v8, v4;
	v8 =	vsel vm11, v46, v8;
	v7 =	vsel vm14, v6, v7  }
0x165: {  	s23 =	sor.u32 $0x3B80, s18;
	s19 =	sor.u32 s20, s5;
	[tilespmem:$0x1FF60] =	vst v15;
	v15 =	vimm.s32 $0x0;
	v6 =	vsel vm14, v35, v6;
	vm5 =	vgt.f32 v39, v7  }
0x166: {  	s24 =	sor.u32 s17, s23;
	v48 =	vld [tilespmem:s19+$0x0];
	vm12 =	vgt.f32 v49, v4;
	vm13 =	vgt.f32 v39, v6;
	v7 =	vsel vm5, v39, v7  }
0x167: {  	v53 =	vld [tilespmem:s24+$0x0];
	[tilespmem:$0x1FF30] =	vst v11;
	v11 =	vsel vm10, $0xFFFFFFFF, v43;
	v16 =	vsel vm12, $0xFFFFFFFF, v16;
	v7 =	vsel vm13, v6, v7  }
0x168: {  	s22 =	sor.u32 s20, s6;
	v4 =	vsel vm12, v49, v4;
	v6 =	vsel vm13, v39, v6;
	vm6 =	vgt.f32 v44, v7  }
0x169: {  	v51 =	vld [tilespmem:s22+$0x0];
	vm12 =	vgt.f32 v49, v8;
	vm9 =	vgt.f32 v44, v6;
	v7 =	vsel vm6, v44, v7  }
0x16a: {  	v4 =	vsel vm12, v8, v4;
	v8 =	vsel vm12, v49, v8;
	v7 =	vsel vm9, v6, v7  }
0x16b: {  	s25 =	sor.u32 s20, s25;
	v61 =	vld [tilespmem:$0x1FDF0];
	[tilespmem:$0x1FEA0] =	vst v10;
	v10 =	vsel vm6, $0xFFFFFFFF, v50;
	v6 =	vsel vm9, v44, v6;
	vm10 =	vgt.f32 v48, v7  }
0x16c: {  	v55 =	vld [tilespmem:s25+$0x0];
	[tilespmem:$0x1FF40] =	vst v13;
	vm6 =	vgt.f32 v53, v4;
	vm8 =	vgt.f32 v48, v6;
	v7 =	vsel vm10, v48, v7  }
0x16d: {  	[tilespmem:$0x1FE80] =	vst v9;
	v9 =	vsel vm5, $0xFFFFFFFF, v47;
	v13 =	vsel vm6, $0xFFFFFFFF, v58;
	v7 =	vsel vm8, v6, v7  }
0x16e: {  	[tilespmem:$0x1FEE0] =	vst v14;
	v14 =	vld [tilespmem:$0x1FE00];
	v4 =	vsel vm6, v53, v4;
	v6 =	vsel vm8, v48, v6;
	vm5 =	vgt.f32 v51, v7  }
0x16f: {  	s1 =	sor.u32 s20, s29;
	[tilespmem:$0x1FED0] =	vst v11;
	v11 =	vsel vm10, $0xFFFFFFFF, v54;
	vm7 =	vgt.f32 v51, v6;
	v7 =	vsel vm5, v51, v7  }
0x170: {  	v57 =	vld [tilespmem:s1+$0x0];
	[tilespmem:$0x1FEF0] =	vst v9;
	v9 =	vsel vm5, $0xFFFFFFFF, v56;
	vm5 =	vnez.u8 v61;
	v7 =	vsel vm7, v6, v7  }
0x171: {  	v6 =	vsel vm7, v51, v6;
	v5 =	vsel vm5, $0x2E, v5;
	vm10 =	vgt.f32 v55, v7  }
0x172: {  	s0 =	sor.u32 s20, s31;
	vm6 =	vgt.f32 v55, v6;
	v5 =	vsel vm4, v12, v5;
	v12 =	vsel vm4, $0x2E, v12  }
0x173: {  	v60 =	vld [tilespmem:s0+$0x0];
	[tilespmem:$0x1FF20] =	vst v10;
	vm4 =	vnez.u8 v14;
	v10 =	vsel vm10, $0xFFFFFFFF, v59;
	v7 =	vsel vm10, v55, v7  }
0x174: {  	s26 =	sor.u32 s20, s11;
	vm10 =	vgt.f32 v53, v8;
	v5 =	vsel vm4, $0x2F, v5;
	v7 =	vsel vm6, v6, v7  }
0x175: {  	v63 =	vld [tilespmem:s26+$0x0];
	[tilespmem:$0x1FF70] =	vst v9;
	v9 =	vsel vm0, $0x2F, v12;
	v6 =	vsel vm6, v55, v6;
	vm5 =	vgt.f32 v57, v7  }
0x176: {  	v19 =	vld [tilespmem:$0x1FE20];
	[tilespmem:$0x1FF50] =	vst v11;
	v11 =	vsel vm5, $0xFFFFFFFF, v62;
	v7 =	vsel vm5, v57, v7;
	vm5 =	vgt.f32 v57, v6  }
0x177: {  	v4 =	vsel vm10, v8, v4;
	v8 =	vsel vm10, v53, v8;
	v7 =	vsel vm5, v6, v7  }
0x178: {  	v4 =	vsub.f32 v4, v8;
	v6 =	vsel vm5, v57, v6;
	vm4 =	vgt.f32 v60, v7  }
0x179: {  	v21 =	vld [tilespmem:$0x1FE30];
	v8 =	vsel vm4, $0xFFFFFFFF, v15;
	v7 =	vsel vm4, v60, v7;
	vm4 =	vgt.f32 v60, v6  }
0x17a: {  	s28 =	sor.u32 s20, s14;
	v22 =	vld [tilespmem:$0x1FE40];
	v5 =	vsel vm0, v12, v5;
	v4 =	vmul.f32 $1.442695020e+00, v4;
	v7 =	vsel vm4, v6, v7  }
0x17b: {  	[tilespmem:$0x1FF80] =	vst v16;
	v16 =	vld [tilespmem:s28+$0x0];
	vm0 =	vnez.u8 v19;
	v53 =	vmov s16;
	vm1 =	vgt.f32 v63, v7  }
0x17c: {  	v24 =	vld [tilespmem:$0x1FE50];
	(erf) = vpow2.f32 v4;
	v6 =	vsel vm4, v60, v6;
	v4 =	vsel vm1, $0xFFFFFFFF, v18  }
0x17d: {  	s30 =	sor.u32 s20, s23;
	v25 =	vld [tilespmem:$0x1FE60];
	vm3 =	vgt.f32 v63, v6;
	v7 =	vsel vm1, v63, v7;
	[tilespmem:$0x1FFD0] =	vst v4;
	v4 =	vsel vm0, $0x30, v5  }
0x17e: {  	v20 =	vld [tilespmem:s30+$0x0];
	vm0 =	vnez.u8 v21;
	v7 =	vsel vm3, v6, v7;
	v6 =	vsel vm3, v63, v6  }
0x17f: {  	v26 =	vld [tilespmem:$0x1FE70];
	v4 =	vsel vm0, v9, v4;
	v9 =	vsel vm0, $0x30, v9;
	vm0 =	vnez.u8 v22  }
0x180: {  	vm1 =	vgt.f32 v16, v7;
	vm2 =	vgt.f32 v16, v6;
	v4 =	vsel vm0, $0x31, v4  }
0x181: {  	v29 =	vld [tilespmem:$0x1FE80];
	[tilespmem:$0x1FF90] =	vst v10;
	v10 =	vsel vm1, $0xFFFFFFFF, v23;
	vm0 =	vnez.u8 v24;
	v7 =	vsel vm1, v16, v7  }
0x182: {  	v4 =	vsel vm0, v9, v4;
	v9 =	vsel vm0, $0x31, v9;
	vm0 =	vnez.u8 v25  }
0x183: {  	v30 =	vld [tilespmem:$0x1FE90];
	[tilespmem:$0x1FFE0] =	vst v10;
	v7 =	vsel vm2, v6, v7;
	v6 =	vsel vm2, v16, v6;
	v10 =	vshll.u32 v53, $0x7  }
0x184: {  	v32 =	vld [tilespmem:$0x1FEA0];
	v4 =	vsel vm0, $0x32, v4;
	vm0 =	vnez.u8 v26;
	vm1 =	vgt.f32 v20, v7  }
0x185: {  	v33 =	vld [tilespmem:$0x1FEB0];
	[tilespmem:$0x1FFC0] =	vst v8;
	v4 =	vsel vm0, v9, v4;
	v8 =	vsel vm1, $0xFFFFFFFF, v27;
	v28 =	vsel vm0, $0x32, v9  }
0x186: {  	v40 =	vld [tilespmem:$0x1FF00];
	v7 =	vsel vm1, v20, v7;
	vm1 =	vgt.f32 v20, v6;
	vm0 =	vnez.u8 v29  }
0x187: {  	v35 =	vld [tilespmem:$0x1FEC0];
	v10 =	vor.u32 v1, v10;
	v31 =	vpop (erf);
	v4 =	vsel vm0, $0x33, v4;
	v7 =	vsel vm1, v6, v7  }
0x188: {  	v36 =	vld [tilespmem:$0x1FED0];
	v5 =	vsel vm1, v20, v6;
	vm0 =	vnez.u8 v30;
	v34 =	vadd.f32 $1.000000000e+00, v31  }
0x189: {  	v37 =	vld [tilespmem:$0x1FEE0];
	v4 =	vsel vm0, v28, v4;
	v6 =	vsel vm0, $0x33, v28;
	vm0 =	vnez.u8 v32  }
0x18a: {  	v39 =	vld [tilespmem:$0x1FEF0];
	v5 =	vsub.f32 v7, v5;
	v4 =	vsel vm0, $0x34, v4;
	vm0 =	vnez.u8 v33  }
0x18b: {  	v41 =	vld [tilespmem:$0x1FF10];
	v56 =	vor.u32 $0x1, v10;
	(erf) = vrcp.f32 v34;
	v3 =	vsel vm0, v2, v3  }
0x18c: {  	v43 =	vld [tilespmem:$0x1FF30];
	v2 =	vsel vm0, $0x39, v2;
	vm0 =	vnez.u8 v35;
	v5 =	vmul.f32 $1.442695020e+00, v5  }
0x18d: {  	v42 =	vld [tilespmem:$0x1FF20];
	v4 =	vsel vm0, v6, v4;
	v6 =	vsel vm0, $0x34, v6;
	vm0 =	vnez.u8 v36  }
0x18e: {  	v46 =	vld [tilespmem:$0x1FF60];
	v4 =	vsel vm0, $0x35, v4;
	vm0 =	vnez.u8 v37;
	(erf) = vpow2.f32 v5  }
0x18f: {  	v44 =	vld [tilespmem:$0x1FF40];
	v38 =	vsel vm14, $0x35, v6;
	v4 =	vsel vm14, v6, v4;
	vm14 =	vnez.u8 v39  }
0x190: {  	v45 =	vld [tilespmem:$0x1FF50];
	v3 =	vsel vm0, $0x3A, v3;
	v4 =	vsel vm14, $0x36, v4;
	vm14 =	vnez.u8 v40  }
0x191: {  	v47 =	vld [tilespmem:$0x1FF70];
	v3 =	vsel vm14, v2, v3;
	v2 =	vsel vm14, $0x3A, v2;
	vm14 =	vnez.u8 v41  }
0x192: {  	v48 =	vld [tilespmem:$0x1FF80];
	[tilespmem:$0x1FFA0] =	vst v11;
	v4 =	vsel vm13, v38, v4;
	v3 =	vsel vm14, $0x3B, v3;
	vm14 =	vnez.u8 v42  }
0x193: {  	v55 =	vld [tilespmem:$0x1FFA0];
	v5 =	vsel vm13, $0x36, v38;
	vm13 =	vnez.u8 v43;
	v4 =	vsel vm14, $0x37, v4  }
0x194: {  	v51 =	vld [tilespmem:$0x1FF90];
	v3 =	vsel vm13, v2, v3;
	v2 =	vsel vm13, $0x3B, v2;
	vm14 =	vnez.u8 v44  }
0x195: {  	[tilespmem:$0x1FFB0] =	vst v13;
	vm13 =	vnez.u8 v46;
	v3 =	vsel vm14, $0x3C, v3;
	v4 =	vsel vm9, v5, v4  }
0x196: {  	v57 =	vld [tilespmem:$0x1FFB0];
	v5 =	vsel vm9, $0x37, v5;
	vm9 =	vnez.u8 v45;
	vm14 =	vnez.u8 v47  }
0x197: {  	v4 =	vsel vm9, $0x38, v4;
	v3 =	vsel vm15, v2, v3;
	v2 =	vsel vm15, $0x3C, v2  }
0x198: {  	vm15 =	vnez.u8 v48;
	vm9 =	vnez.u8 v55;
	v3 =	vsel vm13, $0x3D, v3  }
0x199: {  	v4 =	vsel vm8, v5, v4;
	v5 =	vsel vm8, $0x38, v5;
	vm8 =	vnez.u8 v51  }
0x19a: {  	v4 =	vsel vm14, $0x39, v4;
	v3 =	vsel vm11, v2, v3;
	v2 =	vsel vm11, $0x3D, v2  }
0x19b: {  	v58 =	vld [tilespmem:$0x1FFC0];
	vm11 =	vnez.u8 v57;
	v3 =	vsel vm15, $0x3E, v3;
	v4 =	vsel vm7, v5, v4  }
0x19c: {  	v49 =	vpop (erf);
	v5 =	vsel vm7, $0x39, v5;
	v3 =	vsel vm12, v2, v3;
	v2 =	vsel vm12, $0x3E, v2  }
0x19d: {  	s1 =	simm.s32 $0x4000;
	v59 =	vld [tilespmem:$0x1FFD0];
	v52 =	vpop (erf);
	v4 =	vsel vm8, $0x3A, v4;
	v3 =	vsel vm11, $0x3F, v3;
	v60 =	vsel vm10, $0x3F, v2  }
0x19e: {  	v54 =	vadd.f32 $1.000000000e+00, v52;
	v4 =	vsel vm6, v5, v4;
	v2 =	vsel vm10, v2, v3;
	[tilespmem:v10+s1+$0x0] =	vst.idx.msk $0xffff, v60  }
0x19f: {  	v5 =	vsel vm6, $0x3A, v5;
	v4 =	vsel vm9, $0x3B, v4;
	[tilespmem:v56+s1+$0x0] =	vst.idx.msk $0xffff, v2;
	v2 =	vld [tilespmem:$0x1FFE0]  }
0x1a0: {  	vm12 =	vnez.u8 v58;
	(erf) = vrcp.f32 v54;
	v4 =	vsel vm5, v5, v4  }
0x1a1: {  	s31 =	rddreg [dreg:$0x8];
	[tilespmem:$0x1FFF0] =	vst v8;
	v5 =	vsel vm5, $0x3B, v5;
	v4 =	vsel vm12, $0x3C, v4  }
0x1a2: {  	v50 =	vmov s31;
	v62 =	vld [tilespmem:$0x1FFF0];
	vm13 =	vnez.u8 v59;
	v4 =	vsel vm4, v5, v4  }
0x1a3: {  	v8 =	vshll.u32 v50, $0x7;
	v5 =	vsel vm4, $0x3C, v5;
	v4 =	vsel vm13, $0x3D, v4  }
0x1a4: {  	v8 =	vor.u32 v1, v8;
	v3 =	vsel vm3, v5, v4;
	vm14 =	vnez.u8 v2  }
0x1a5: {  	v61 =	vor.u32 $0x1, v8;
	v2 =	vsel vm14, $0x3E, v3;
	v3 =	vmul.f32 v49, v31  }
0x1a6: {  	s2 =	simm.s32 $0xC000;
	v5 =	vsel vm3, $0x3D, v5  }
0x1a7: {  	p0 =	sne.s32 s16, $0xE0;
	vm15 =	vnez.u8 v62;
	[tilespmem:v10+s2+$0x0] =	vst.idx.msk $0xffff, v49;
	v2 =	vsel vm2, v5, v2;
	v5 =	vsel vm2, $0x3E, v5  }
.Ltmp0:
0x1a8: {  	v2 =	vsel vm15, $0x3F, v2;
	v63 =	vsel vm1, $0x3F, v5;
	[tilespmem:v56+s2+$0x0] =	vst.idx.msk $0xffff, v3;
	(pc) =	sbr.rel @p0 .LBB2_2-.Ltmp0, $4  }
0x1a9: {  	v2 =	vsel vm1, v5, v2;
	[tilespmem:v8+s1+$0x0] =	vst.idx.msk $0xffff, v63;
	v3 =	vpop (erf)  }
0x1aa: {  	[tilespmem:v61+s1+$0x0] =	vst.idx.msk $0xffff, v2;
	v2 =	vmul.f32 v3, v52  }
0x1ab: {  	s9 =	sadd.s32 $0x2, s9;
	s29 =	rddreg [dreg:$0x7];
	[tilespmem:v8+s2+$0x0] =	vst.idx.msk $0xffff, v3  }
0x1ac: {  	s15 =	sadd.s32 $0x100, s15;
	s3 =	sadd.s32 $0x1, s29;
	s16 =	sadd.s32 $0x20, s16;
	[tilespmem:v61+s2+$0x0] =	vst.idx.msk $0xffff, v2  }
0x1ad: {  	s5 =	simm.s32 $0x0;
	s0 =	rddreg [dreg:$0x3];
	s3 =	simm.s32 $0x1  }
0x1ae: {  	[hbm4b:s0+s5] =	stream.linear.scatter [tilespmem:s1], [sflag:$0x1], $0x8000, $0x38;
	[tilespmem:$0x14000] =	vst v63  }
0x1af: {  	_ =	swait.ge [sflag:s3], $0x8000  }
0x1b0: {  	[sflag:s3] =	ssyncset.done $0x0  }
0x1b1: {  	s29 =	rddreg [dreg:$0x4];
	[sflag:s3] =	ssyncadd.s32 $0xFFFF8000  }
0x1b2: {  	[hbm4b:s29+s5] =	stream.linear.scatter [tilespmem:s2], [sflag:$0x1], $0x8000, $0x38;
	[tilespmem:$0x14000] =	vst v63  }
0x1b3: {  	_ =	swait.ge [sflag:s3], $0x8000  }
0x1b4: {  	s30 =	rddreg [dreg:$0x6]  }
0x1b5: {  	s31 =	rddreg [dreg:$0x5];
	s1 =	sadd.s32 $0x1, s30  }
0x1b6: {  	p0 =	sne.s32 s1, s31  }
.Ltmp1:
0x1b7: {  	_ = 	snop;
	(pc) =	sbr.rel @p0 .LBB2_1-.Ltmp1, $3  }
0x1b8: {  	_ =	sdelay $0x1  }
0x1b9: {  	[sflag:s3] =	ssyncset.done $0x0  }
0x1ba: {  	[sflag:s3] =	ssyncadd.s32 $0xFFFF8000  }
0x1bb: {  	_ =	sfence.sel $0x180000  }
0x1bc: {  	[bflag:$0x0] =	sbarrier.arrive $0xFFFF  }
0x1bd: {  	_ =	strace $0x90000047  }
0x1be: {  	s0 =	stileid.u32;
	[bflag:$0x2] =	sbarrier.arrive $0xFFFF  }
0x1bf: {  	p0 =	sne.s32 s0, $0x0;
	s0 =	rddreg [dreg:$0x1]  }
0x1c0: {  	s0 =	sadd.s32 @!p0 $0x100000, s0  }
0x1c1: {  	[sflag:s0] =	ssyncadd.tile.s32 @!p0 $0x1;
	_ =	shalt  }
.Lfunc_end2:
_tile_overlayer_lowered:
.L_overlay_start_2:
0x1c2: {  	(tag) =	ssettag $0x2  }
0x1c3: {  	s0 =	rddreg [dreg:$0x0];
	s2 =	stileid.u32  }
0x1c4: {  	s1 =	rddreg [dreg:$0x1];
	p0 =	sne.s32 s2, $0x0  }
0x1c5: {  	s3 =	rddreg [dreg:$0x2];
	[bflag:$0x3] =	sbarrier.arrive $0xFFFF;
	s2 =	simm.s32 @!p0 $0x1C01  }
0x1c6: {  	[timem:s3], [sflag:s2] =	dma.local @!p0 [hbm:s0], s1  }
0x1c7: {  	s0 =	simm.s32 @!p0 $0x1  }
0x1c8: {  	_ =	swait.ge @!p0 [sflag:s0], s1  }
0x1c9: {  	s1 =	ssub.s32 @!p0 $0x0, s1;
	[sflag:s0] =	ssyncset.done @!p0 $0x0  }
0x1ca: {  	[sflag:s0] =	ssyncadd.s32 @!p0 s1  }
0x1cb: {  	[bflag:$0x3] =	sbarrier.arrive $0xFFFF  }
0x1cc: {  	_ =	shalt  }

</sc_bundles>
